<compile_context>
chip_gen: v7x
topology: tpu7x:2x2x1
jax: 0.10.2.dev20260603
libtpu: 0.0.44.dev20260713+nightly
codegen_flags: <defaults>
</compile_context>

<pallas_src>
import functools

import jax
import jax.numpy as jnp
from jax import lax
from jax.experimental import pallas as pl
from jax.experimental.pallas import tpu as pltpu
from jax.experimental.pallas import tpu_sc as plsc

N_NODES = 10000
N_EDGES = 320000
D = 128
DP = D // 2

NC = 2
NS = 16
L = 16
NW = NC * NS
PER_W = N_EDGES // NW
CHUNK = 128
N_FULL = PER_W // CHUNK
TAIL = PER_W - N_FULL * CHUNK
TAIL_OFF = N_FULL * CHUNK
KU = 4

RBLK = 80
NBLK = N_NODES // RBLK

_SC_PARAMS = pltpu.CompilerParams(
    needs_layout_passes=False, use_tc_tiling_on_sc=False)
_MESH = dict(core_axis_name="c", subcore_axis_name="s")


def _prep_body(emb_hbm, ds_hbm, a_hbm, b_hbm, xbuf, dsv, apk, bpk,
               insem, outsem):
    wid = lax.axis_index("s") * NC + lax.axis_index("c")
    pltpu.sync_copy(ds_hbm, dsv)
    lane = lax.iota(jnp.int32, L)
    nblk = (NBLK - wid + NW - 1) // NW
    MAXB = (NBLK + NW - 1) // NW

    for i in range(MAXB):
        @pl.when(i < nblk)
        def _():
            pltpu.async_copy(
                emb_hbm.at[pl.ds((wid + i * NW) * RBLK, RBLK)],
                xbuf.at[pl.ds(i * RBLK, RBLK)], insem)
    for i in range(MAXB):
        @pl.when(i < nblk)
        def _():
            pltpu.make_async_copy(
                emb_hbm.at[pl.ds(0, RBLK)],
                xbuf.at[pl.ds(i * RBLK, RBLK)], insem).wait()

    def block_body(i, carry):
        row0 = (wid + i * NW) * RBLK
        rbase = i * RBLK
        for g in range(RBLK // L):
            rows = jnp.full((L,), g * L, jnp.int32) + rbase + lane

            def nbody(kk, carry):
                col, s2 = carry
                for _ in range(KU):
                    v = plsc.load_gather(xbuf, [rows, col])
                    s2 = s2 + v * v
                    col = (col + 1) & (D - 1)
                return col, s2

            _, s2 = lax.fori_loop(0, D // KU, nbody,
                                  (lane, jnp.zeros((L,), jnp.float32)))

            yi = jnp.full((L,), 0x5F3759DF, jnp.int32) - lax.shift_right_arithmetic(
                plsc.bitcast(s2, jnp.int32), 1)
            y = plsc.bitcast(yi, jnp.float32)
            half_s2 = 0.5 * s2
            for _ in range(4):
                y = y * (1.5 - half_s2 * y * y)

            def pbody(pp, col):
                for _ in range(KU // 2):
                    ce = col * 2
                    co = ce + 1
                    e = plsc.load_gather(xbuf, [rows, ce]) * y
                    o = plsc.load_gather(xbuf, [rows, co]) * y
                    b_pk = plsc.bitcast(
                        plsc.pack(e, o, format=plsc.PackFormat.INTERLEAVED),
                        jnp.int32)
                    dse = plsc.load_gather(dsv, [ce])
                    dso = plsc.load_gather(dsv, [co])
                    a_pk = plsc.bitcast(
                        plsc.pack(e * dse, o * dso,
                                  format=plsc.PackFormat.INTERLEAVED),
                        jnp.int32)
                    plsc.store_scatter(bpk, [rows, col], b_pk)
                    plsc.store_scatter(apk, [rows, col], a_pk)
                    col = (col + 1) & (DP - 1)
                return col

            lax.fori_loop(0, DP // (KU // 2), pbody, lane)
        pltpu.async_copy(apk.at[pl.ds(rbase, RBLK)],
                         a_hbm.at[pl.ds(row0, RBLK)], outsem)
        pltpu.async_copy(bpk.at[pl.ds(rbase, RBLK)],
                         b_hbm.at[pl.ds(row0, RBLK)], outsem)
        return carry

    lax.fori_loop(0, nblk, block_body, 0)
    for i in range(MAXB):
        @pl.when(i < nblk)
        def _():
            pltpu.make_async_copy(apk.at[pl.ds(i * RBLK, RBLK)],
                                  a_hbm.at[pl.ds(0, RBLK)], outsem).wait()
            pltpu.make_async_copy(bpk.at[pl.ds(i * RBLK, RBLK)],
                                  b_hbm.at[pl.ds(0, RBLK)], outsem).wait()


@jax.jit
def _sc_prep(emb, ds):
    f = functools.partial(
        pl.kernel,
        mesh=plsc.VectorSubcoreMesh(**_MESH),
        compiler_params=_SC_PARAMS,
        out_type=[
            jax.ShapeDtypeStruct((N_NODES, DP), jnp.int32),
            jax.ShapeDtypeStruct((N_NODES, DP), jnp.int32),
        ],
        scratch_types=[
            pltpu.VMEM((4 * RBLK, D), jnp.float32),
            pltpu.VMEM((D,), jnp.float32),
            pltpu.VMEM((4 * RBLK, DP), jnp.int32),
            pltpu.VMEM((4 * RBLK, DP), jnp.int32),
            pltpu.SemaphoreType.DMA,
            pltpu.SemaphoreType.DMA,
        ],
    )(_prep_body)
    return f(emb, ds)


def _edge_dot_body(a_hbm, b_hbm, edge_hbm, out_hbm,
                   sidx, didx, arows0, brows0, arows1, brows1, z,
                   sem0, sem1):
    wid = lax.axis_index("s") * NC + lax.axis_index("c")
    base = wid * PER_W

    pltpu.sync_copy(edge_hbm.at[0, pl.ds(base, PER_W)], sidx)
    pltpu.sync_copy(edge_hbm.at[1, pl.ds(base, PER_W)], didx)

    bufs = ((arows0, brows0, sem0), (arows1, brows1, sem1))
    himask = jnp.full((L,), -65536, jnp.int32)

    def start(c, p):
        ar, br, sem = bufs[p]
        off = c * CHUNK
        pltpu.async_copy(a_hbm.at[sidx.at[pl.ds(off, CHUNK)]], ar, sem)
        pltpu.async_copy(b_hbm.at[didx.at[pl.ds(off, CHUNK)]], br, sem)

    def finish(c, p):
        ar, br, sem = bufs[p]
        pltpu.make_async_copy(a_hbm.at[pl.ds(0, CHUNK)], ar, sem).wait()
        pltpu.make_async_copy(b_hbm.at[pl.ds(0, CHUNK)], br, sem).wait()
        lane = lax.iota(jnp.int32, L)
        for g in range(CHUNK // L):
            rows = jnp.full((L,), g * L, jnp.int32) + lane

            def kbody(kk, carry):
                col, acc_e, acc_o = carry
                for _ in range(KU):
                    va = plsc.load_gather(ar, [rows, col])
                    vb = plsc.load_gather(br, [rows, col])
                    ae = plsc.bitcast(lax.shift_left(va, 16), jnp.float32)
                    be = plsc.bitcast(lax.shift_left(vb, 16), jnp.float32)
                    ao = plsc.bitcast(va & himask, jnp.float32)
                    bo = plsc.bitcast(vb & himask, jnp.float32)
                    acc_e = acc_e + ae * be
                    acc_o = acc_o + ao * bo
                    col = (col + 1) & (DP - 1)
                return col, acc_e, acc_o

            _, acc_e, acc_o = lax.fori_loop(
                0, DP // KU, kbody,
                (lane, jnp.zeros((L,), jnp.float32),
                 jnp.zeros((L,), jnp.float32)))
            z[pl.ds(c * CHUNK + g * L, L)] = acc_e + acc_o

    start(0, 0)

    def pair_body(i, carry):
        c = 2 * i
        start(c + 1, 1)
        finish(c, 0)
        start(c + 2, 0)
        finish(c + 1, 1)
        return carry

    lax.fori_loop(0, (N_FULL - 2) // 2, pair_body, 0)
    start(N_FULL - 1, 1)
    finish(N_FULL - 2, 0)

    art = arows0.at[pl.ds(0, TAIL)]
    brt = brows0.at[pl.ds(0, TAIL)]
    pltpu.async_copy(a_hbm.at[sidx.at[pl.ds(TAIL_OFF, TAIL)]], art, sem0)
    pltpu.async_copy(b_hbm.at[didx.at[pl.ds(TAIL_OFF, TAIL)]], brt, sem0)
    finish(N_FULL - 1, 1)
    pltpu.make_async_copy(a_hbm.at[pl.ds(0, TAIL)], art, sem0).wait()
    pltpu.make_async_copy(b_hbm.at[pl.ds(0, TAIL)], brt, sem0).wait()
    lane_t = lax.iota(jnp.int32, L)

    def tbody(kk, carry):
        col, acc_e, acc_o = carry
        for _ in range(KU):
            va = plsc.load_gather(arows0, [lane_t, col])
            vb = plsc.load_gather(brows0, [lane_t, col])
            ae = plsc.bitcast(lax.shift_left(va, 16), jnp.float32)
            be = plsc.bitcast(lax.shift_left(vb, 16), jnp.float32)
            ao = plsc.bitcast(va & himask, jnp.float32)
            bo = plsc.bitcast(vb & himask, jnp.float32)
            acc_e = acc_e + ae * be
            acc_o = acc_o + ao * bo
            col = (col + 1) & (DP - 1)
        return col, acc_e, acc_o

    _, acc_e, acc_o = lax.fori_loop(
        0, DP // KU, tbody,
        (lane_t, jnp.zeros((L,), jnp.float32), jnp.zeros((L,), jnp.float32)))
    z[pl.ds(TAIL_OFF, L)] = acc_e + acc_o
    pltpu.sync_copy(z, out_hbm.at[pl.ds(base, PER_W)])


@jax.jit
def _sc_edge_dot(a, b, edge):
    f = functools.partial(
        pl.kernel,
        mesh=plsc.VectorSubcoreMesh(**_MESH),
        compiler_params=_SC_PARAMS,
        out_type=jax.ShapeDtypeStruct((N_EDGES,), jnp.float32),
        scratch_types=[
            pltpu.VMEM((PER_W,), jnp.int32),
            pltpu.VMEM((PER_W,), jnp.int32),
            pltpu.VMEM((CHUNK, DP), jnp.int32),
            pltpu.VMEM((CHUNK, DP), jnp.int32),
            pltpu.VMEM((CHUNK, DP), jnp.int32),
            pltpu.VMEM((CHUNK, DP), jnp.int32),
            pltpu.VMEM((PER_W,), jnp.float32),
            pltpu.SemaphoreType.DMA,
            pltpu.SemaphoreType.DMA,
        ],
    )(_edge_dot_body)
    return f(a, b, edge)


def kernel(emb, edge_index, d, scale):
    ds = (d * scale).astype(jnp.float32)
    a_p, b_p = _sc_prep(emb, ds)
    z = _sc_edge_dot(a_p, b_p, edge_index.astype(jnp.int32))
    return z.reshape(N_EDGES, 1)

# --- scband reference (transcript-rebuilt; emitter-appended) ---
"""Pipeline reference for scband-local-emb-d-1005022347289 (READ-ONLY COPY).

The authoritative reference and input builder live on the scoring server;
editing this copy changes nothing except your own understanding.
"""

import jax, jax.numpy as jnp
import numpy as np

N_NODES = 10000
N_EDGES = 320000
N_HIDDEN = 128


def setup_inputs(seed: int = 0) -> dict:
    key = jax.random.key(seed)
    k1, k2 = jax.random.split(key)
    emb = jax.random.normal(k1, (N_NODES, N_HIDDEN), dtype=jnp.float32)
    edge_index = jax.random.randint(k2, (2, N_EDGES), 0, N_NODES, dtype=jnp.int64)
    # learned parameters per __init__: d = ones(n_hidden), scale = full((1,), 0.5)
    d = jnp.ones((N_HIDDEN,), dtype=jnp.float32)
    scale = jnp.full((1,), 0.5, dtype=jnp.float32)
    return {"emb": emb, "edge_index": edge_index, "d": d, "scale": scale}


def reference(emb, edge_index, d, scale):
    # F.normalize(emb, p=2) with default dim=1, eps=1e-12
    norm = jnp.linalg.norm(emb, ord=2, axis=1, keepdims=True)
    emb_n = emb / jnp.maximum(norm, 1e-12)
    # ew = emb @ diag(d)  ==  emb * d (row-wise scale by d)
    ew = emb_n * d
    src = edge_index[0]
    dst = edge_index[1]
    # u_dot_v('ew', 'e', 'z'): per-edge dot product of src 'ew' with dst 'e' -> [E, 1]
    z = jnp.sum(jnp.take(ew, src, axis=0) * jnp.take(emb_n, dst, axis=0), axis=-1, keepdims=True)
    return z * scale

if __name__ == "__main__":
    import jax
    _d = setup_inputs()
    print(jax.jit(kernel)(*tuple(_d.values())))

</pallas_src>

<mosaic_0001>
#map = affine_map<(d0, d1) -> (0, 0)>
#map1 = affine_map<(d0, d1) -> (0)>
module attributes {stable_mosaic.version = 14 : i64} {
  func.func @_prep_body(%arg0: i32, %arg1: i32, %arg2: memref<10000x128xf32, #tpu.memory_space<hbm>>, %arg3: memref<128xf32, #tpu.memory_space<hbm>>, %arg4: memref<10000x64xi32, #tpu.memory_space<hbm>>, %arg5: memref<10000x64xi32, #tpu.memory_space<hbm>>, %arg6: memref<320x128xf32, #tpu.memory_space<vmem>>, %arg7: memref<128xf32, #tpu.memory_space<vmem>>, %arg8: memref<320x64xi32, #tpu.memory_space<vmem>>, %arg9: memref<320x64xi32, #tpu.memory_space<vmem>>, %arg10: memref<!tpu.dma_semaphore, #tpu.memory_space<semaphore_mem>>, %arg11: memref<!tpu.dma_semaphore, #tpu.memory_space<semaphore_mem>>) attributes {dimension_semantics = [#tpu.dimension_semantics<core_parallel>, #tpu.dimension_semantics<subcore_parallel>], iteration_bounds = array<i64: 2, 16>, scalar_prefetch = 0 : i64, scratch_operands = 6 : i64, tpu.core_type = #tpu.core_type<sc_vector_subcore>, window_params = [{transform_indices = #map}, {transform_indices = #map1}, {transform_indices = #map}, {transform_indices = #map}]} {
    %mul3A = arith.constant 2 : i32
    %mul3A_0 = arith.muli %arg1, %mul3A : i32
    %add3A = arith.addi %mul3A_0, %arg0 : i32
    "tpu.region"() ({
      %run_scoped3A = tpu.sem_alloc : memref<!tpu.dma_semaphore, #tpu.memory_space<semaphore_mem>>
      tpu.enqueue_dma source(%arg3 : memref<128xf32, #tpu.memory_space<hbm>>) target(%arg7 : memref<128xf32, #tpu.memory_space<vmem>>) target_semaphore(%run_scoped3A : memref<!tpu.dma_semaphore, #tpu.memory_space<semaphore_mem>>)
      tpu.wait_dma2 semaphore(%run_scoped3A : memref<!tpu.dma_semaphore, #tpu.memory_space<semaphore_mem>>) src(%arg3 : memref<128xf32, #tpu.memory_space<hbm>>) dst(%arg7 : memref<128xf32, #tpu.memory_space<vmem>>)
      tpu.yield
    }) : () -> ()
    %iota3A = tpu.iota {dimensions = array<i32: 0>} : vector<16xi32>
    %sub3A = arith.constant 125 : i32
    %sub3A_1 = arith.subi %sub3A, %add3A : i32
    %add3A_2 = arith.constant 32 : i32
    %add3A_3 = arith.addi %sub3A_1, %add3A_2 : i32
    %sub3A_4 = arith.constant 1 : i32
    %sub3A_5 = arith.subi %add3A_3, %sub3A_4 : i32
    %jit3A = arith.constant 32 : i32
    %div3A = arith.divsi %sub3A_5, %jit3A : i32
    %sign3A = arith.constant 0 : i32
    %sign3A_6 = arith.cmpi sgt, %sub3A_5, %sign3A : i32
    %sign3A_7 = arith.extui %sign3A_6 : i1 to i32
    %sign3A_8 = arith.constant 0 : i32
    %sign3A_9 = arith.cmpi slt, %sub3A_5, %sign3A_8 : i32
    %sign3A_10 = arith.extui %sign3A_9 : i1 to i32
    %sign3A_11 = arith.subi %sign3A_7, %sign3A_10 : i32
    %sign3A_12 = arith.constant 0 : i32
    %sign3A_13 = arith.cmpi sgt, %jit3A, %sign3A_12 : i32
    %sign3A_14 = arith.extui %sign3A_13 : i1 to i32
    %sign3A_15 = arith.constant 0 : i32
    %sign3A_16 = arith.cmpi slt, %jit3A, %sign3A_15 : i32
    %sign3A_17 = arith.extui %sign3A_16 : i1 to i32
    %sign3A_18 = arith.subi %sign3A_14, %sign3A_17 : i32
    %ne3A = arith.cmpi ne, %sign3A_11, %sign3A_18 : i32
    %rem3A = arith.remsi %sub3A_5, %jit3A : i32
    %ne3A_19 = arith.constant 0 : i32
    %ne3A_20 = arith.cmpi ne, %rem3A, %ne3A_19 : i32
    %and3A = arith.andi %ne3A, %ne3A_20 : i1
    %sub3A_21 = arith.constant 1 : i32
    %sub3A_22 = arith.subi %div3A, %sub3A_21 : i32
    %select_n3A = arith.select %and3A, %sub3A_22, %div3A : i32
    %gt3A = arith.constant 0 : i32
    %gt3A_23 = arith.cmpi sgt, %select_n3A, %gt3A : i32
    %convert_element_type3A = arith.extui %gt3A_23 : i1 to i32
    %cond3A = arith.constant 0 : i32
    %cond3A_24 = arith.cmpi ne, %convert_element_type3A, %cond3A : i32
    scf.if %cond3A_24 {
      %add3A_89 = arith.constant 0 : i32
      %add3A_90 = arith.addi %add3A, %add3A_89 : i32
      %mul3A_91 = arith.constant 80 : i32
      %mul3A_92 = arith.muli %add3A_90, %mul3A_91 : i32
      %dma_start3A = arith.constant 0 : i32
      %dma_start3A_93 = arith.constant 0 : i32
      %dma_start3A_94 = tpu.memref_slice %arg6[%dma_start3A, %dma_start3A_93] : memref<320x128xf32, #tpu.memory_space<vmem>> -> memref<80x128xf32, #tpu.memory_space<vmem>>
      %dma_start3A_95 = arith.constant 0 : i32
      %dma_start3A_96 = tpu.memref_slice %arg2[%mul3A_92, %dma_start3A_95] : memref<10000x128xf32, #tpu.memory_space<hbm>> -> memref<80x128xf32, #tpu.memory_space<hbm>>
      %dma_start3A_97 = arith.constant 0 : i32
      %dma_start3A_98 = arith.constant 0 : i32
      %dma_start3A_99 = tpu.memref_slice %arg6[%dma_start3A_97, %dma_start3A_98] : memref<320x128xf32, #tpu.memory_space<vmem>> -> memref<80x128xf32, #tpu.memory_space<vmem>>
      %dma_start3A_100 = arith.constant 0 : i32
      %dma_start3A_101 = tpu.memref_slice %arg2[%mul3A_92, %dma_start3A_100] : memref<10000x128xf32, #tpu.memory_space<hbm>> -> memref<80x128xf32, #tpu.memory_space<hbm>>
      tpu.enqueue_dma source(%dma_start3A_101 : memref<80x128xf32, #tpu.memory_space<hbm>>) target(%dma_start3A_99 : memref<80x128xf32, #tpu.memory_space<vmem>>) target_semaphore(%arg10 : memref<!tpu.dma_semaphore, #tpu.memory_space<semaphore_mem>>)
    } else {
    }
    %gt3A_25 = arith.constant 1 : i32
    %gt3A_26 = arith.cmpi sgt, %select_n3A, %gt3A_25 : i32
    %convert_element_type3A_27 = arith.extui %gt3A_26 : i1 to i32
    %cond3A_28 = arith.constant 0 : i32
    %cond3A_29 = arith.cmpi ne, %convert_element_type3A_27, %cond3A_28 : i32
    scf.if %cond3A_29 {
      %add3A_89 = arith.constant 32 : i32
      %add3A_90 = arith.addi %add3A, %add3A_89 : i32
      %mul3A_91 = arith.constant 80 : i32
      %mul3A_92 = arith.muli %add3A_90, %mul3A_91 : i32
      %dma_start3A = arith.constant 80 : i32
      %dma_start3A_93 = arith.constant 0 : i32
      %dma_start3A_94 = tpu.memref_slice %arg6[%dma_start3A, %dma_start3A_93] : memref<320x128xf32, #tpu.memory_space<vmem>> -> memref<80x128xf32, #tpu.memory_space<vmem>>
      %dma_start3A_95 = arith.constant 0 : i32
      %dma_start3A_96 = tpu.memref_slice %arg2[%mul3A_92, %dma_start3A_95] : memref<10000x128xf32, #tpu.memory_space<hbm>> -> memref<80x128xf32, #tpu.memory_space<hbm>>
      %dma_start3A_97 = arith.constant 80 : i32
      %dma_start3A_98 = arith.constant 0 : i32
      %dma_start3A_99 = tpu.memref_slice %arg6[%dma_start3A_97, %dma_start3A_98] : memref<320x128xf32, #tpu.memory_space<vmem>> -> memref<80x128xf32, #tpu.memory_space<vmem>>
      %dma_start3A_100 = arith.constant 0 : i32
      %dma_start3A_101 = tpu.memref_slice %arg2[%mul3A_92, %dma_start3A_100] : memref<10000x128xf32, #tpu.memory_space<hbm>> -> memref<80x128xf32, #tpu.memory_space<hbm>>
      tpu.enqueue_dma source(%dma_start3A_101 : memref<80x128xf32, #tpu.memory_space<hbm>>) target(%dma_start3A_99 : memref<80x128xf32, #tpu.memory_space<vmem>>) target_semaphore(%arg10 : memref<!tpu.dma_semaphore, #tpu.memory_space<semaphore_mem>>)
    } else {
    }
    %gt3A_30 = arith.constant 2 : i32
    %gt3A_31 = arith.cmpi sgt, %select_n3A, %gt3A_30 : i32
    %convert_element_type3A_32 = arith.extui %gt3A_31 : i1 to i32
    %cond3A_33 = arith.constant 0 : i32
    %cond3A_34 = arith.cmpi ne, %convert_element_type3A_32, %cond3A_33 : i32
    scf.if %cond3A_34 {
      %add3A_89 = arith.constant 64 : i32
      %add3A_90 = arith.addi %add3A, %add3A_89 : i32
      %mul3A_91 = arith.constant 80 : i32
      %mul3A_92 = arith.muli %add3A_90, %mul3A_91 : i32
      %dma_start3A = arith.constant 160 : i32
      %dma_start3A_93 = arith.constant 0 : i32
      %dma_start3A_94 = tpu.memref_slice %arg6[%dma_start3A, %dma_start3A_93] : memref<320x128xf32, #tpu.memory_space<vmem>> -> memref<80x128xf32, #tpu.memory_space<vmem>>
      %dma_start3A_95 = arith.constant 0 : i32
      %dma_start3A_96 = tpu.memref_slice %arg2[%mul3A_92, %dma_start3A_95] : memref<10000x128xf32, #tpu.memory_space<hbm>> -> memref<80x128xf32, #tpu.memory_space<hbm>>
      %dma_start3A_97 = arith.constant 160 : i32
      %dma_start3A_98 = arith.constant 0 : i32
      %dma_start3A_99 = tpu.memref_slice %arg6[%dma_start3A_97, %dma_start3A_98] : memref<320x128xf32, #tpu.memory_space<vmem>> -> memref<80x128xf32, #tpu.memory_space<vmem>>
      %dma_start3A_100 = arith.constant 0 : i32
      %dma_start3A_101 = tpu.memref_slice %arg2[%mul3A_92, %dma_start3A_100] : memref<10000x128xf32, #tpu.memory_space<hbm>> -> memref<80x128xf32, #tpu.memory_space<hbm>>
      tpu.enqueue_dma source(%dma_start3A_101 : memref<80x128xf32, #tpu.memory_space<hbm>>) target(%dma_start3A_99 : memref<80x128xf32, #tpu.memory_space<vmem>>) target_semaphore(%arg10 : memref<!tpu.dma_semaphore, #tpu.memory_space<semaphore_mem>>)
    } else {
    }
    %gt3A_35 = arith.constant 3 : i32
    %gt3A_36 = arith.cmpi sgt, %select_n3A, %gt3A_35 : i32
    %convert_element_type3A_37 = arith.extui %gt3A_36 : i1 to i32
    %cond3A_38 = arith.constant 0 : i32
    %cond3A_39 = arith.cmpi ne, %convert_element_type3A_37, %cond3A_38 : i32
    scf.if %cond3A_39 {
      %add3A_89 = arith.constant 96 : i32
      %add3A_90 = arith.addi %add3A, %add3A_89 : i32
      %mul3A_91 = arith.constant 80 : i32
      %mul3A_92 = arith.muli %add3A_90, %mul3A_91 : i32
      %dma_start3A = arith.constant 240 : i32
      %dma_start3A_93 = arith.constant 0 : i32
      %dma_start3A_94 = tpu.memref_slice %arg6[%dma_start3A, %dma_start3A_93] : memref<320x128xf32, #tpu.memory_space<vmem>> -> memref<80x128xf32, #tpu.memory_space<vmem>>
      %dma_start3A_95 = arith.constant 0 : i32
      %dma_start3A_96 = tpu.memref_slice %arg2[%mul3A_92, %dma_start3A_95] : memref<10000x128xf32, #tpu.memory_space<hbm>> -> memref<80x128xf32, #tpu.memory_space<hbm>>
      %dma_start3A_97 = arith.constant 240 : i32
      %dma_start3A_98 = arith.constant 0 : i32
      %dma_start3A_99 = tpu.memref_slice %arg6[%dma_start3A_97, %dma_start3A_98] : memref<320x128xf32, #tpu.memory_space<vmem>> -> memref<80x128xf32, #tpu.memory_space<vmem>>
      %dma_start3A_100 = arith.constant 0 : i32
      %dma_start3A_101 = tpu.memref_slice %arg2[%mul3A_92, %dma_start3A_100] : memref<10000x128xf32, #tpu.memory_space<hbm>> -> memref<80x128xf32, #tpu.memory_space<hbm>>
      tpu.enqueue_dma source(%dma_start3A_101 : memref<80x128xf32, #tpu.memory_space<hbm>>) target(%dma_start3A_99 : memref<80x128xf32, #tpu.memory_space<vmem>>) target_semaphore(%arg10 : memref<!tpu.dma_semaphore, #tpu.memory_space<semaphore_mem>>)
    } else {
    }
    %gt3A_40 = arith.constant 0 : i32
    %gt3A_41 = arith.cmpi sgt, %select_n3A, %gt3A_40 : i32
    %convert_element_type3A_42 = arith.extui %gt3A_41 : i1 to i32
    %cond3A_43 = arith.constant 0 : i32
    %cond3A_44 = arith.cmpi ne, %convert_element_type3A_42, %cond3A_43 : i32
    scf.if %cond3A_44 {
      %dma_wait3A = arith.constant 0 : i32
      %dma_wait3A_89 = arith.constant 0 : i32
      %dma_wait3A_90 = tpu.memref_slice %arg6[%dma_wait3A, %dma_wait3A_89] : memref<320x128xf32, #tpu.memory_space<vmem>> -> memref<80x128xf32, #tpu.memory_space<vmem>>
      %dma_wait3A_91 = arith.constant 0 : i32
      %dma_wait3A_92 = arith.constant 0 : i32
      %dma_wait3A_93 = tpu.memref_slice %arg2[%dma_wait3A_91, %dma_wait3A_92] : memref<10000x128xf32, #tpu.memory_space<hbm>> -> memref<80x128xf32, #tpu.memory_space<hbm>>
      %dma_wait3A_94 = arith.constant 0 : i32
      %dma_wait3A_95 = arith.constant 0 : i32
      %dma_wait3A_96 = tpu.memref_slice %arg6[%dma_wait3A_94, %dma_wait3A_95] : memref<320x128xf32, #tpu.memory_space<vmem>> -> memref<80x128xf32, #tpu.memory_space<vmem>>
      %dma_wait3A_97 = arith.constant 0 : i32
      %dma_wait3A_98 = arith.constant 0 : i32
      %dma_wait3A_99 = tpu.memref_slice %arg2[%dma_wait3A_97, %dma_wait3A_98] : memref<10000x128xf32, #tpu.memory_space<hbm>> -> memref<80x128xf32, #tpu.memory_space<hbm>>
      tpu.wait_dma2 semaphore(%arg10 : memref<!tpu.dma_semaphore, #tpu.memory_space<semaphore_mem>>) src(%dma_wait3A_99 : memref<80x128xf32, #tpu.memory_space<hbm>>) dst(%dma_wait3A_96 : memref<80x128xf32, #tpu.memory_space<vmem>>)
    } else {
    }
    %gt3A_45 = arith.constant 1 : i32
    %gt3A_46 = arith.cmpi sgt, %select_n3A, %gt3A_45 : i32
    %convert_element_type3A_47 = arith.extui %gt3A_46 : i1 to i32
    %cond3A_48 = arith.constant 0 : i32
    %cond3A_49 = arith.cmpi ne, %convert_element_type3A_47, %cond3A_48 : i32
    scf.if %cond3A_49 {
      %dma_wait3A = arith.constant 80 : i32
      %dma_wait3A_89 = arith.constant 0 : i32
      %dma_wait3A_90 = tpu.memref_slice %arg6[%dma_wait3A, %dma_wait3A_89] : memref<320x128xf32, #tpu.memory_space<vmem>> -> memref<80x128xf32, #tpu.memory_space<vmem>>
      %dma_wait3A_91 = arith.constant 0 : i32
      %dma_wait3A_92 = arith.constant 0 : i32
      %dma_wait3A_93 = tpu.memref_slice %arg2[%dma_wait3A_91, %dma_wait3A_92] : memref<10000x128xf32, #tpu.memory_space<hbm>> -> memref<80x128xf32, #tpu.memory_space<hbm>>
      %dma_wait3A_94 = arith.constant 80 : i32
      %dma_wait3A_95 = arith.constant 0 : i32
      %dma_wait3A_96 = tpu.memref_slice %arg6[%dma_wait3A_94, %dma_wait3A_95] : memref<320x128xf32, #tpu.memory_space<vmem>> -> memref<80x128xf32, #tpu.memory_space<vmem>>
      %dma_wait3A_97 = arith.constant 0 : i32
      %dma_wait3A_98 = arith.constant 0 : i32
      %dma_wait3A_99 = tpu.memref_slice %arg2[%dma_wait3A_97, %dma_wait3A_98] : memref<10000x128xf32, #tpu.memory_space<hbm>> -> memref<80x128xf32, #tpu.memory_space<hbm>>
      tpu.wait_dma2 semaphore(%arg10 : memref<!tpu.dma_semaphore, #tpu.memory_space<semaphore_mem>>) src(%dma_wait3A_99 : memref<80x128xf32, #tpu.memory_space<hbm>>) dst(%dma_wait3A_96 : memref<80x128xf32, #tpu.memory_space<vmem>>)
    } else {
    }
    %gt3A_50 = arith.constant 2 : i32
    %gt3A_51 = arith.cmpi sgt, %select_n3A, %gt3A_50 : i32
    %convert_element_type3A_52 = arith.extui %gt3A_51 : i1 to i32
    %cond3A_53 = arith.constant 0 : i32
    %cond3A_54 = arith.cmpi ne, %convert_element_type3A_52, %cond3A_53 : i32
    scf.if %cond3A_54 {
      %dma_wait3A = arith.constant 160 : i32
      %dma_wait3A_89 = arith.constant 0 : i32
      %dma_wait3A_90 = tpu.memref_slice %arg6[%dma_wait3A, %dma_wait3A_89] : memref<320x128xf32, #tpu.memory_space<vmem>> -> memref<80x128xf32, #tpu.memory_space<vmem>>
      %dma_wait3A_91 = arith.constant 0 : i32
      %dma_wait3A_92 = arith.constant 0 : i32
      %dma_wait3A_93 = tpu.memref_slice %arg2[%dma_wait3A_91, %dma_wait3A_92] : memref<10000x128xf32, #tpu.memory_space<hbm>> -> memref<80x128xf32, #tpu.memory_space<hbm>>
      %dma_wait3A_94 = arith.constant 160 : i32
      %dma_wait3A_95 = arith.constant 0 : i32
      %dma_wait3A_96 = tpu.memref_slice %arg6[%dma_wait3A_94, %dma_wait3A_95] : memref<320x128xf32, #tpu.memory_space<vmem>> -> memref<80x128xf32, #tpu.memory_space<vmem>>
      %dma_wait3A_97 = arith.constant 0 : i32
      %dma_wait3A_98 = arith.constant 0 : i32
      %dma_wait3A_99 = tpu.memref_slice %arg2[%dma_wait3A_97, %dma_wait3A_98] : memref<10000x128xf32, #tpu.memory_space<hbm>> -> memref<80x128xf32, #tpu.memory_space<hbm>>
      tpu.wait_dma2 semaphore(%arg10 : memref<!tpu.dma_semaphore, #tpu.memory_space<semaphore_mem>>) src(%dma_wait3A_99 : memref<80x128xf32, #tpu.memory_space<hbm>>) dst(%dma_wait3A_96 : memref<80x128xf32, #tpu.memory_space<vmem>>)
    } else {
    }
    %gt3A_55 = arith.constant 3 : i32
    %gt3A_56 = arith.cmpi sgt, %select_n3A, %gt3A_55 : i32
    %convert_element_type3A_57 = arith.extui %gt3A_56 : i1 to i32
    %cond3A_58 = arith.constant 0 : i32
    %cond3A_59 = arith.cmpi ne, %convert_element_type3A_57, %cond3A_58 : i32
    scf.if %cond3A_59 {
      %dma_wait3A = arith.constant 240 : i32
      %dma_wait3A_89 = arith.constant 0 : i32
      %dma_wait3A_90 = tpu.memref_slice %arg6[%dma_wait3A, %dma_wait3A_89] : memref<320x128xf32, #tpu.memory_space<vmem>> -> memref<80x128xf32, #tpu.memory_space<vmem>>
      %dma_wait3A_91 = arith.constant 0 : i32
      %dma_wait3A_92 = arith.constant 0 : i32
      %dma_wait3A_93 = tpu.memref_slice %arg2[%dma_wait3A_91, %dma_wait3A_92] : memref<10000x128xf32, #tpu.memory_space<hbm>> -> memref<80x128xf32, #tpu.memory_space<hbm>>
      %dma_wait3A_94 = arith.constant 240 : i32
      %dma_wait3A_95 = arith.constant 0 : i32
      %dma_wait3A_96 = tpu.memref_slice %arg6[%dma_wait3A_94, %dma_wait3A_95] : memref<320x128xf32, #tpu.memory_space<vmem>> -> memref<80x128xf32, #tpu.memory_space<vmem>>
      %dma_wait3A_97 = arith.constant 0 : i32
      %dma_wait3A_98 = arith.constant 0 : i32
      %dma_wait3A_99 = tpu.memref_slice %arg2[%dma_wait3A_97, %dma_wait3A_98] : memref<10000x128xf32, #tpu.memory_space<hbm>> -> memref<80x128xf32, #tpu.memory_space<hbm>>
      tpu.wait_dma2 semaphore(%arg10 : memref<!tpu.dma_semaphore, #tpu.memory_space<semaphore_mem>>) src(%dma_wait3A_99 : memref<80x128xf32, #tpu.memory_space<hbm>>) dst(%dma_wait3A_96 : memref<80x128xf32, #tpu.memory_space<vmem>>)
    } else {
    }
    %while3A = arith.constant 0 : i32
    %while3A_60 = arith.constant 0 : i32
    %while3A_61 = arith.subi %select_n3A, %while3A_60 : i32
    %while3A_62 = arith.addi %while3A_60, %while3A_61 : i32
    %while3A_63 = arith.constant 1 : i32
    %while3A_64 = arith.divsi %while3A_61, %while3A_63 : i32
    %while3A_65 = arith.muli %while3A_64, %while3A_63 : i32
    %while3A_66 = arith.addi %while3A_60, %while3A_65 : i32
    %while3A_67 = arith.constant 1 : i32
    scf.for %while3A_89 = %while3A_60 to %while3A_66 step %while3A_67  : i32 {
      %mul3A_90 = arith.constant 32 : i32
      %mul3A_91 = arith.muli %while3A_89, %mul3A_90 : i32
      %add3A_92 = arith.addi %add3A, %mul3A_91 : i32
      %mul3A_93 = arith.constant 80 : i32
      %mul3A_94 = arith.muli %add3A_92, %mul3A_93 : i32
      %mul3A_95 = arith.constant 80 : i32
      %mul3A_96 = arith.muli %while3A_89, %mul3A_95 : i32
      %broadcast_in_dim3A = arith.constant 0 : i32
      %broadcast_in_dim3A_97 = vector.broadcast %broadcast_in_dim3A : i32 to vector<16xi32>
      %add3A_98 = vector.broadcast %mul3A_96 : i32 to vector<16xi32>
      %add3A_99 = arith.addi %broadcast_in_dim3A_97, %add3A_98 : vector<16xi32>
      %add3A_100 = arith.addi %add3A_99, %iota3A : vector<16xi32>
      %broadcast_in_dim3A_101 = arith.constant 0.000000e+00 : f32
      %broadcast_in_dim3A_102 = vector.broadcast %broadcast_in_dim3A_101 : f32 to vector<16xf32>
      %scan3A = arith.constant 0 : i32
      %scan3A_103 = arith.constant 32 : i32
      %scan3A_104 = arith.addi %scan3A, %scan3A_103 : i32
      %scan3A_105 = arith.constant 1 : i32
      %scan3A_106:2 = scf.for %scan3A_378 = %scan3A to %scan3A_104 step %scan3A_105 iter_args(%scan3A_379 = %iota3A, %scan3A_380 = %broadcast_in_dim3A_102) -> (vector<16xi32>, vector<16xf32>)  : i32 {
        %gather3A = tpu.vector_load_idx %arg6[%add3A_100, %scan3A_379] : memref<320x128xf32, #tpu.memory_space<vmem>>[vector<16xi32>, vector<16xi32>], vector<16xf32>,
        %mul3A_381 = arith.mulf %gather3A, %gather3A : vector<16xf32>
        %add3A_382 = arith.addf %scan3A_380, %mul3A_381 : vector<16xf32>
        %add3A_383 = arith.constant 1 : i32
        %add3A_384 = vector.broadcast %add3A_383 : i32 to vector<16xi32>
        %add3A_385 = arith.addi %scan3A_379, %add3A_384 : vector<16xi32>
        %and3A_386 = arith.constant 127 : i32
        %and3A_387 = vector.broadcast %and3A_386 : i32 to vector<16xi32>
        %and3A_388 = arith.andi %add3A_385, %and3A_387 : vector<16xi32>
        %gather3A_389 = tpu.vector_load_idx %arg6[%add3A_100, %and3A_388] : memref<320x128xf32, #tpu.memory_space<vmem>>[vector<16xi32>, vector<16xi32>], vector<16xf32>,
        %mul3A_390 = arith.mulf %gather3A_389, %gather3A_389 : vector<16xf32>
        %add3A_391 = arith.addf %add3A_382, %mul3A_390 : vector<16xf32>
        %add3A_392 = arith.constant 1 : i32
        %add3A_393 = vector.broadcast %add3A_392 : i32 to vector<16xi32>
        %add3A_394 = arith.addi %and3A_388, %add3A_393 : vector<16xi32>
        %and3A_395 = arith.constant 127 : i32
        %and3A_396 = vector.broadcast %and3A_395 : i32 to vector<16xi32>
        %and3A_397 = arith.andi %add3A_394, %and3A_396 : vector<16xi32>
        %gather3A_398 = tpu.vector_load_idx %arg6[%add3A_100, %and3A_397] : memref<320x128xf32, #tpu.memory_space<vmem>>[vector<16xi32>, vector<16xi32>], vector<16xf32>,
        %mul3A_399 = arith.mulf %gather3A_398, %gather3A_398 : vector<16xf32>
        %add3A_400 = arith.addf %add3A_391, %mul3A_399 : vector<16xf32>
        %add3A_401 = arith.constant 1 : i32
        %add3A_402 = vector.broadcast %add3A_401 : i32 to vector<16xi32>
        %add3A_403 = arith.addi %and3A_397, %add3A_402 : vector<16xi32>
        %and3A_404 = arith.constant 127 : i32
        %and3A_405 = vector.broadcast %and3A_404 : i32 to vector<16xi32>
        %and3A_406 = arith.andi %add3A_403, %and3A_405 : vector<16xi32>
        %gather3A_407 = tpu.vector_load_idx %arg6[%add3A_100, %and3A_406] : memref<320x128xf32, #tpu.memory_space<vmem>>[vector<16xi32>, vector<16xi32>], vector<16xf32>,
        %mul3A_408 = arith.mulf %gather3A_407, %gather3A_407 : vector<16xf32>
        %add3A_409 = arith.addf %add3A_400, %mul3A_408 : vector<16xf32>
        %add3A_410 = arith.constant 1 : i32
        %add3A_411 = vector.broadcast %add3A_410 : i32 to vector<16xi32>
        %add3A_412 = arith.addi %and3A_406, %add3A_411 : vector<16xi32>
        %and3A_413 = arith.constant 127 : i32
        %and3A_414 = vector.broadcast %and3A_413 : i32 to vector<16xi32>
        %and3A_415 = arith.andi %add3A_412, %and3A_414 : vector<16xi32>
        scf.yield %and3A_415, %add3A_409 : vector<16xi32>, vector<16xf32>
      }
      %scan3A_107 = arith.constant 32 : i32
      %broadcast_in_dim3A_108 = arith.constant 1597463007 : i32
      %broadcast_in_dim3A_109 = vector.broadcast %broadcast_in_dim3A_108 : i32 to vector<16xi32>
      %bitcast3A = vector.bitcast %scan3A_106#1 : vector<16xf32> to vector<16xi32>
      %shift_right_arithmetic3A = arith.constant 1 : i32
      %shift_right_arithmetic3A_110 = vector.broadcast %shift_right_arithmetic3A : i32 to vector<16xi32>
      %shift_right_arithmetic3A_111 = arith.shrsi %bitcast3A, %shift_right_arithmetic3A_110 : vector<16xi32>
      %sub3A_112 = arith.subi %broadcast_in_dim3A_109, %shift_right_arithmetic3A_111 : vector<16xi32>
      %bitcast3A_113 = vector.bitcast %sub3A_112 : vector<16xi32> to vector<16xf32>
      %mul3A_114 = arith.constant 5.000000e-01 : f32
      %mul3A_115 = vector.broadcast %mul3A_114 : f32 to vector<16xf32>
      %mul3A_116 = arith.mulf %mul3A_115, %scan3A_106#1 : vector<16xf32>
      %mul3A_117 = arith.mulf %mul3A_116, %bitcast3A_113 : vector<16xf32>
      %mul3A_118 = arith.mulf %mul3A_117, %bitcast3A_113 : vector<16xf32>
      %sub3A_119 = arith.constant 1.500000e+00 : f32
      %sub3A_120 = vector.broadcast %sub3A_119 : f32 to vector<16xf32>
      %sub3A_121 = arith.subf %sub3A_120, %mul3A_118 : vector<16xf32>
      %mul3A_122 = arith.mulf %bitcast3A_113, %sub3A_121 : vector<16xf32>
      %mul3A_123 = arith.mulf %mul3A_116, %mul3A_122 : vector<16xf32>
      %mul3A_124 = arith.mulf %mul3A_123, %mul3A_122 : vector<16xf32>
      %sub3A_125 = arith.constant 1.500000e+00 : f32
      %sub3A_126 = vector.broadcast %sub3A_125 : f32 to vector<16xf32>
      %sub3A_127 = arith.subf %sub3A_126, %mul3A_124 : vector<16xf32>
      %mul3A_128 = arith.mulf %mul3A_122, %sub3A_127 : vector<16xf32>
      %mul3A_129 = arith.mulf %mul3A_116, %mul3A_128 : vector<16xf32>
      %mul3A_130 = arith.mulf %mul3A_129, %mul3A_128 : vector<16xf32>
      %sub3A_131 = arith.constant 1.500000e+00 : f32
      %sub3A_132 = vector.broadcast %sub3A_131 : f32 to vector<16xf32>
      %sub3A_133 = arith.subf %sub3A_132, %mul3A_130 : vector<16xf32>
      %mul3A_134 = arith.mulf %mul3A_128, %sub3A_133 : vector<16xf32>
      %mul3A_135 = arith.mulf %mul3A_116, %mul3A_134 : vector<16xf32>
      %mul3A_136 = arith.mulf %mul3A_135, %mul3A_134 : vector<16xf32>
      %sub3A_137 = arith.constant 1.500000e+00 : f32
      %sub3A_138 = vector.broadcast %sub3A_137 : f32 to vector<16xf32>
      %sub3A_139 = arith.subf %sub3A_138, %mul3A_136 : vector<16xf32>
      %mul3A_140 = arith.mulf %mul3A_134, %sub3A_139 : vector<16xf32>
      %scan3A_141 = arith.constant 0 : i32
      %scan3A_142 = arith.constant 32 : i32
      %scan3A_143 = arith.addi %scan3A_141, %scan3A_142 : i32
      %scan3A_144 = arith.constant 1 : i32
      %scan3A_145 = scf.for %scan3A_378 = %scan3A_141 to %scan3A_143 step %scan3A_144 iter_args(%scan3A_379 = %iota3A) -> (vector<16xi32>)  : i32 {
        %mul3A_380 = arith.constant 2 : i32
        %mul3A_381 = vector.broadcast %mul3A_380 : i32 to vector<16xi32>
        %mul3A_382 = arith.muli %scan3A_379, %mul3A_381 : vector<16xi32>
        %add3A_383 = arith.constant 1 : i32
        %add3A_384 = vector.broadcast %add3A_383 : i32 to vector<16xi32>
        %add3A_385 = arith.addi %mul3A_382, %add3A_384 : vector<16xi32>
        %gather3A = tpu.vector_load_idx %arg6[%add3A_100, %mul3A_382] : memref<320x128xf32, #tpu.memory_space<vmem>>[vector<16xi32>, vector<16xi32>], vector<16xf32>,
        %mul3A_386 = arith.mulf %gather3A, %mul3A_140 : vector<16xf32>
        %gather3A_387 = tpu.vector_load_idx %arg6[%add3A_100, %add3A_385] : memref<320x128xf32, #tpu.memory_space<vmem>>[vector<16xi32>, vector<16xi32>], vector<16xf32>,
        %mul3A_388 = arith.mulf %gather3A_387, %mul3A_140 : vector<16xf32>
        %pack3A = tpu.pack_subelements %mul3A_386, %mul3A_388 {pack_format = #tpu.pack_format<interleaved>, positions = array<i32: 0, 1>} : vector<16xf32>, vector<16xf32> -> vector<32xbf16>
        %bitcast3A_389 = vector.bitcast %pack3A : vector<32xbf16> to vector<16xi32>
        %gather3A_390 = tpu.vector_load_idx %arg7[%mul3A_382] : memref<128xf32, #tpu.memory_space<vmem>>[vector<16xi32>], vector<16xf32>,
        %gather3A_391 = tpu.vector_load_idx %arg7[%add3A_385] : memref<128xf32, #tpu.memory_space<vmem>>[vector<16xi32>], vector<16xf32>,
        %mul3A_392 = arith.mulf %mul3A_386, %gather3A_390 : vector<16xf32>
        %mul3A_393 = arith.mulf %mul3A_388, %gather3A_391 : vector<16xf32>
        %pack3A_394 = tpu.pack_subelements %mul3A_392, %mul3A_393 {pack_format = #tpu.pack_format<interleaved>, positions = array<i32: 0, 1>} : vector<16xf32>, vector<16xf32> -> vector<32xbf16>
        %bitcast3A_395 = vector.bitcast %pack3A_394 : vector<32xbf16> to vector<16xi32>
        tpu.vector_store_idx %arg9[%add3A_100, %scan3A_379], %bitcast3A_389 : memref<320x64xi32, #tpu.memory_space<vmem>>[vector<16xi32>, vector<16xi32>], vector<16xi32>,
        tpu.vector_store_idx %arg8[%add3A_100, %scan3A_379], %bitcast3A_395 : memref<320x64xi32, #tpu.memory_space<vmem>>[vector<16xi32>, vector<16xi32>], vector<16xi32>,
        %add3A_396 = arith.constant 1 : i32
        %add3A_397 = vector.broadcast %add3A_396 : i32 to vector<16xi32>
        %add3A_398 = arith.addi %scan3A_379, %add3A_397 : vector<16xi32>
        %and3A_399 = arith.constant 63 : i32
        %and3A_400 = vector.broadcast %and3A_399 : i32 to vector<16xi32>
        %and3A_401 = arith.andi %add3A_398, %and3A_400 : vector<16xi32>
        %mul3A_402 = arith.constant 2 : i32
        %mul3A_403 = vector.broadcast %mul3A_402 : i32 to vector<16xi32>
        %mul3A_404 = arith.muli %and3A_401, %mul3A_403 : vector<16xi32>
        %add3A_405 = arith.constant 1 : i32
        %add3A_406 = vector.broadcast %add3A_405 : i32 to vector<16xi32>
        %add3A_407 = arith.addi %mul3A_404, %add3A_406 : vector<16xi32>
        %gather3A_408 = tpu.vector_load_idx %arg6[%add3A_100, %mul3A_404] : memref<320x128xf32, #tpu.memory_space<vmem>>[vector<16xi32>, vector<16xi32>], vector<16xf32>,
        %mul3A_409 = arith.mulf %gather3A_408, %mul3A_140 : vector<16xf32>
        %gather3A_410 = tpu.vector_load_idx %arg6[%add3A_100, %add3A_407] : memref<320x128xf32, #tpu.memory_space<vmem>>[vector<16xi32>, vector<16xi32>], vector<16xf32>,
        %mul3A_411 = arith.mulf %gather3A_410, %mul3A_140 : vector<16xf32>
        %pack3A_412 = tpu.pack_subelements %mul3A_409, %mul3A_411 {pack_format = #tpu.pack_format<interleaved>, positions = array<i32: 0, 1>} : vector<16xf32>, vector<16xf32> -> vector<32xbf16>
        %bitcast3A_413 = vector.bitcast %pack3A_412 : vector<32xbf16> to vector<16xi32>
        %gather3A_414 = tpu.vector_load_idx %arg7[%mul3A_404] : memref<128xf32, #tpu.memory_space<vmem>>[vector<16xi32>], vector<16xf32>,
        %gather3A_415 = tpu.vector_load_idx %arg7[%add3A_407] : memref<128xf32, #tpu.memory_space<vmem>>[vector<16xi32>], vector<16xf32>,
        %mul3A_416 = arith.mulf %mul3A_409, %gather3A_414 : vector<16xf32>
        %mul3A_417 = arith.mulf %mul3A_411, %gather3A_415 : vector<16xf32>
        %pack3A_418 = tpu.pack_subelements %mul3A_416, %mul3A_417 {pack_format = #tpu.pack_format<interleaved>, positions = array<i32: 0, 1>} : vector<16xf32>, vector<16xf32> -> vector<32xbf16>
        %bitcast3A_419 = vector.bitcast %pack3A_418 : vector<32xbf16> to vector<16xi32>
        tpu.vector_store_idx %arg9[%add3A_100, %and3A_401], %bitcast3A_413 : memref<320x64xi32, #tpu.memory_space<vmem>>[vector<16xi32>, vector<16xi32>], vector<16xi32>,
        tpu.vector_store_idx %arg8[%add3A_100, %and3A_401], %bitcast3A_419 : memref<320x64xi32, #tpu.memory_space<vmem>>[vector<16xi32>, vector<16xi32>], vector<16xi32>,
        %add3A_420 = arith.constant 1 : i32
        %add3A_421 = vector.broadcast %add3A_420 : i32 to vector<16xi32>
        %add3A_422 = arith.addi %and3A_401, %add3A_421 : vector<16xi32>
        %and3A_423 = arith.constant 63 : i32
        %and3A_424 = vector.broadcast %and3A_423 : i32 to vector<16xi32>
        %and3A_425 = arith.andi %add3A_422, %and3A_424 : vector<16xi32>
        scf.yield %and3A_425 : vector<16xi32>
      }
      %scan3A_146 = arith.constant 32 : i32
      %broadcast_in_dim3A_147 = arith.constant 16 : i32
      %broadcast_in_dim3A_148 = vector.broadcast %broadcast_in_dim3A_147 : i32 to vector<16xi32>
      %add3A_149 = vector.broadcast %mul3A_96 : i32 to vector<16xi32>
      %add3A_150 = arith.addi %broadcast_in_dim3A_148, %add3A_149 : vector<16xi32>
      %add3A_151 = arith.addi %add3A_150, %iota3A : vector<16xi32>
      %broadcast_in_dim3A_152 = arith.constant 0.000000e+00 : f32
      %broadcast_in_dim3A_153 = vector.broadcast %broadcast_in_dim3A_152 : f32 to vector<16xf32>
      %scan3A_154 = arith.constant 0 : i32
      %scan3A_155 = arith.constant 32 : i32
      %scan3A_156 = arith.addi %scan3A_154, %scan3A_155 : i32
      %scan3A_157 = arith.constant 1 : i32
      %scan3A_158:2 = scf.for %scan3A_378 = %scan3A_154 to %scan3A_156 step %scan3A_157 iter_args(%scan3A_379 = %iota3A, %scan3A_380 = %broadcast_in_dim3A_153) -> (vector<16xi32>, vector<16xf32>)  : i32 {
        %gather3A = tpu.vector_load_idx %arg6[%add3A_151, %scan3A_379] : memref<320x128xf32, #tpu.memory_space<vmem>>[vector<16xi32>, vector<16xi32>], vector<16xf32>,
        %mul3A_381 = arith.mulf %gather3A, %gather3A : vector<16xf32>
        %add3A_382 = arith.addf %scan3A_380, %mul3A_381 : vector<16xf32>
        %add3A_383 = arith.constant 1 : i32
        %add3A_384 = vector.broadcast %add3A_383 : i32 to vector<16xi32>
        %add3A_385 = arith.addi %scan3A_379, %add3A_384 : vector<16xi32>
        %and3A_386 = arith.constant 127 : i32
        %and3A_387 = vector.broadcast %and3A_386 : i32 to vector<16xi32>
        %and3A_388 = arith.andi %add3A_385, %and3A_387 : vector<16xi32>
        %gather3A_389 = tpu.vector_load_idx %arg6[%add3A_151, %and3A_388] : memref<320x128xf32, #tpu.memory_space<vmem>>[vector<16xi32>, vector<16xi32>], vector<16xf32>,
        %mul3A_390 = arith.mulf %gather3A_389, %gather3A_389 : vector<16xf32>
        %add3A_391 = arith.addf %add3A_382, %mul3A_390 : vector<16xf32>
        %add3A_392 = arith.constant 1 : i32
        %add3A_393 = vector.broadcast %add3A_392 : i32 to vector<16xi32>
        %add3A_394 = arith.addi %and3A_388, %add3A_393 : vector<16xi32>
        %and3A_395 = arith.constant 127 : i32
        %and3A_396 = vector.broadcast %and3A_395 : i32 to vector<16xi32>
        %and3A_397 = arith.andi %add3A_394, %and3A_396 : vector<16xi32>
        %gather3A_398 = tpu.vector_load_idx %arg6[%add3A_151, %and3A_397] : memref<320x128xf32, #tpu.memory_space<vmem>>[vector<16xi32>, vector<16xi32>], vector<16xf32>,
        %mul3A_399 = arith.mulf %gather3A_398, %gather3A_398 : vector<16xf32>
        %add3A_400 = arith.addf %add3A_391, %mul3A_399 : vector<16xf32>
        %add3A_401 = arith.constant 1 : i32
        %add3A_402 = vector.broadcast %add3A_401 : i32 to vector<16xi32>
        %add3A_403 = arith.addi %and3A_397, %add3A_402 : vector<16xi32>
        %and3A_404 = arith.constant 127 : i32
        %and3A_405 = vector.broadcast %and3A_404 : i32 to vector<16xi32>
        %and3A_406 = arith.andi %add3A_403, %and3A_405 : vector<16xi32>
        %gather3A_407 = tpu.vector_load_idx %arg6[%add3A_151, %and3A_406] : memref<320x128xf32, #tpu.memory_space<vmem>>[vector<16xi32>, vector<16xi32>], vector<16xf32>,
        %mul3A_408 = arith.mulf %gather3A_407, %gather3A_407 : vector<16xf32>
        %add3A_409 = arith.addf %add3A_400, %mul3A_408 : vector<16xf32>
        %add3A_410 = arith.constant 1 : i32
        %add3A_411 = vector.broadcast %add3A_410 : i32 to vector<16xi32>
        %add3A_412 = arith.addi %and3A_406, %add3A_411 : vector<16xi32>
        %and3A_413 = arith.constant 127 : i32
        %and3A_414 = vector.broadcast %and3A_413 : i32 to vector<16xi32>
        %and3A_415 = arith.andi %add3A_412, %and3A_414 : vector<16xi32>
        scf.yield %and3A_415, %add3A_409 : vector<16xi32>, vector<16xf32>
      }
      %scan3A_159 = arith.constant 32 : i32
      %broadcast_in_dim3A_160 = arith.constant 1597463007 : i32
      %broadcast_in_dim3A_161 = vector.broadcast %broadcast_in_dim3A_160 : i32 to vector<16xi32>
      %bitcast3A_162 = vector.bitcast %scan3A_158#1 : vector<16xf32> to vector<16xi32>
      %shift_right_arithmetic3A_163 = arith.constant 1 : i32
      %shift_right_arithmetic3A_164 = vector.broadcast %shift_right_arithmetic3A_163 : i32 to vector<16xi32>
      %shift_right_arithmetic3A_165 = arith.shrsi %bitcast3A_162, %shift_right_arithmetic3A_164 : vector<16xi32>
      %sub3A_166 = arith.subi %broadcast_in_dim3A_161, %shift_right_arithmetic3A_165 : vector<16xi32>
      %bitcast3A_167 = vector.bitcast %sub3A_166 : vector<16xi32> to vector<16xf32>
      %mul3A_168 = arith.constant 5.000000e-01 : f32
      %mul3A_169 = vector.broadcast %mul3A_168 : f32 to vector<16xf32>
      %mul3A_170 = arith.mulf %mul3A_169, %scan3A_158#1 : vector<16xf32>
      %mul3A_171 = arith.mulf %mul3A_170, %bitcast3A_167 : vector<16xf32>
      %mul3A_172 = arith.mulf %mul3A_171, %bitcast3A_167 : vector<16xf32>
      %sub3A_173 = arith.constant 1.500000e+00 : f32
      %sub3A_174 = vector.broadcast %sub3A_173 : f32 to vector<16xf32>
      %sub3A_175 = arith.subf %sub3A_174, %mul3A_172 : vector<16xf32>
      %mul3A_176 = arith.mulf %bitcast3A_167, %sub3A_175 : vector<16xf32>
      %mul3A_177 = arith.mulf %mul3A_170, %mul3A_176 : vector<16xf32>
      %mul3A_178 = arith.mulf %mul3A_177, %mul3A_176 : vector<16xf32>
      %sub3A_179 = arith.constant 1.500000e+00 : f32
      %sub3A_180 = vector.broadcast %sub3A_179 : f32 to vector<16xf32>
      %sub3A_181 = arith.subf %sub3A_180, %mul3A_178 : vector<16xf32>
      %mul3A_182 = arith.mulf %mul3A_176, %sub3A_181 : vector<16xf32>
      %mul3A_183 = arith.mulf %mul3A_170, %mul3A_182 : vector<16xf32>
      %mul3A_184 = arith.mulf %mul3A_183, %mul3A_182 : vector<16xf32>
      %sub3A_185 = arith.constant 1.500000e+00 : f32
      %sub3A_186 = vector.broadcast %sub3A_185 : f32 to vector<16xf32>
      %sub3A_187 = arith.subf %sub3A_186, %mul3A_184 : vector<16xf32>
      %mul3A_188 = arith.mulf %mul3A_182, %sub3A_187 : vector<16xf32>
      %mul3A_189 = arith.mulf %mul3A_170, %mul3A_188 : vector<16xf32>
      %mul3A_190 = arith.mulf %mul3A_189, %mul3A_188 : vector<16xf32>
      %sub3A_191 = arith.constant 1.500000e+00 : f32
      %sub3A_192 = vector.broadcast %sub3A_191 : f32 to vector<16xf32>
      %sub3A_193 = arith.subf %sub3A_192, %mul3A_190 : vector<16xf32>
      %mul3A_194 = arith.mulf %mul3A_188, %sub3A_193 : vector<16xf32>
      %scan3A_195 = arith.constant 0 : i32
      %scan3A_196 = arith.constant 32 : i32
      %scan3A_197 = arith.addi %scan3A_195, %scan3A_196 : i32
      %scan3A_198 = arith.constant 1 : i32
      %scan3A_199 = scf.for %scan3A_378 = %scan3A_195 to %scan3A_197 step %scan3A_198 iter_args(%scan3A_379 = %iota3A) -> (vector<16xi32>)  : i32 {
        %mul3A_380 = arith.constant 2 : i32
        %mul3A_381 = vector.broadcast %mul3A_380 : i32 to vector<16xi32>
        %mul3A_382 = arith.muli %scan3A_379, %mul3A_381 : vector<16xi32>
        %add3A_383 = arith.constant 1 : i32
        %add3A_384 = vector.broadcast %add3A_383 : i32 to vector<16xi32>
        %add3A_385 = arith.addi %mul3A_382, %add3A_384 : vector<16xi32>
        %gather3A = tpu.vector_load_idx %arg6[%add3A_151, %mul3A_382] : memref<320x128xf32, #tpu.memory_space<vmem>>[vector<16xi32>, vector<16xi32>], vector<16xf32>,
        %mul3A_386 = arith.mulf %gather3A, %mul3A_194 : vector<16xf32>
        %gather3A_387 = tpu.vector_load_idx %arg6[%add3A_151, %add3A_385] : memref<320x128xf32, #tpu.memory_space<vmem>>[vector<16xi32>, vector<16xi32>], vector<16xf32>,
        %mul3A_388 = arith.mulf %gather3A_387, %mul3A_194 : vector<16xf32>
        %pack3A = tpu.pack_subelements %mul3A_386, %mul3A_388 {pack_format = #tpu.pack_format<interleaved>, positions = array<i32: 0, 1>} : vector<16xf32>, vector<16xf32> -> vector<32xbf16>
        %bitcast3A_389 = vector.bitcast %pack3A : vector<32xbf16> to vector<16xi32>
        %gather3A_390 = tpu.vector_load_idx %arg7[%mul3A_382] : memref<128xf32, #tpu.memory_space<vmem>>[vector<16xi32>], vector<16xf32>,
        %gather3A_391 = tpu.vector_load_idx %arg7[%add3A_385] : memref<128xf32, #tpu.memory_space<vmem>>[vector<16xi32>], vector<16xf32>,
        %mul3A_392 = arith.mulf %mul3A_386, %gather3A_390 : vector<16xf32>
        %mul3A_393 = arith.mulf %mul3A_388, %gather3A_391 : vector<16xf32>
        %pack3A_394 = tpu.pack_subelements %mul3A_392, %mul3A_393 {pack_format = #tpu.pack_format<interleaved>, positions = array<i32: 0, 1>} : vector<16xf32>, vector<16xf32> -> vector<32xbf16>
        %bitcast3A_395 = vector.bitcast %pack3A_394 : vector<32xbf16> to vector<16xi32>
        tpu.vector_store_idx %arg9[%add3A_151, %scan3A_379], %bitcast3A_389 : memref<320x64xi32, #tpu.memory_space<vmem>>[vector<16xi32>, vector<16xi32>], vector<16xi32>,
        tpu.vector_store_idx %arg8[%add3A_151, %scan3A_379], %bitcast3A_395 : memref<320x64xi32, #tpu.memory_space<vmem>>[vector<16xi32>, vector<16xi32>], vector<16xi32>,
        %add3A_396 = arith.constant 1 : i32
        %add3A_397 = vector.broadcast %add3A_396 : i32 to vector<16xi32>
        %add3A_398 = arith.addi %scan3A_379, %add3A_397 : vector<16xi32>
        %and3A_399 = arith.constant 63 : i32
        %and3A_400 = vector.broadcast %and3A_399 : i32 to vector<16xi32>
        %and3A_401 = arith.andi %add3A_398, %and3A_400 : vector<16xi32>
        %mul3A_402 = arith.constant 2 : i32
        %mul3A_403 = vector.broadcast %mul3A_402 : i32 to vector<16xi32>
        %mul3A_404 = arith.muli %and3A_401, %mul3A_403 : vector<16xi32>
        %add3A_405 = arith.constant 1 : i32
        %add3A_406 = vector.broadcast %add3A_405 : i32 to vector<16xi32>
        %add3A_407 = arith.addi %mul3A_404, %add3A_406 : vector<16xi32>
        %gather3A_408 = tpu.vector_load_idx %arg6[%add3A_151, %mul3A_404] : memref<320x128xf32, #tpu.memory_space<vmem>>[vector<16xi32>, vector<16xi32>], vector<16xf32>,
        %mul3A_409 = arith.mulf %gather3A_408, %mul3A_194 : vector<16xf32>
        %gather3A_410 = tpu.vector_load_idx %arg6[%add3A_151, %add3A_407] : memref<320x128xf32, #tpu.memory_space<vmem>>[vector<16xi32>, vector<16xi32>], vector<16xf32>,
        %mul3A_411 = arith.mulf %gather3A_410, %mul3A_194 : vector<16xf32>
        %pack3A_412 = tpu.pack_subelements %mul3A_409, %mul3A_411 {pack_format = #tpu.pack_format<interleaved>, positions = array<i32: 0, 1>} : vector<16xf32>, vector<16xf32> -> vector<32xbf16>
        %bitcast3A_413 = vector.bitcast %pack3A_412 : vector<32xbf16> to vector<16xi32>
        %gather3A_414 = tpu.vector_load_idx %arg7[%mul3A_404] : memref<128xf32, #tpu.memory_space<vmem>>[vector<16xi32>], vector<16xf32>,
        %gather3A_415 = tpu.vector_load_idx %arg7[%add3A_407] : memref<128xf32, #tpu.memory_space<vmem>>[vector<16xi32>], vector<16xf32>,
        %mul3A_416 = arith.mulf %mul3A_409, %gather3A_414 : vector<16xf32>
        %mul3A_417 = arith.mulf %mul3A_411, %gather3A_415 : vector<16xf32>
        %pack3A_418 = tpu.pack_subelements %mul3A_416, %mul3A_417 {pack_format = #tpu.pack_format<interleaved>, positions = array<i32: 0, 1>} : vector<16xf32>, vector<16xf32> -> vector<32xbf16>
        %bitcast3A_419 = vector.bitcast %pack3A_418 : vector<32xbf16> to vector<16xi32>
        tpu.vector_store_idx %arg9[%add3A_151, %and3A_401], %bitcast3A_413 : memref<320x64xi32, #tpu.memory_space<vmem>>[vector<16xi32>, vector<16xi32>], vector<16xi32>,
        tpu.vector_store_idx %arg8[%add3A_151, %and3A_401], %bitcast3A_419 : memref<320x64xi32, #tpu.memory_space<vmem>>[vector<16xi32>, vector<16xi32>], vector<16xi32>,
        %add3A_420 = arith.constant 1 : i32
        %add3A_421 = vector.broadcast %add3A_420 : i32 to vector<16xi32>
        %add3A_422 = arith.addi %and3A_401, %add3A_421 : vector<16xi32>
        %and3A_423 = arith.constant 63 : i32
        %and3A_424 = vector.broadcast %and3A_423 : i32 to vector<16xi32>
        %and3A_425 = arith.andi %add3A_422, %and3A_424 : vector<16xi32>
        scf.yield %and3A_425 : vector<16xi32>
      }
      %scan3A_200 = arith.constant 32 : i32
      %broadcast_in_dim3A_201 = arith.constant 32 : i32
      %broadcast_in_dim3A_202 = vector.broadcast %broadcast_in_dim3A_201 : i32 to vector<16xi32>
      %add3A_203 = vector.broadcast %mul3A_96 : i32 to vector<16xi32>
      %add3A_204 = arith.addi %broadcast_in_dim3A_202, %add3A_203 : vector<16xi32>
      %add3A_205 = arith.addi %add3A_204, %iota3A : vector<16xi32>
      %broadcast_in_dim3A_206 = arith.constant 0.000000e+00 : f32
      %broadcast_in_dim3A_207 = vector.broadcast %broadcast_in_dim3A_206 : f32 to vector<16xf32>
      %scan3A_208 = arith.constant 0 : i32
      %scan3A_209 = arith.constant 32 : i32
      %scan3A_210 = arith.addi %scan3A_208, %scan3A_209 : i32
      %scan3A_211 = arith.constant 1 : i32
      %scan3A_212:2 = scf.for %scan3A_378 = %scan3A_208 to %scan3A_210 step %scan3A_211 iter_args(%scan3A_379 = %iota3A, %scan3A_380 = %broadcast_in_dim3A_207) -> (vector<16xi32>, vector<16xf32>)  : i32 {
        %gather3A = tpu.vector_load_idx %arg6[%add3A_205, %scan3A_379] : memref<320x128xf32, #tpu.memory_space<vmem>>[vector<16xi32>, vector<16xi32>], vector<16xf32>,
        %mul3A_381 = arith.mulf %gather3A, %gather3A : vector<16xf32>
        %add3A_382 = arith.addf %scan3A_380, %mul3A_381 : vector<16xf32>
        %add3A_383 = arith.constant 1 : i32
        %add3A_384 = vector.broadcast %add3A_383 : i32 to vector<16xi32>
        %add3A_385 = arith.addi %scan3A_379, %add3A_384 : vector<16xi32>
        %and3A_386 = arith.constant 127 : i32
        %and3A_387 = vector.broadcast %and3A_386 : i32 to vector<16xi32>
        %and3A_388 = arith.andi %add3A_385, %and3A_387 : vector<16xi32>
        %gather3A_389 = tpu.vector_load_idx %arg6[%add3A_205, %and3A_388] : memref<320x128xf32, #tpu.memory_space<vmem>>[vector<16xi32>, vector<16xi32>], vector<16xf32>,
        %mul3A_390 = arith.mulf %gather3A_389, %gather3A_389 : vector<16xf32>
        %add3A_391 = arith.addf %add3A_382, %mul3A_390 : vector<16xf32>
        %add3A_392 = arith.constant 1 : i32
        %add3A_393 = vector.broadcast %add3A_392 : i32 to vector<16xi32>
        %add3A_394 = arith.addi %and3A_388, %add3A_393 : vector<16xi32>
        %and3A_395 = arith.constant 127 : i32
        %and3A_396 = vector.broadcast %and3A_395 : i32 to vector<16xi32>
        %and3A_397 = arith.andi %add3A_394, %and3A_396 : vector<16xi32>
        %gather3A_398 = tpu.vector_load_idx %arg6[%add3A_205, %and3A_397] : memref<320x128xf32, #tpu.memory_space<vmem>>[vector<16xi32>, vector<16xi32>], vector<16xf32>,
        %mul3A_399 = arith.mulf %gather3A_398, %gather3A_398 : vector<16xf32>
        %add3A_400 = arith.addf %add3A_391, %mul3A_399 : vector<16xf32>
        %add3A_401 = arith.constant 1 : i32
        %add3A_402 = vector.broadcast %add3A_401 : i32 to vector<16xi32>
        %add3A_403 = arith.addi %and3A_397, %add3A_402 : vector<16xi32>
        %and3A_404 = arith.constant 127 : i32
        %and3A_405 = vector.broadcast %and3A_404 : i32 to vector<16xi32>
        %and3A_406 = arith.andi %add3A_403, %and3A_405 : vector<16xi32>
        %gather3A_407 = tpu.vector_load_idx %arg6[%add3A_205, %and3A_406] : memref<320x128xf32, #tpu.memory_space<vmem>>[vector<16xi32>, vector<16xi32>], vector<16xf32>,
        %mul3A_408 = arith.mulf %gather3A_407, %gather3A_407 : vector<16xf32>
        %add3A_409 = arith.addf %add3A_400, %mul3A_408 : vector<16xf32>
        %add3A_410 = arith.constant 1 : i32
        %add3A_411 = vector.broadcast %add3A_410 : i32 to vector<16xi32>
        %add3A_412 = arith.addi %and3A_406, %add3A_411 : vector<16xi32>
        %and3A_413 = arith.constant 127 : i32
        %and3A_414 = vector.broadcast %and3A_413 : i32 to vector<16xi32>
        %and3A_415 = arith.andi %add3A_412, %and3A_414 : vector<16xi32>
        scf.yield %and3A_415, %add3A_409 : vector<16xi32>, vector<16xf32>
      }
      %scan3A_213 = arith.constant 32 : i32
      %broadcast_in_dim3A_214 = arith.constant 1597463007 : i32
      %broadcast_in_dim3A_215 = vector.broadcast %broadcast_in_dim3A_214 : i32 to vector<16xi32>
      %bitcast3A_216 = vector.bitcast %scan3A_212#1 : vector<16xf32> to vector<16xi32>
      %shift_right_arithmetic3A_217 = arith.constant 1 : i32
      %shift_right_arithmetic3A_218 = vector.broadcast %shift_right_arithmetic3A_217 : i32 to vector<16xi32>
      %shift_right_arithmetic3A_219 = arith.shrsi %bitcast3A_216, %shift_right_arithmetic3A_218 : vector<16xi32>
      %sub3A_220 = arith.subi %broadcast_in_dim3A_215, %shift_right_arithmetic3A_219 : vector<16xi32>
      %bitcast3A_221 = vector.bitcast %sub3A_220 : vector<16xi32> to vector<16xf32>
      %mul3A_222 = arith.constant 5.000000e-01 : f32
      %mul3A_223 = vector.broadcast %mul3A_222 : f32 to vector<16xf32>
      %mul3A_224 = arith.mulf %mul3A_223, %scan3A_212#1 : vector<16xf32>
      %mul3A_225 = arith.mulf %mul3A_224, %bitcast3A_221 : vector<16xf32>
      %mul3A_226 = arith.mulf %mul3A_225, %bitcast3A_221 : vector<16xf32>
      %sub3A_227 = arith.constant 1.500000e+00 : f32
      %sub3A_228 = vector.broadcast %sub3A_227 : f32 to vector<16xf32>
      %sub3A_229 = arith.subf %sub3A_228, %mul3A_226 : vector<16xf32>
      %mul3A_230 = arith.mulf %bitcast3A_221, %sub3A_229 : vector<16xf32>
      %mul3A_231 = arith.mulf %mul3A_224, %mul3A_230 : vector<16xf32>
      %mul3A_232 = arith.mulf %mul3A_231, %mul3A_230 : vector<16xf32>
      %sub3A_233 = arith.constant 1.500000e+00 : f32
      %sub3A_234 = vector.broadcast %sub3A_233 : f32 to vector<16xf32>
      %sub3A_235 = arith.subf %sub3A_234, %mul3A_232 : vector<16xf32>
      %mul3A_236 = arith.mulf %mul3A_230, %sub3A_235 : vector<16xf32>
      %mul3A_237 = arith.mulf %mul3A_224, %mul3A_236 : vector<16xf32>
      %mul3A_238 = arith.mulf %mul3A_237, %mul3A_236 : vector<16xf32>
      %sub3A_239 = arith.constant 1.500000e+00 : f32
      %sub3A_240 = vector.broadcast %sub3A_239 : f32 to vector<16xf32>
      %sub3A_241 = arith.subf %sub3A_240, %mul3A_238 : vector<16xf32>
      %mul3A_242 = arith.mulf %mul3A_236, %sub3A_241 : vector<16xf32>
      %mul3A_243 = arith.mulf %mul3A_224, %mul3A_242 : vector<16xf32>
      %mul3A_244 = arith.mulf %mul3A_243, %mul3A_242 : vector<16xf32>
      %sub3A_245 = arith.constant 1.500000e+00 : f32
      %sub3A_246 = vector.broadcast %sub3A_245 : f32 to vector<16xf32>
      %sub3A_247 = arith.subf %sub3A_246, %mul3A_244 : vector<16xf32>
      %mul3A_248 = arith.mulf %mul3A_242, %sub3A_247 : vector<16xf32>
      %scan3A_249 = arith.constant 0 : i32
      %scan3A_250 = arith.constant 32 : i32
      %scan3A_251 = arith.addi %scan3A_249, %scan3A_250 : i32
      %scan3A_252 = arith.constant 1 : i32
      %scan3A_253 = scf.for %scan3A_378 = %scan3A_249 to %scan3A_251 step %scan3A_252 iter_args(%scan3A_379 = %iota3A) -> (vector<16xi32>)  : i32 {
        %mul3A_380 = arith.constant 2 : i32
        %mul3A_381 = vector.broadcast %mul3A_380 : i32 to vector<16xi32>
        %mul3A_382 = arith.muli %scan3A_379, %mul3A_381 : vector<16xi32>
        %add3A_383 = arith.constant 1 : i32
        %add3A_384 = vector.broadcast %add3A_383 : i32 to vector<16xi32>
        %add3A_385 = arith.addi %mul3A_382, %add3A_384 : vector<16xi32>
        %gather3A = tpu.vector_load_idx %arg6[%add3A_205, %mul3A_382] : memref<320x128xf32, #tpu.memory_space<vmem>>[vector<16xi32>, vector<16xi32>], vector<16xf32>,
        %mul3A_386 = arith.mulf %gather3A, %mul3A_248 : vector<16xf32>
        %gather3A_387 = tpu.vector_load_idx %arg6[%add3A_205, %add3A_385] : memref<320x128xf32, #tpu.memory_space<vmem>>[vector<16xi32>, vector<16xi32>], vector<16xf32>,
        %mul3A_388 = arith.mulf %gather3A_387, %mul3A_248 : vector<16xf32>
        %pack3A = tpu.pack_subelements %mul3A_386, %mul3A_388 {pack_format = #tpu.pack_format<interleaved>, positions = array<i32: 0, 1>} : vector<16xf32>, vector<16xf32> -> vector<32xbf16>
        %bitcast3A_389 = vector.bitcast %pack3A : vector<32xbf16> to vector<16xi32>
        %gather3A_390 = tpu.vector_load_idx %arg7[%mul3A_382] : memref<128xf32, #tpu.memory_space<vmem>>[vector<16xi32>], vector<16xf32>,
        %gather3A_391 = tpu.vector_load_idx %arg7[%add3A_385] : memref<128xf32, #tpu.memory_space<vmem>>[vector<16xi32>], vector<16xf32>,
        %mul3A_392 = arith.mulf %mul3A_386, %gather3A_390 : vector<16xf32>
        %mul3A_393 = arith.mulf %mul3A_388, %gather3A_391 : vector<16xf32>
        %pack3A_394 = tpu.pack_subelements %mul3A_392, %mul3A_393 {pack_format = #tpu.pack_format<interleaved>, positions = array<i32: 0, 1>} : vector<16xf32>, vector<16xf32> -> vector<32xbf16>
        %bitcast3A_395 = vector.bitcast %pack3A_394 : vector<32xbf16> to vector<16xi32>
        tpu.vector_store_idx %arg9[%add3A_205, %scan3A_379], %bitcast3A_389 : memref<320x64xi32, #tpu.memory_space<vmem>>[vector<16xi32>, vector<16xi32>], vector<16xi32>,
        tpu.vector_store_idx %arg8[%add3A_205, %scan3A_379], %bitcast3A_395 : memref<320x64xi32, #tpu.memory_space<vmem>>[vector<16xi32>, vector<16xi32>], vector<16xi32>,
        %add3A_396 = arith.constant 1 : i32
        %add3A_397 = vector.broadcast %add3A_396 : i32 to vector<16xi32>
        %add3A_398 = arith.addi %scan3A_379, %add3A_397 : vector<16xi32>
        %and3A_399 = arith.constant 63 : i32
        %and3A_400 = vector.broadcast %and3A_399 : i32 to vector<16xi32>
        %and3A_401 = arith.andi %add3A_398, %and3A_400 : vector<16xi32>
        %mul3A_402 = arith.constant 2 : i32
        %mul3A_403 = vector.broadcast %mul3A_402 : i32 to vector<16xi32>
        %mul3A_404 = arith.muli %and3A_401, %mul3A_403 : vector<16xi32>
        %add3A_405 = arith.constant 1 : i32
        %add3A_406 = vector.broadcast %add3A_405 : i32 to vector<16xi32>
        %add3A_407 = arith.addi %mul3A_404, %add3A_406 : vector<16xi32>
        %gather3A_408 = tpu.vector_load_idx %arg6[%add3A_205, %mul3A_404] : memref<320x128xf32, #tpu.memory_space<vmem>>[vector<16xi32>, vector<16xi32>], vector<16xf32>,
        %mul3A_409 = arith.mulf %gather3A_408, %mul3A_248 : vector<16xf32>
        %gather3A_410 = tpu.vector_load_idx %arg6[%add3A_205, %add3A_407] : memref<320x128xf32, #tpu.memory_space<vmem>>[vector<16xi32>, vector<16xi32>], vector<16xf32>,
        %mul3A_411 = arith.mulf %gather3A_410, %mul3A_248 : vector<16xf32>
        %pack3A_412 = tpu.pack_subelements %mul3A_409, %mul3A_411 {pack_format = #tpu.pack_format<interleaved>, positions = array<i32: 0, 1>} : vector<16xf32>, vector<16xf32> -> vector<32xbf16>
        %bitcast3A_413 = vector.bitcast %pack3A_412 : vector<32xbf16> to vector<16xi32>
        %gather3A_414 = tpu.vector_load_idx %arg7[%mul3A_404] : memref<128xf32, #tpu.memory_space<vmem>>[vector<16xi32>], vector<16xf32>,
        %gather3A_415 = tpu.vector_load_idx %arg7[%add3A_407] : memref<128xf32, #tpu.memory_space<vmem>>[vector<16xi32>], vector<16xf32>,
        %mul3A_416 = arith.mulf %mul3A_409, %gather3A_414 : vector<16xf32>
        %mul3A_417 = arith.mulf %mul3A_411, %gather3A_415 : vector<16xf32>
        %pack3A_418 = tpu.pack_subelements %mul3A_416, %mul3A_417 {pack_format = #tpu.pack_format<interleaved>, positions = array<i32: 0, 1>} : vector<16xf32>, vector<16xf32> -> vector<32xbf16>
        %bitcast3A_419 = vector.bitcast %pack3A_418 : vector<32xbf16> to vector<16xi32>
        tpu.vector_store_idx %arg9[%add3A_205, %and3A_401], %bitcast3A_413 : memref<320x64xi32, #tpu.memory_space<vmem>>[vector<16xi32>, vector<16xi32>], vector<16xi32>,
        tpu.vector_store_idx %arg8[%add3A_205, %and3A_401], %bitcast3A_419 : memref<320x64xi32, #tpu.memory_space<vmem>>[vector<16xi32>, vector<16xi32>], vector<16xi32>,
        %add3A_420 = arith.constant 1 : i32
        %add3A_421 = vector.broadcast %add3A_420 : i32 to vector<16xi32>
        %add3A_422 = arith.addi %and3A_401, %add3A_421 : vector<16xi32>
        %and3A_423 = arith.constant 63 : i32
        %and3A_424 = vector.broadcast %and3A_423 : i32 to vector<16xi32>
        %and3A_425 = arith.andi %add3A_422, %and3A_424 : vector<16xi32>
        scf.yield %and3A_425 : vector<16xi32>
      }
      %scan3A_254 = arith.constant 32 : i32
      %broadcast_in_dim3A_255 = arith.constant 48 : i32
      %broadcast_in_dim3A_256 = vector.broadcast %broadcast_in_dim3A_255 : i32 to vector<16xi32>
      %add3A_257 = vector.broadcast %mul3A_96 : i32 to vector<16xi32>
      %add3A_258 = arith.addi %broadcast_in_dim3A_256, %add3A_257 : vector<16xi32>
      %add3A_259 = arith.addi %add3A_258, %iota3A : vector<16xi32>
      %broadcast_in_dim3A_260 = arith.constant 0.000000e+00 : f32
      %broadcast_in_dim3A_261 = vector.broadcast %broadcast_in_dim3A_260 : f32 to vector<16xf32>
      %scan3A_262 = arith.constant 0 : i32
      %scan3A_263 = arith.constant 32 : i32
      %scan3A_264 = arith.addi %scan3A_262, %scan3A_263 : i32
      %scan3A_265 = arith.constant 1 : i32
      %scan3A_266:2 = scf.for %scan3A_378 = %scan3A_262 to %scan3A_264 step %scan3A_265 iter_args(%scan3A_379 = %iota3A, %scan3A_380 = %broadcast_in_dim3A_261) -> (vector<16xi32>, vector<16xf32>)  : i32 {
        %gather3A = tpu.vector_load_idx %arg6[%add3A_259, %scan3A_379] : memref<320x128xf32, #tpu.memory_space<vmem>>[vector<16xi32>, vector<16xi32>], vector<16xf32>,
        %mul3A_381 = arith.mulf %gather3A, %gather3A : vector<16xf32>
        %add3A_382 = arith.addf %scan3A_380, %mul3A_381 : vector<16xf32>
        %add3A_383 = arith.constant 1 : i32
        %add3A_384 = vector.broadcast %add3A_383 : i32 to vector<16xi32>
        %add3A_385 = arith.addi %scan3A_379, %add3A_384 : vector<16xi32>
        %and3A_386 = arith.constant 127 : i32
        %and3A_387 = vector.broadcast %and3A_386 : i32 to vector<16xi32>
        %and3A_388 = arith.andi %add3A_385, %and3A_387 : vector<16xi32>
        %gather3A_389 = tpu.vector_load_idx %arg6[%add3A_259, %and3A_388] : memref<320x128xf32, #tpu.memory_space<vmem>>[vector<16xi32>, vector<16xi32>], vector<16xf32>,
        %mul3A_390 = arith.mulf %gather3A_389, %gather3A_389 : vector<16xf32>
        %add3A_391 = arith.addf %add3A_382, %mul3A_390 : vector<16xf32>
        %add3A_392 = arith.constant 1 : i32
        %add3A_393 = vector.broadcast %add3A_392 : i32 to vector<16xi32>
        %add3A_394 = arith.addi %and3A_388, %add3A_393 : vector<16xi32>
        %and3A_395 = arith.constant 127 : i32
        %and3A_396 = vector.broadcast %and3A_395 : i32 to vector<16xi32>
        %and3A_397 = arith.andi %add3A_394, %and3A_396 : vector<16xi32>
        %gather3A_398 = tpu.vector_load_idx %arg6[%add3A_259, %and3A_397] : memref<320x128xf32, #tpu.memory_space<vmem>>[vector<16xi32>, vector<16xi32>], vector<16xf32>,
        %mul3A_399 = arith.mulf %gather3A_398, %gather3A_398 : vector<16xf32>
        %add3A_400 = arith.addf %add3A_391, %mul3A_399 : vector<16xf32>
        %add3A_401 = arith.constant 1 : i32
        %add3A_402 = vector.broadcast %add3A_401 : i32 to vector<16xi32>
        %add3A_403 = arith.addi %and3A_397, %add3A_402 : vector<16xi32>
        %and3A_404 = arith.constant 127 : i32
        %and3A_405 = vector.broadcast %and3A_404 : i32 to vector<16xi32>
        %and3A_406 = arith.andi %add3A_403, %and3A_405 : vector<16xi32>
        %gather3A_407 = tpu.vector_load_idx %arg6[%add3A_259, %and3A_406] : memref<320x128xf32, #tpu.memory_space<vmem>>[vector<16xi32>, vector<16xi32>], vector<16xf32>,
        %mul3A_408 = arith.mulf %gather3A_407, %gather3A_407 : vector<16xf32>
        %add3A_409 = arith.addf %add3A_400, %mul3A_408 : vector<16xf32>
        %add3A_410 = arith.constant 1 : i32
        %add3A_411 = vector.broadcast %add3A_410 : i32 to vector<16xi32>
        %add3A_412 = arith.addi %and3A_406, %add3A_411 : vector<16xi32>
        %and3A_413 = arith.constant 127 : i32
        %and3A_414 = vector.broadcast %and3A_413 : i32 to vector<16xi32>
        %and3A_415 = arith.andi %add3A_412, %and3A_414 : vector<16xi32>
        scf.yield %and3A_415, %add3A_409 : vector<16xi32>, vector<16xf32>
      }
      %scan3A_267 = arith.constant 32 : i32
      %broadcast_in_dim3A_268 = arith.constant 1597463007 : i32
      %broadcast_in_dim3A_269 = vector.broadcast %broadcast_in_dim3A_268 : i32 to vector<16xi32>
      %bitcast3A_270 = vector.bitcast %scan3A_266#1 : vector<16xf32> to vector<16xi32>
      %shift_right_arithmetic3A_271 = arith.constant 1 : i32
      %shift_right_arithmetic3A_272 = vector.broadcast %shift_right_arithmetic3A_271 : i32 to vector<16xi32>
      %shift_right_arithmetic3A_273 = arith.shrsi %bitcast3A_270, %shift_right_arithmetic3A_272 : vector<16xi32>
      %sub3A_274 = arith.subi %broadcast_in_dim3A_269, %shift_right_arithmetic3A_273 : vector<16xi32>
      %bitcast3A_275 = vector.bitcast %sub3A_274 : vector<16xi32> to vector<16xf32>
      %mul3A_276 = arith.constant 5.000000e-01 : f32
      %mul3A_277 = vector.broadcast %mul3A_276 : f32 to vector<16xf32>
      %mul3A_278 = arith.mulf %mul3A_277, %scan3A_266#1 : vector<16xf32>
      %mul3A_279 = arith.mulf %mul3A_278, %bitcast3A_275 : vector<16xf32>
      %mul3A_280 = arith.mulf %mul3A_279, %bitcast3A_275 : vector<16xf32>
      %sub3A_281 = arith.constant 1.500000e+00 : f32
      %sub3A_282 = vector.broadcast %sub3A_281 : f32 to vector<16xf32>
      %sub3A_283 = arith.subf %sub3A_282, %mul3A_280 : vector<16xf32>
      %mul3A_284 = arith.mulf %bitcast3A_275, %sub3A_283 : vector<16xf32>
      %mul3A_285 = arith.mulf %mul3A_278, %mul3A_284 : vector<16xf32>
      %mul3A_286 = arith.mulf %mul3A_285, %mul3A_284 : vector<16xf32>
      %sub3A_287 = arith.constant 1.500000e+00 : f32
      %sub3A_288 = vector.broadcast %sub3A_287 : f32 to vector<16xf32>
      %sub3A_289 = arith.subf %sub3A_288, %mul3A_286 : vector<16xf32>
      %mul3A_290 = arith.mulf %mul3A_284, %sub3A_289 : vector<16xf32>
      %mul3A_291 = arith.mulf %mul3A_278, %mul3A_290 : vector<16xf32>
      %mul3A_292 = arith.mulf %mul3A_291, %mul3A_290 : vector<16xf32>
      %sub3A_293 = arith.constant 1.500000e+00 : f32
      %sub3A_294 = vector.broadcast %sub3A_293 : f32 to vector<16xf32>
      %sub3A_295 = arith.subf %sub3A_294, %mul3A_292 : vector<16xf32>
      %mul3A_296 = arith.mulf %mul3A_290, %sub3A_295 : vector<16xf32>
      %mul3A_297 = arith.mulf %mul3A_278, %mul3A_296 : vector<16xf32>
      %mul3A_298 = arith.mulf %mul3A_297, %mul3A_296 : vector<16xf32>
      %sub3A_299 = arith.constant 1.500000e+00 : f32
      %sub3A_300 = vector.broadcast %sub3A_299 : f32 to vector<16xf32>
      %sub3A_301 = arith.subf %sub3A_300, %mul3A_298 : vector<16xf32>
      %mul3A_302 = arith.mulf %mul3A_296, %sub3A_301 : vector<16xf32>
      %scan3A_303 = arith.constant 0 : i32
      %scan3A_304 = arith.constant 32 : i32
      %scan3A_305 = arith.addi %scan3A_303, %scan3A_304 : i32
      %scan3A_306 = arith.constant 1 : i32
      %scan3A_307 = scf.for %scan3A_378 = %scan3A_303 to %scan3A_305 step %scan3A_306 iter_args(%scan3A_379 = %iota3A) -> (vector<16xi32>)  : i32 {
        %mul3A_380 = arith.constant 2 : i32
        %mul3A_381 = vector.broadcast %mul3A_380 : i32 to vector<16xi32>
        %mul3A_382 = arith.muli %scan3A_379, %mul3A_381 : vector<16xi32>
        %add3A_383 = arith.constant 1 : i32
        %add3A_384 = vector.broadcast %add3A_383 : i32 to vector<16xi32>
        %add3A_385 = arith.addi %mul3A_382, %add3A_384 : vector<16xi32>
        %gather3A = tpu.vector_load_idx %arg6[%add3A_259, %mul3A_382] : memref<320x128xf32, #tpu.memory_space<vmem>>[vector<16xi32>, vector<16xi32>], vector<16xf32>,
        %mul3A_386 = arith.mulf %gather3A, %mul3A_302 : vector<16xf32>
        %gather3A_387 = tpu.vector_load_idx %arg6[%add3A_259, %add3A_385] : memref<320x128xf32, #tpu.memory_space<vmem>>[vector<16xi32>, vector<16xi32>], vector<16xf32>,
        %mul3A_388 = arith.mulf %gather3A_387, %mul3A_302 : vector<16xf32>
        %pack3A = tpu.pack_subelements %mul3A_386, %mul3A_388 {pack_format = #tpu.pack_format<interleaved>, positions = array<i32: 0, 1>} : vector<16xf32>, vector<16xf32> -> vector<32xbf16>
        %bitcast3A_389 = vector.bitcast %pack3A : vector<32xbf16> to vector<16xi32>
        %gather3A_390 = tpu.vector_load_idx %arg7[%mul3A_382] : memref<128xf32, #tpu.memory_space<vmem>>[vector<16xi32>], vector<16xf32>,
        %gather3A_391 = tpu.vector_load_idx %arg7[%add3A_385] : memref<128xf32, #tpu.memory_space<vmem>>[vector<16xi32>], vector<16xf32>,
        %mul3A_392 = arith.mulf %mul3A_386, %gather3A_390 : vector<16xf32>
        %mul3A_393 = arith.mulf %mul3A_388, %gather3A_391 : vector<16xf32>
        %pack3A_394 = tpu.pack_subelements %mul3A_392, %mul3A_393 {pack_format = #tpu.pack_format<interleaved>, positions = array<i32: 0, 1>} : vector<16xf32>, vector<16xf32> -> vector<32xbf16>
        %bitcast3A_395 = vector.bitcast %pack3A_394 : vector<32xbf16> to vector<16xi32>
        tpu.vector_store_idx %arg9[%add3A_259, %scan3A_379], %bitcast3A_389 : memref<320x64xi32, #tpu.memory_space<vmem>>[vector<16xi32>, vector<16xi32>], vector<16xi32>,
        tpu.vector_store_idx %arg8[%add3A_259, %scan3A_379], %bitcast3A_395 : memref<320x64xi32, #tpu.memory_space<vmem>>[vector<16xi32>, vector<16xi32>], vector<16xi32>,
        %add3A_396 = arith.constant 1 : i32
        %add3A_397 = vector.broadcast %add3A_396 : i32 to vector<16xi32>
        %add3A_398 = arith.addi %scan3A_379, %add3A_397 : vector<16xi32>
        %and3A_399 = arith.constant 63 : i32
        %and3A_400 = vector.broadcast %and3A_399 : i32 to vector<16xi32>
        %and3A_401 = arith.andi %add3A_398, %and3A_400 : vector<16xi32>
        %mul3A_402 = arith.constant 2 : i32
        %mul3A_403 = vector.broadcast %mul3A_402 : i32 to vector<16xi32>
        %mul3A_404 = arith.muli %and3A_401, %mul3A_403 : vector<16xi32>
        %add3A_405 = arith.constant 1 : i32
        %add3A_406 = vector.broadcast %add3A_405 : i32 to vector<16xi32>
        %add3A_407 = arith.addi %mul3A_404, %add3A_406 : vector<16xi32>
        %gather3A_408 = tpu.vector_load_idx %arg6[%add3A_259, %mul3A_404] : memref<320x128xf32, #tpu.memory_space<vmem>>[vector<16xi32>, vector<16xi32>], vector<16xf32>,
        %mul3A_409 = arith.mulf %gather3A_408, %mul3A_302 : vector<16xf32>
        %gather3A_410 = tpu.vector_load_idx %arg6[%add3A_259, %add3A_407] : memref<320x128xf32, #tpu.memory_space<vmem>>[vector<16xi32>, vector<16xi32>], vector<16xf32>,
        %mul3A_411 = arith.mulf %gather3A_410, %mul3A_302 : vector<16xf32>
        %pack3A_412 = tpu.pack_subelements %mul3A_409, %mul3A_411 {pack_format = #tpu.pack_format<interleaved>, positions = array<i32: 0, 1>} : vector<16xf32>, vector<16xf32> -> vector<32xbf16>
        %bitcast3A_413 = vector.bitcast %pack3A_412 : vector<32xbf16> to vector<16xi32>
        %gather3A_414 = tpu.vector_load_idx %arg7[%mul3A_404] : memref<128xf32, #tpu.memory_space<vmem>>[vector<16xi32>], vector<16xf32>,
        %gather3A_415 = tpu.vector_load_idx %arg7[%add3A_407] : memref<128xf32, #tpu.memory_space<vmem>>[vector<16xi32>], vector<16xf32>,
        %mul3A_416 = arith.mulf %mul3A_409, %gather3A_414 : vector<16xf32>
        %mul3A_417 = arith.mulf %mul3A_411, %gather3A_415 : vector<16xf32>
        %pack3A_418 = tpu.pack_subelements %mul3A_416, %mul3A_417 {pack_format = #tpu.pack_format<interleaved>, positions = array<i32: 0, 1>} : vector<16xf32>, vector<16xf32> -> vector<32xbf16>
        %bitcast3A_419 = vector.bitcast %pack3A_418 : vector<32xbf16> to vector<16xi32>
        tpu.vector_store_idx %arg9[%add3A_259, %and3A_401], %bitcast3A_413 : memref<320x64xi32, #tpu.memory_space<vmem>>[vector<16xi32>, vector<16xi32>], vector<16xi32>,
        tpu.vector_store_idx %arg8[%add3A_259, %and3A_401], %bitcast3A_419 : memref<320x64xi32, #tpu.memory_space<vmem>>[vector<16xi32>, vector<16xi32>], vector<16xi32>,
        %add3A_420 = arith.constant 1 : i32
        %add3A_421 = vector.broadcast %add3A_420 : i32 to vector<16xi32>
        %add3A_422 = arith.addi %and3A_401, %add3A_421 : vector<16xi32>
        %and3A_423 = arith.constant 63 : i32
        %and3A_424 = vector.broadcast %and3A_423 : i32 to vector<16xi32>
        %and3A_425 = arith.andi %add3A_422, %and3A_424 : vector<16xi32>
        scf.yield %and3A_425 : vector<16xi32>
      }
      %scan3A_308 = arith.constant 32 : i32
      %broadcast_in_dim3A_309 = arith.constant 64 : i32
      %broadcast_in_dim3A_310 = vector.broadcast %broadcast_in_dim3A_309 : i32 to vector<16xi32>
      %add3A_311 = vector.broadcast %mul3A_96 : i32 to vector<16xi32>
      %add3A_312 = arith.addi %broadcast_in_dim3A_310, %add3A_311 : vector<16xi32>
      %add3A_313 = arith.addi %add3A_312, %iota3A : vector<16xi32>
      %broadcast_in_dim3A_314 = arith.constant 0.000000e+00 : f32
      %broadcast_in_dim3A_315 = vector.broadcast %broadcast_in_dim3A_314 : f32 to vector<16xf32>
      %scan3A_316 = arith.constant 0 : i32
      %scan3A_317 = arith.constant 32 : i32
      %scan3A_318 = arith.addi %scan3A_316, %scan3A_317 : i32
      %scan3A_319 = arith.constant 1 : i32
      %scan3A_320:2 = scf.for %scan3A_378 = %scan3A_316 to %scan3A_318 step %scan3A_319 iter_args(%scan3A_379 = %iota3A, %scan3A_380 = %broadcast_in_dim3A_315) -> (vector<16xi32>, vector<16xf32>)  : i32 {
        %gather3A = tpu.vector_load_idx %arg6[%add3A_313, %scan3A_379] : memref<320x128xf32, #tpu.memory_space<vmem>>[vector<16xi32>, vector<16xi32>], vector<16xf32>,
        %mul3A_381 = arith.mulf %gather3A, %gather3A : vector<16xf32>
        %add3A_382 = arith.addf %scan3A_380, %mul3A_381 : vector<16xf32>
        %add3A_383 = arith.constant 1 : i32
        %add3A_384 = vector.broadcast %add3A_383 : i32 to vector<16xi32>
        %add3A_385 = arith.addi %scan3A_379, %add3A_384 : vector<16xi32>
        %and3A_386 = arith.constant 127 : i32
        %and3A_387 = vector.broadcast %and3A_386 : i32 to vector<16xi32>
        %and3A_388 = arith.andi %add3A_385, %and3A_387 : vector<16xi32>
        %gather3A_389 = tpu.vector_load_idx %arg6[%add3A_313, %and3A_388] : memref<320x128xf32, #tpu.memory_space<vmem>>[vector<16xi32>, vector<16xi32>], vector<16xf32>,
        %mul3A_390 = arith.mulf %gather3A_389, %gather3A_389 : vector<16xf32>
        %add3A_391 = arith.addf %add3A_382, %mul3A_390 : vector<16xf32>
        %add3A_392 = arith.constant 1 : i32
        %add3A_393 = vector.broadcast %add3A_392 : i32 to vector<16xi32>
        %add3A_394 = arith.addi %and3A_388, %add3A_393 : vector<16xi32>
        %and3A_395 = arith.constant 127 : i32
        %and3A_396 = vector.broadcast %and3A_395 : i32 to vector<16xi32>
        %and3A_397 = arith.andi %add3A_394, %and3A_396 : vector<16xi32>
        %gather3A_398 = tpu.vector_load_idx %arg6[%add3A_313, %and3A_397] : memref<320x128xf32, #tpu.memory_space<vmem>>[vector<16xi32>, vector<16xi32>], vector<16xf32>,
        %mul3A_399 = arith.mulf %gather3A_398, %gather3A_398 : vector<16xf32>
        %add3A_400 = arith.addf %add3A_391, %mul3A_399 : vector<16xf32>
        %add3A_401 = arith.constant 1 : i32
        %add3A_402 = vector.broadcast %add3A_401 : i32 to vector<16xi32>
        %add3A_403 = arith.addi %and3A_397, %add3A_402 : vector<16xi32>
        %and3A_404 = arith.constant 127 : i32
        %and3A_405 = vector.broadcast %and3A_404 : i32 to vector<16xi32>
        %and3A_406 = arith.andi %add3A_403, %and3A_405 : vector<16xi32>
        %gather3A_407 = tpu.vector_load_idx %arg6[%add3A_313, %and3A_406] : memref<320x128xf32, #tpu.memory_space<vmem>>[vector<16xi32>, vector<16xi32>], vector<16xf32>,
        %mul3A_408 = arith.mulf %gather3A_407, %gather3A_407 : vector<16xf32>
        %add3A_409 = arith.addf %add3A_400, %mul3A_408 : vector<16xf32>
        %add3A_410 = arith.constant 1 : i32
        %add3A_411 = vector.broadcast %add3A_410 : i32 to vector<16xi32>
        %add3A_412 = arith.addi %and3A_406, %add3A_411 : vector<16xi32>
        %and3A_413 = arith.constant 127 : i32
        %and3A_414 = vector.broadcast %and3A_413 : i32 to vector<16xi32>
        %and3A_415 = arith.andi %add3A_412, %and3A_414 : vector<16xi32>
        scf.yield %and3A_415, %add3A_409 : vector<16xi32>, vector<16xf32>
      }
      %scan3A_321 = arith.constant 32 : i32
      %broadcast_in_dim3A_322 = arith.constant 1597463007 : i32
      %broadcast_in_dim3A_323 = vector.broadcast %broadcast_in_dim3A_322 : i32 to vector<16xi32>
      %bitcast3A_324 = vector.bitcast %scan3A_320#1 : vector<16xf32> to vector<16xi32>
      %shift_right_arithmetic3A_325 = arith.constant 1 : i32
      %shift_right_arithmetic3A_326 = vector.broadcast %shift_right_arithmetic3A_325 : i32 to vector<16xi32>
      %shift_right_arithmetic3A_327 = arith.shrsi %bitcast3A_324, %shift_right_arithmetic3A_326 : vector<16xi32>
      %sub3A_328 = arith.subi %broadcast_in_dim3A_323, %shift_right_arithmetic3A_327 : vector<16xi32>
      %bitcast3A_329 = vector.bitcast %sub3A_328 : vector<16xi32> to vector<16xf32>
      %mul3A_330 = arith.constant 5.000000e-01 : f32
      %mul3A_331 = vector.broadcast %mul3A_330 : f32 to vector<16xf32>
      %mul3A_332 = arith.mulf %mul3A_331, %scan3A_320#1 : vector<16xf32>
      %mul3A_333 = arith.mulf %mul3A_332, %bitcast3A_329 : vector<16xf32>
      %mul3A_334 = arith.mulf %mul3A_333, %bitcast3A_329 : vector<16xf32>
      %sub3A_335 = arith.constant 1.500000e+00 : f32
      %sub3A_336 = vector.broadcast %sub3A_335 : f32 to vector<16xf32>
      %sub3A_337 = arith.subf %sub3A_336, %mul3A_334 : vector<16xf32>
      %mul3A_338 = arith.mulf %bitcast3A_329, %sub3A_337 : vector<16xf32>
      %mul3A_339 = arith.mulf %mul3A_332, %mul3A_338 : vector<16xf32>
      %mul3A_340 = arith.mulf %mul3A_339, %mul3A_338 : vector<16xf32>
      %sub3A_341 = arith.constant 1.500000e+00 : f32
      %sub3A_342 = vector.broadcast %sub3A_341 : f32 to vector<16xf32>
      %sub3A_343 = arith.subf %sub3A_342, %mul3A_340 : vector<16xf32>
      %mul3A_344 = arith.mulf %mul3A_338, %sub3A_343 : vector<16xf32>
      %mul3A_345 = arith.mulf %mul3A_332, %mul3A_344 : vector<16xf32>
      %mul3A_346 = arith.mulf %mul3A_345, %mul3A_344 : vector<16xf32>
      %sub3A_347 = arith.constant 1.500000e+00 : f32
      %sub3A_348 = vector.broadcast %sub3A_347 : f32 to vector<16xf32>
      %sub3A_349 = arith.subf %sub3A_348, %mul3A_346 : vector<16xf32>
      %mul3A_350 = arith.mulf %mul3A_344, %sub3A_349 : vector<16xf32>
      %mul3A_351 = arith.mulf %mul3A_332, %mul3A_350 : vector<16xf32>
      %mul3A_352 = arith.mulf %mul3A_351, %mul3A_350 : vector<16xf32>
      %sub3A_353 = arith.constant 1.500000e+00 : f32
      %sub3A_354 = vector.broadcast %sub3A_353 : f32 to vector<16xf32>
      %sub3A_355 = arith.subf %sub3A_354, %mul3A_352 : vector<16xf32>
      %mul3A_356 = arith.mulf %mul3A_350, %sub3A_355 : vector<16xf32>
      %scan3A_357 = arith.constant 0 : i32
      %scan3A_358 = arith.constant 32 : i32
      %scan3A_359 = arith.addi %scan3A_357, %scan3A_358 : i32
      %scan3A_360 = arith.constant 1 : i32
      %scan3A_361 = scf.for %scan3A_378 = %scan3A_357 to %scan3A_359 step %scan3A_360 iter_args(%scan3A_379 = %iota3A) -> (vector<16xi32>)  : i32 {
        %mul3A_380 = arith.constant 2 : i32
        %mul3A_381 = vector.broadcast %mul3A_380 : i32 to vector<16xi32>
        %mul3A_382 = arith.muli %scan3A_379, %mul3A_381 : vector<16xi32>
        %add3A_383 = arith.constant 1 : i32
        %add3A_384 = vector.broadcast %add3A_383 : i32 to vector<16xi32>
        %add3A_385 = arith.addi %mul3A_382, %add3A_384 : vector<16xi32>
        %gather3A = tpu.vector_load_idx %arg6[%add3A_313, %mul3A_382] : memref<320x128xf32, #tpu.memory_space<vmem>>[vector<16xi32>, vector<16xi32>], vector<16xf32>,
        %mul3A_386 = arith.mulf %gather3A, %mul3A_356 : vector<16xf32>
        %gather3A_387 = tpu.vector_load_idx %arg6[%add3A_313, %add3A_385] : memref<320x128xf32, #tpu.memory_space<vmem>>[vector<16xi32>, vector<16xi32>], vector<16xf32>,
        %mul3A_388 = arith.mulf %gather3A_387, %mul3A_356 : vector<16xf32>
        %pack3A = tpu.pack_subelements %mul3A_386, %mul3A_388 {pack_format = #tpu.pack_format<interleaved>, positions = array<i32: 0, 1>} : vector<16xf32>, vector<16xf32> -> vector<32xbf16>
        %bitcast3A_389 = vector.bitcast %pack3A : vector<32xbf16> to vector<16xi32>
        %gather3A_390 = tpu.vector_load_idx %arg7[%mul3A_382] : memref<128xf32, #tpu.memory_space<vmem>>[vector<16xi32>], vector<16xf32>,
        %gather3A_391 = tpu.vector_load_idx %arg7[%add3A_385] : memref<128xf32, #tpu.memory_space<vmem>>[vector<16xi32>], vector<16xf32>,
        %mul3A_392 = arith.mulf %mul3A_386, %gather3A_390 : vector<16xf32>
        %mul3A_393 = arith.mulf %mul3A_388, %gather3A_391 : vector<16xf32>
        %pack3A_394 = tpu.pack_subelements %mul3A_392, %mul3A_393 {pack_format = #tpu.pack_format<interleaved>, positions = array<i32: 0, 1>} : vector<16xf32>, vector<16xf32> -> vector<32xbf16>
        %bitcast3A_395 = vector.bitcast %pack3A_394 : vector<32xbf16> to vector<16xi32>
        tpu.vector_store_idx %arg9[%add3A_313, %scan3A_379], %bitcast3A_389 : memref<320x64xi32, #tpu.memory_space<vmem>>[vector<16xi32>, vector<16xi32>], vector<16xi32>,
        tpu.vector_store_idx %arg8[%add3A_313, %scan3A_379], %bitcast3A_395 : memref<320x64xi32, #tpu.memory_space<vmem>>[vector<16xi32>, vector<16xi32>], vector<16xi32>,
        %add3A_396 = arith.constant 1 : i32
        %add3A_397 = vector.broadcast %add3A_396 : i32 to vector<16xi32>
        %add3A_398 = arith.addi %scan3A_379, %add3A_397 : vector<16xi32>
        %and3A_399 = arith.constant 63 : i32
        %and3A_400 = vector.broadcast %and3A_399 : i32 to vector<16xi32>
        %and3A_401 = arith.andi %add3A_398, %and3A_400 : vector<16xi32>
        %mul3A_402 = arith.constant 2 : i32
        %mul3A_403 = vector.broadcast %mul3A_402 : i32 to vector<16xi32>
        %mul3A_404 = arith.muli %and3A_401, %mul3A_403 : vector<16xi32>
        %add3A_405 = arith.constant 1 : i32
        %add3A_406 = vector.broadcast %add3A_405 : i32 to vector<16xi32>
        %add3A_407 = arith.addi %mul3A_404, %add3A_406 : vector<16xi32>
        %gather3A_408 = tpu.vector_load_idx %arg6[%add3A_313, %mul3A_404] : memref<320x128xf32, #tpu.memory_space<vmem>>[vector<16xi32>, vector<16xi32>], vector<16xf32>,
        %mul3A_409 = arith.mulf %gather3A_408, %mul3A_356 : vector<16xf32>
        %gather3A_410 = tpu.vector_load_idx %arg6[%add3A_313, %add3A_407] : memref<320x128xf32, #tpu.memory_space<vmem>>[vector<16xi32>, vector<16xi32>], vector<16xf32>,
        %mul3A_411 = arith.mulf %gather3A_410, %mul3A_356 : vector<16xf32>
        %pack3A_412 = tpu.pack_subelements %mul3A_409, %mul3A_411 {pack_format = #tpu.pack_format<interleaved>, positions = array<i32: 0, 1>} : vector<16xf32>, vector<16xf32> -> vector<32xbf16>
        %bitcast3A_413 = vector.bitcast %pack3A_412 : vector<32xbf16> to vector<16xi32>
        %gather3A_414 = tpu.vector_load_idx %arg7[%mul3A_404] : memref<128xf32, #tpu.memory_space<vmem>>[vector<16xi32>], vector<16xf32>,
        %gather3A_415 = tpu.vector_load_idx %arg7[%add3A_407] : memref<128xf32, #tpu.memory_space<vmem>>[vector<16xi32>], vector<16xf32>,
        %mul3A_416 = arith.mulf %mul3A_409, %gather3A_414 : vector<16xf32>
        %mul3A_417 = arith.mulf %mul3A_411, %gather3A_415 : vector<16xf32>
        %pack3A_418 = tpu.pack_subelements %mul3A_416, %mul3A_417 {pack_format = #tpu.pack_format<interleaved>, positions = array<i32: 0, 1>} : vector<16xf32>, vector<16xf32> -> vector<32xbf16>
        %bitcast3A_419 = vector.bitcast %pack3A_418 : vector<32xbf16> to vector<16xi32>
        tpu.vector_store_idx %arg9[%add3A_313, %and3A_401], %bitcast3A_413 : memref<320x64xi32, #tpu.memory_space<vmem>>[vector<16xi32>, vector<16xi32>], vector<16xi32>,
        tpu.vector_store_idx %arg8[%add3A_313, %and3A_401], %bitcast3A_419 : memref<320x64xi32, #tpu.memory_space<vmem>>[vector<16xi32>, vector<16xi32>], vector<16xi32>,
        %add3A_420 = arith.constant 1 : i32
        %add3A_421 = vector.broadcast %add3A_420 : i32 to vector<16xi32>
        %add3A_422 = arith.addi %and3A_401, %add3A_421 : vector<16xi32>
        %and3A_423 = arith.constant 63 : i32
        %and3A_424 = vector.broadcast %and3A_423 : i32 to vector<16xi32>
        %and3A_425 = arith.andi %add3A_422, %and3A_424 : vector<16xi32>
        scf.yield %and3A_425 : vector<16xi32>
      }
      %scan3A_362 = arith.constant 32 : i32
      %dma_start3A = arith.constant 0 : i32
      %dma_start3A_363 = tpu.memref_slice %arg8[%mul3A_96, %dma_start3A] : memref<320x64xi32, #tpu.memory_space<vmem>> -> memref<80x64xi32, #tpu.memory_space<vmem>>
      %dma_start3A_364 = arith.constant 0 : i32
      %dma_start3A_365 = tpu.memref_slice %arg4[%mul3A_94, %dma_start3A_364] : memref<10000x64xi32, #tpu.memory_space<hbm>> -> memref<80x64xi32, #tpu.memory_space<hbm>>
      %dma_start3A_366 = arith.constant 0 : i32
      %dma_start3A_367 = tpu.memref_slice %arg4[%mul3A_94, %dma_start3A_366] : memref<10000x64xi32, #tpu.memory_space<hbm>> -> memref<80x64xi32, #tpu.memory_space<hbm>>
      %dma_start3A_368 = arith.constant 0 : i32
      %dma_start3A_369 = tpu.memref_slice %arg8[%mul3A_96, %dma_start3A_368] : memref<320x64xi32, #tpu.memory_space<vmem>> -> memref<80x64xi32, #tpu.memory_space<vmem>>
      tpu.enqueue_dma source(%dma_start3A_369 : memref<80x64xi32, #tpu.memory_space<vmem>>) target(%dma_start3A_367 : memref<80x64xi32, #tpu.memory_space<hbm>>) target_semaphore(%arg11 : memref<!tpu.dma_semaphore, #tpu.memory_space<semaphore_mem>>)
      %dma_start3A_370 = arith.constant 0 : i32
      %dma_start3A_371 = tpu.memref_slice %arg9[%mul3A_96, %dma_start3A_370] : memref<320x64xi32, #tpu.memory_space<vmem>> -> memref<80x64xi32, #tpu.memory_space<vmem>>
      %dma_start3A_372 = arith.constant 0 : i32
      %dma_start3A_373 = tpu.memref_slice %arg5[%mul3A_94, %dma_start3A_372] : memref<10000x64xi32, #tpu.memory_space<hbm>> -> memref<80x64xi32, #tpu.memory_space<hbm>>
      %dma_start3A_374 = arith.constant 0 : i32
      %dma_start3A_375 = tpu.memref_slice %arg5[%mul3A_94, %dma_start3A_374] : memref<10000x64xi32, #tpu.memory_space<hbm>> -> memref<80x64xi32, #tpu.memory_space<hbm>>
      %dma_start3A_376 = arith.constant 0 : i32
      %dma_start3A_377 = tpu.memref_slice %arg9[%mul3A_96, %dma_start3A_376] : memref<320x64xi32, #tpu.memory_space<vmem>> -> memref<80x64xi32, #tpu.memory_space<vmem>>
      tpu.enqueue_dma source(%dma_start3A_377 : memref<80x64xi32, #tpu.memory_space<vmem>>) target(%dma_start3A_375 : memref<80x64xi32, #tpu.memory_space<hbm>>) target_semaphore(%arg11 : memref<!tpu.dma_semaphore, #tpu.memory_space<semaphore_mem>>)
    }
    %while3A_68 = arith.constant 1 : i32
    scf.for %while3A_89 = %while3A_66 to %while3A_62 step %while3A_68  : i32 {
      %mul3A_90 = arith.constant 32 : i32
      %mul3A_91 = arith.muli %while3A_89, %mul3A_90 : i32
      %add3A_92 = arith.addi %add3A, %mul3A_91 : i32
      %mul3A_93 = arith.constant 80 : i32
      %mul3A_94 = arith.muli %add3A_92, %mul3A_93 : i32
      %mul3A_95 = arith.constant 80 : i32
      %mul3A_96 = arith.muli %while3A_89, %mul3A_95 : i32
      %broadcast_in_dim3A = arith.constant 0 : i32
      %broadcast_in_dim3A_97 = vector.broadcast %broadcast_in_dim3A : i32 to vector<16xi32>
      %add3A_98 = vector.broadcast %mul3A_96 : i32 to vector<16xi32>
      %add3A_99 = arith.addi %broadcast_in_dim3A_97, %add3A_98 : vector<16xi32>
      %add3A_100 = arith.addi %add3A_99, %iota3A : vector<16xi32>
      %broadcast_in_dim3A_101 = arith.constant 0.000000e+00 : f32
      %broadcast_in_dim3A_102 = vector.broadcast %broadcast_in_dim3A_101 : f32 to vector<16xf32>
      %scan3A = arith.constant 0 : i32
      %scan3A_103 = arith.constant 32 : i32
      %scan3A_104 = arith.addi %scan3A, %scan3A_103 : i32
      %scan3A_105 = arith.constant 1 : i32
      %scan3A_106:2 = scf.for %scan3A_378 = %scan3A to %scan3A_104 step %scan3A_105 iter_args(%scan3A_379 = %iota3A, %scan3A_380 = %broadcast_in_dim3A_102) -> (vector<16xi32>, vector<16xf32>)  : i32 {
        %gather3A = tpu.vector_load_idx %arg6[%add3A_100, %scan3A_379] : memref<320x128xf32, #tpu.memory_space<vmem>>[vector<16xi32>, vector<16xi32>], vector<16xf32>,
        %mul3A_381 = arith.mulf %gather3A, %gather3A : vector<16xf32>
        %add3A_382 = arith.addf %scan3A_380, %mul3A_381 : vector<16xf32>
        %add3A_383 = arith.constant 1 : i32
        %add3A_384 = vector.broadcast %add3A_383 : i32 to vector<16xi32>
        %add3A_385 = arith.addi %scan3A_379, %add3A_384 : vector<16xi32>
        %and3A_386 = arith.constant 127 : i32
        %and3A_387 = vector.broadcast %and3A_386 : i32 to vector<16xi32>
        %and3A_388 = arith.andi %add3A_385, %and3A_387 : vector<16xi32>
        %gather3A_389 = tpu.vector_load_idx %arg6[%add3A_100, %and3A_388] : memref<320x128xf32, #tpu.memory_space<vmem>>[vector<16xi32>, vector<16xi32>], vector<16xf32>,
        %mul3A_390 = arith.mulf %gather3A_389, %gather3A_389 : vector<16xf32>
        %add3A_391 = arith.addf %add3A_382, %mul3A_390 : vector<16xf32>
        %add3A_392 = arith.constant 1 : i32
        %add3A_393 = vector.broadcast %add3A_392 : i32 to vector<16xi32>
        %add3A_394 = arith.addi %and3A_388, %add3A_393 : vector<16xi32>
        %and3A_395 = arith.constant 127 : i32
        %and3A_396 = vector.broadcast %and3A_395 : i32 to vector<16xi32>
        %and3A_397 = arith.andi %add3A_394, %and3A_396 : vector<16xi32>
        %gather3A_398 = tpu.vector_load_idx %arg6[%add3A_100, %and3A_397] : memref<320x128xf32, #tpu.memory_space<vmem>>[vector<16xi32>, vector<16xi32>], vector<16xf32>,
        %mul3A_399 = arith.mulf %gather3A_398, %gather3A_398 : vector<16xf32>
        %add3A_400 = arith.addf %add3A_391, %mul3A_399 : vector<16xf32>
        %add3A_401 = arith.constant 1 : i32
        %add3A_402 = vector.broadcast %add3A_401 : i32 to vector<16xi32>
        %add3A_403 = arith.addi %and3A_397, %add3A_402 : vector<16xi32>
        %and3A_404 = arith.constant 127 : i32
        %and3A_405 = vector.broadcast %and3A_404 : i32 to vector<16xi32>
        %and3A_406 = arith.andi %add3A_403, %and3A_405 : vector<16xi32>
        %gather3A_407 = tpu.vector_load_idx %arg6[%add3A_100, %and3A_406] : memref<320x128xf32, #tpu.memory_space<vmem>>[vector<16xi32>, vector<16xi32>], vector<16xf32>,
        %mul3A_408 = arith.mulf %gather3A_407, %gather3A_407 : vector<16xf32>
        %add3A_409 = arith.addf %add3A_400, %mul3A_408 : vector<16xf32>
        %add3A_410 = arith.constant 1 : i32
        %add3A_411 = vector.broadcast %add3A_410 : i32 to vector<16xi32>
        %add3A_412 = arith.addi %and3A_406, %add3A_411 : vector<16xi32>
        %and3A_413 = arith.constant 127 : i32
        %and3A_414 = vector.broadcast %and3A_413 : i32 to vector<16xi32>
        %and3A_415 = arith.andi %add3A_412, %and3A_414 : vector<16xi32>
        scf.yield %and3A_415, %add3A_409 : vector<16xi32>, vector<16xf32>
      }
      %scan3A_107 = arith.constant 32 : i32
      %broadcast_in_dim3A_108 = arith.constant 1597463007 : i32
      %broadcast_in_dim3A_109 = vector.broadcast %broadcast_in_dim3A_108 : i32 to vector<16xi32>
      %bitcast3A = vector.bitcast %scan3A_106#1 : vector<16xf32> to vector<16xi32>
      %shift_right_arithmetic3A = arith.constant 1 : i32
      %shift_right_arithmetic3A_110 = vector.broadcast %shift_right_arithmetic3A : i32 to vector<16xi32>
      %shift_right_arithmetic3A_111 = arith.shrsi %bitcast3A, %shift_right_arithmetic3A_110 : vector<16xi32>
      %sub3A_112 = arith.subi %broadcast_in_dim3A_109, %shift_right_arithmetic3A_111 : vector<16xi32>
      %bitcast3A_113 = vector.bitcast %sub3A_112 : vector<16xi32> to vector<16xf32>
      %mul3A_114 = arith.constant 5.000000e-01 : f32
      %mul3A_115 = vector.broadcast %mul3A_114 : f32 to vector<16xf32>
      %mul3A_116 = arith.mulf %mul3A_115, %scan3A_106#1 : vector<16xf32>
      %mul3A_117 = arith.mulf %mul3A_116, %bitcast3A_113 : vector<16xf32>
      %mul3A_118 = arith.mulf %mul3A_117, %bitcast3A_113 : vector<16xf32>
      %sub3A_119 = arith.constant 1.500000e+00 : f32
      %sub3A_120 = vector.broadcast %sub3A_119 : f32 to vector<16xf32>
      %sub3A_121 = arith.subf %sub3A_120, %mul3A_118 : vector<16xf32>
      %mul3A_122 = arith.mulf %bitcast3A_113, %sub3A_121 : vector<16xf32>
      %mul3A_123 = arith.mulf %mul3A_116, %mul3A_122 : vector<16xf32>
      %mul3A_124 = arith.mulf %mul3A_123, %mul3A_122 : vector<16xf32>
      %sub3A_125 = arith.constant 1.500000e+00 : f32
      %sub3A_126 = vector.broadcast %sub3A_125 : f32 to vector<16xf32>
      %sub3A_127 = arith.subf %sub3A_126, %mul3A_124 : vector<16xf32>
      %mul3A_128 = arith.mulf %mul3A_122, %sub3A_127 : vector<16xf32>
      %mul3A_129 = arith.mulf %mul3A_116, %mul3A_128 : vector<16xf32>
      %mul3A_130 = arith.mulf %mul3A_129, %mul3A_128 : vector<16xf32>
      %sub3A_131 = arith.constant 1.500000e+00 : f32
      %sub3A_132 = vector.broadcast %sub3A_131 : f32 to vector<16xf32>
      %sub3A_133 = arith.subf %sub3A_132, %mul3A_130 : vector<16xf32>
      %mul3A_134 = arith.mulf %mul3A_128, %sub3A_133 : vector<16xf32>
      %mul3A_135 = arith.mulf %mul3A_116, %mul3A_134 : vector<16xf32>
      %mul3A_136 = arith.mulf %mul3A_135, %mul3A_134 : vector<16xf32>
      %sub3A_137 = arith.constant 1.500000e+00 : f32
      %sub3A_138 = vector.broadcast %sub3A_137 : f32 to vector<16xf32>
      %sub3A_139 = arith.subf %sub3A_138, %mul3A_136 : vector<16xf32>
      %mul3A_140 = arith.mulf %mul3A_134, %sub3A_139 : vector<16xf32>
      %scan3A_141 = arith.constant 0 : i32
      %scan3A_142 = arith.constant 32 : i32
      %scan3A_143 = arith.addi %scan3A_141, %scan3A_142 : i32
      %scan3A_144 = arith.constant 1 : i32
      %scan3A_145 = scf.for %scan3A_378 = %scan3A_141 to %scan3A_143 step %scan3A_144 iter_args(%scan3A_379 = %iota3A) -> (vector<16xi32>)  : i32 {
        %mul3A_380 = arith.constant 2 : i32
        %mul3A_381 = vector.broadcast %mul3A_380 : i32 to vector<16xi32>
        %mul3A_382 = arith.muli %scan3A_379, %mul3A_381 : vector<16xi32>
        %add3A_383 = arith.constant 1 : i32
        %add3A_384 = vector.broadcast %add3A_383 : i32 to vector<16xi32>
        %add3A_385 = arith.addi %mul3A_382, %add3A_384 : vector<16xi32>
        %gather3A = tpu.vector_load_idx %arg6[%add3A_100, %mul3A_382] : memref<320x128xf32, #tpu.memory_space<vmem>>[vector<16xi32>, vector<16xi32>], vector<16xf32>,
        %mul3A_386 = arith.mulf %gather3A, %mul3A_140 : vector<16xf32>
        %gather3A_387 = tpu.vector_load_idx %arg6[%add3A_100, %add3A_385] : memref<320x128xf32, #tpu.memory_space<vmem>>[vector<16xi32>, vector<16xi32>], vector<16xf32>,
        %mul3A_388 = arith.mulf %gather3A_387, %mul3A_140 : vector<16xf32>
        %pack3A = tpu.pack_subelements %mul3A_386, %mul3A_388 {pack_format = #tpu.pack_format<interleaved>, positions = array<i32: 0, 1>} : vector<16xf32>, vector<16xf32> -> vector<32xbf16>
        %bitcast3A_389 = vector.bitcast %pack3A : vector<32xbf16> to vector<16xi32>
        %gather3A_390 = tpu.vector_load_idx %arg7[%mul3A_382] : memref<128xf32, #tpu.memory_space<vmem>>[vector<16xi32>], vector<16xf32>,
        %gather3A_391 = tpu.vector_load_idx %arg7[%add3A_385] : memref<128xf32, #tpu.memory_space<vmem>>[vector<16xi32>], vector<16xf32>,
        %mul3A_392 = arith.mulf %mul3A_386, %gather3A_390 : vector<16xf32>
        %mul3A_393 = arith.mulf %mul3A_388, %gather3A_391 : vector<16xf32>
        %pack3A_394 = tpu.pack_subelements %mul3A_392, %mul3A_393 {pack_format = #tpu.pack_format<interleaved>, positions = array<i32: 0, 1>} : vector<16xf32>, vector<16xf32> -> vector<32xbf16>
        %bitcast3A_395 = vector.bitcast %pack3A_394 : vector<32xbf16> to vector<16xi32>
        tpu.vector_store_idx %arg9[%add3A_100, %scan3A_379], %bitcast3A_389 : memref<320x64xi32, #tpu.memory_space<vmem>>[vector<16xi32>, vector<16xi32>], vector<16xi32>,
        tpu.vector_store_idx %arg8[%add3A_100, %scan3A_379], %bitcast3A_395 : memref<320x64xi32, #tpu.memory_space<vmem>>[vector<16xi32>, vector<16xi32>], vector<16xi32>,
        %add3A_396 = arith.constant 1 : i32
        %add3A_397 = vector.broadcast %add3A_396 : i32 to vector<16xi32>
        %add3A_398 = arith.addi %scan3A_379, %add3A_397 : vector<16xi32>
        %and3A_399 = arith.constant 63 : i32
        %and3A_400 = vector.broadcast %and3A_399 : i32 to vector<16xi32>
        %and3A_401 = arith.andi %add3A_398, %and3A_400 : vector<16xi32>
        %mul3A_402 = arith.constant 2 : i32
        %mul3A_403 = vector.broadcast %mul3A_402 : i32 to vector<16xi32>
        %mul3A_404 = arith.muli %and3A_401, %mul3A_403 : vector<16xi32>
        %add3A_405 = arith.constant 1 : i32
        %add3A_406 = vector.broadcast %add3A_405 : i32 to vector<16xi32>
        %add3A_407 = arith.addi %mul3A_404, %add3A_406 : vector<16xi32>
        %gather3A_408 = tpu.vector_load_idx %arg6[%add3A_100, %mul3A_404] : memref<320x128xf32, #tpu.memory_space<vmem>>[vector<16xi32>, vector<16xi32>], vector<16xf32>,
        %mul3A_409 = arith.mulf %gather3A_408, %mul3A_140 : vector<16xf32>
        %gather3A_410 = tpu.vector_load_idx %arg6[%add3A_100, %add3A_407] : memref<320x128xf32, #tpu.memory_space<vmem>>[vector<16xi32>, vector<16xi32>], vector<16xf32>,
        %mul3A_411 = arith.mulf %gather3A_410, %mul3A_140 : vector<16xf32>
        %pack3A_412 = tpu.pack_subelements %mul3A_409, %mul3A_411 {pack_format = #tpu.pack_format<interleaved>, positions = array<i32: 0, 1>} : vector<16xf32>, vector<16xf32> -> vector<32xbf16>
        %bitcast3A_413 = vector.bitcast %pack3A_412 : vector<32xbf16> to vector<16xi32>
        %gather3A_414 = tpu.vector_load_idx %arg7[%mul3A_404] : memref<128xf32, #tpu.memory_space<vmem>>[vector<16xi32>], vector<16xf32>,
        %gather3A_415 = tpu.vector_load_idx %arg7[%add3A_407] : memref<128xf32, #tpu.memory_space<vmem>>[vector<16xi32>], vector<16xf32>,
        %mul3A_416 = arith.mulf %mul3A_409, %gather3A_414 : vector<16xf32>
        %mul3A_417 = arith.mulf %mul3A_411, %gather3A_415 : vector<16xf32>
        %pack3A_418 = tpu.pack_subelements %mul3A_416, %mul3A_417 {pack_format = #tpu.pack_format<interleaved>, positions = array<i32: 0, 1>} : vector<16xf32>, vector<16xf32> -> vector<32xbf16>
        %bitcast3A_419 = vector.bitcast %pack3A_418 : vector<32xbf16> to vector<16xi32>
        tpu.vector_store_idx %arg9[%add3A_100, %and3A_401], %bitcast3A_413 : memref<320x64xi32, #tpu.memory_space<vmem>>[vector<16xi32>, vector<16xi32>], vector<16xi32>,
        tpu.vector_store_idx %arg8[%add3A_100, %and3A_401], %bitcast3A_419 : memref<320x64xi32, #tpu.memory_space<vmem>>[vector<16xi32>, vector<16xi32>], vector<16xi32>,
        %add3A_420 = arith.constant 1 : i32
        %add3A_421 = vector.broadcast %add3A_420 : i32 to vector<16xi32>
        %add3A_422 = arith.addi %and3A_401, %add3A_421 : vector<16xi32>
        %and3A_423 = arith.constant 63 : i32
        %and3A_424 = vector.broadcast %and3A_423 : i32 to vector<16xi32>
        %and3A_425 = arith.andi %add3A_422, %and3A_424 : vector<16xi32>
        scf.yield %and3A_425 : vector<16xi32>
      }
      %scan3A_146 = arith.constant 32 : i32
      %broadcast_in_dim3A_147 = arith.constant 16 : i32
      %broadcast_in_dim3A_148 = vector.broadcast %broadcast_in_dim3A_147 : i32 to vector<16xi32>
      %add3A_149 = vector.broadcast %mul3A_96 : i32 to vector<16xi32>
      %add3A_150 = arith.addi %broadcast_in_dim3A_148, %add3A_149 : vector<16xi32>
      %add3A_151 = arith.addi %add3A_150, %iota3A : vector<16xi32>
      %broadcast_in_dim3A_152 = arith.constant 0.000000e+00 : f32
      %broadcast_in_dim3A_153 = vector.broadcast %broadcast_in_dim3A_152 : f32 to vector<16xf32>
      %scan3A_154 = arith.constant 0 : i32
      %scan3A_155 = arith.constant 32 : i32
      %scan3A_156 = arith.addi %scan3A_154, %scan3A_155 : i32
      %scan3A_157 = arith.constant 1 : i32
      %scan3A_158:2 = scf.for %scan3A_378 = %scan3A_154 to %scan3A_156 step %scan3A_157 iter_args(%scan3A_379 = %iota3A, %scan3A_380 = %broadcast_in_dim3A_153) -> (vector<16xi32>, vector<16xf32>)  : i32 {
        %gather3A = tpu.vector_load_idx %arg6[%add3A_151, %scan3A_379] : memref<320x128xf32, #tpu.memory_space<vmem>>[vector<16xi32>, vector<16xi32>], vector<16xf32>,
        %mul3A_381 = arith.mulf %gather3A, %gather3A : vector<16xf32>
        %add3A_382 = arith.addf %scan3A_380, %mul3A_381 : vector<16xf32>
        %add3A_383 = arith.constant 1 : i32
        %add3A_384 = vector.broadcast %add3A_383 : i32 to vector<16xi32>
        %add3A_385 = arith.addi %scan3A_379, %add3A_384 : vector<16xi32>
        %and3A_386 = arith.constant 127 : i32
        %and3A_387 = vector.broadcast %and3A_386 : i32 to vector<16xi32>
        %and3A_388 = arith.andi %add3A_385, %and3A_387 : vector<16xi32>
        %gather3A_389 = tpu.vector_load_idx %arg6[%add3A_151, %and3A_388] : memref<320x128xf32, #tpu.memory_space<vmem>>[vector<16xi32>, vector<16xi32>], vector<16xf32>,
        %mul3A_390 = arith.mulf %gather3A_389, %gather3A_389 : vector<16xf32>
        %add3A_391 = arith.addf %add3A_382, %mul3A_390 : vector<16xf32>
        %add3A_392 = arith.constant 1 : i32
        %add3A_393 = vector.broadcast %add3A_392 : i32 to vector<16xi32>
        %add3A_394 = arith.addi %and3A_388, %add3A_393 : vector<16xi32>
        %and3A_395 = arith.constant 127 : i32
        %and3A_396 = vector.broadcast %and3A_395 : i32 to vector<16xi32>
        %and3A_397 = arith.andi %add3A_394, %and3A_396 : vector<16xi32>
        %gather3A_398 = tpu.vector_load_idx %arg6[%add3A_151, %and3A_397] : memref<320x128xf32, #tpu.memory_space<vmem>>[vector<16xi32>, vector<16xi32>], vector<16xf32>,
        %mul3A_399 = arith.mulf %gather3A_398, %gather3A_398 : vector<16xf32>
        %add3A_400 = arith.addf %add3A_391, %mul3A_399 : vector<16xf32>
        %add3A_401 = arith.constant 1 : i32
        %add3A_402 = vector.broadcast %add3A_401 : i32 to vector<16xi32>
        %add3A_403 = arith.addi %and3A_397, %add3A_402 : vector<16xi32>
        %and3A_404 = arith.constant 127 : i32
        %and3A_405 = vector.broadcast %and3A_404 : i32 to vector<16xi32>
        %and3A_406 = arith.andi %add3A_403, %and3A_405 : vector<16xi32>
        %gather3A_407 = tpu.vector_load_idx %arg6[%add3A_151, %and3A_406] : memref<320x128xf32, #tpu.memory_space<vmem>>[vector<16xi32>, vector<16xi32>], vector<16xf32>,
        %mul3A_408 = arith.mulf %gather3A_407, %gather3A_407 : vector<16xf32>
        %add3A_409 = arith.addf %add3A_400, %mul3A_408 : vector<16xf32>
        %add3A_410 = arith.constant 1 : i32
        %add3A_411 = vector.broadcast %add3A_410 : i32 to vector<16xi32>
        %add3A_412 = arith.addi %and3A_406, %add3A_411 : vector<16xi32>
        %and3A_413 = arith.constant 127 : i32
        %and3A_414 = vector.broadcast %and3A_413 : i32 to vector<16xi32>
        %and3A_415 = arith.andi %add3A_412, %and3A_414 : vector<16xi32>
        scf.yield %and3A_415, %add3A_409 : vector<16xi32>, vector<16xf32>
      }
      %scan3A_159 = arith.constant 32 : i32
      %broadcast_in_dim3A_160 = arith.constant 1597463007 : i32
      %broadcast_in_dim3A_161 = vector.broadcast %broadcast_in_dim3A_160 : i32 to vector<16xi32>
      %bitcast3A_162 = vector.bitcast %scan3A_158#1 : vector<16xf32> to vector<16xi32>
      %shift_right_arithmetic3A_163 = arith.constant 1 : i32
      %shift_right_arithmetic3A_164 = vector.broadcast %shift_right_arithmetic3A_163 : i32 to vector<16xi32>
      %shift_right_arithmetic3A_165 = arith.shrsi %bitcast3A_162, %shift_right_arithmetic3A_164 : vector<16xi32>
      %sub3A_166 = arith.subi %broadcast_in_dim3A_161, %shift_right_arithmetic3A_165 : vector<16xi32>
      %bitcast3A_167 = vector.bitcast %sub3A_166 : vector<16xi32> to vector<16xf32>
      %mul3A_168 = arith.constant 5.000000e-01 : f32
      %mul3A_169 = vector.broadcast %mul3A_168 : f32 to vector<16xf32>
      %mul3A_170 = arith.mulf %mul3A_169, %scan3A_158#1 : vector<16xf32>
      %mul3A_171 = arith.mulf %mul3A_170, %bitcast3A_167 : vector<16xf32>
      %mul3A_172 = arith.mulf %mul3A_171, %bitcast3A_167 : vector<16xf32>
      %sub3A_173 = arith.constant 1.500000e+00 : f32
      %sub3A_174 = vector.broadcast %sub3A_173 : f32 to vector<16xf32>
      %sub3A_175 = arith.subf %sub3A_174, %mul3A_172 : vector<16xf32>
      %mul3A_176 = arith.mulf %bitcast3A_167, %sub3A_175 : vector<16xf32>
      %mul3A_177 = arith.mulf %mul3A_170, %mul3A_176 : vector<16xf32>
      %mul3A_178 = arith.mulf %mul3A_177, %mul3A_176 : vector<16xf32>
      %sub3A_179 = arith.constant 1.500000e+00 : f32
      %sub3A_180 = vector.broadcast %sub3A_179 : f32 to vector<16xf32>
      %sub3A_181 = arith.subf %sub3A_180, %mul3A_178 : vector<16xf32>
      %mul3A_182 = arith.mulf %mul3A_176, %sub3A_181 : vector<16xf32>
      %mul3A_183 = arith.mulf %mul3A_170, %mul3A_182 : vector<16xf32>
      %mul3A_184 = arith.mulf %mul3A_183, %mul3A_182 : vector<16xf32>
      %sub3A_185 = arith.constant 1.500000e+00 : f32
      %sub3A_186 = vector.broadcast %sub3A_185 : f32 to vector<16xf32>
      %sub3A_187 = arith.subf %sub3A_186, %mul3A_184 : vector<16xf32>
      %mul3A_188 = arith.mulf %mul3A_182, %sub3A_187 : vector<16xf32>
      %mul3A_189 = arith.mulf %mul3A_170, %mul3A_188 : vector<16xf32>
      %mul3A_190 = arith.mulf %mul3A_189, %mul3A_188 : vector<16xf32>
      %sub3A_191 = arith.constant 1.500000e+00 : f32
      %sub3A_192 = vector.broadcast %sub3A_191 : f32 to vector<16xf32>
      %sub3A_193 = arith.subf %sub3A_192, %mul3A_190 : vector<16xf32>
      %mul3A_194 = arith.mulf %mul3A_188, %sub3A_193 : vector<16xf32>
      %scan3A_195 = arith.constant 0 : i32
      %scan3A_196 = arith.constant 32 : i32
      %scan3A_197 = arith.addi %scan3A_195, %scan3A_196 : i32
      %scan3A_198 = arith.constant 1 : i32
      %scan3A_199 = scf.for %scan3A_378 = %scan3A_195 to %scan3A_197 step %scan3A_198 iter_args(%scan3A_379 = %iota3A) -> (vector<16xi32>)  : i32 {
        %mul3A_380 = arith.constant 2 : i32
        %mul3A_381 = vector.broadcast %mul3A_380 : i32 to vector<16xi32>
        %mul3A_382 = arith.muli %scan3A_379, %mul3A_381 : vector<16xi32>
        %add3A_383 = arith.constant 1 : i32
        %add3A_384 = vector.broadcast %add3A_383 : i32 to vector<16xi32>
        %add3A_385 = arith.addi %mul3A_382, %add3A_384 : vector<16xi32>
        %gather3A = tpu.vector_load_idx %arg6[%add3A_151, %mul3A_382] : memref<320x128xf32, #tpu.memory_space<vmem>>[vector<16xi32>, vector<16xi32>], vector<16xf32>,
        %mul3A_386 = arith.mulf %gather3A, %mul3A_194 : vector<16xf32>
        %gather3A_387 = tpu.vector_load_idx %arg6[%add3A_151, %add3A_385] : memref<320x128xf32, #tpu.memory_space<vmem>>[vector<16xi32>, vector<16xi32>], vector<16xf32>,
        %mul3A_388 = arith.mulf %gather3A_387, %mul3A_194 : vector<16xf32>
        %pack3A = tpu.pack_subelements %mul3A_386, %mul3A_388 {pack_format = #tpu.pack_format<interleaved>, positions = array<i32: 0, 1>} : vector<16xf32>, vector<16xf32> -> vector<32xbf16>
        %bitcast3A_389 = vector.bitcast %pack3A : vector<32xbf16> to vector<16xi32>
        %gather3A_390 = tpu.vector_load_idx %arg7[%mul3A_382] : memref<128xf32, #tpu.memory_space<vmem>>[vector<16xi32>], vector<16xf32>,
        %gather3A_391 = tpu.vector_load_idx %arg7[%add3A_385] : memref<128xf32, #tpu.memory_space<vmem>>[vector<16xi32>], vector<16xf32>,
        %mul3A_392 = arith.mulf %mul3A_386, %gather3A_390 : vector<16xf32>
        %mul3A_393 = arith.mulf %mul3A_388, %gather3A_391 : vector<16xf32>
        %pack3A_394 = tpu.pack_subelements %mul3A_392, %mul3A_393 {pack_format = #tpu.pack_format<interleaved>, positions = array<i32: 0, 1>} : vector<16xf32>, vector<16xf32> -> vector<32xbf16>
        %bitcast3A_395 = vector.bitcast %pack3A_394 : vector<32xbf16> to vector<16xi32>
        tpu.vector_store_idx %arg9[%add3A_151, %scan3A_379], %bitcast3A_389 : memref<320x64xi32, #tpu.memory_space<vmem>>[vector<16xi32>, vector<16xi32>], vector<16xi32>,
        tpu.vector_store_idx %arg8[%add3A_151, %scan3A_379], %bitcast3A_395 : memref<320x64xi32, #tpu.memory_space<vmem>>[vector<16xi32>, vector<16xi32>], vector<16xi32>,
        %add3A_396 = arith.constant 1 : i32
        %add3A_397 = vector.broadcast %add3A_396 : i32 to vector<16xi32>
        %add3A_398 = arith.addi %scan3A_379, %add3A_397 : vector<16xi32>
        %and3A_399 = arith.constant 63 : i32
        %and3A_400 = vector.broadcast %and3A_399 : i32 to vector<16xi32>
        %and3A_401 = arith.andi %add3A_398, %and3A_400 : vector<16xi32>
        %mul3A_402 = arith.constant 2 : i32
        %mul3A_403 = vector.broadcast %mul3A_402 : i32 to vector<16xi32>
        %mul3A_404 = arith.muli %and3A_401, %mul3A_403 : vector<16xi32>
        %add3A_405 = arith.constant 1 : i32
        %add3A_406 = vector.broadcast %add3A_405 : i32 to vector<16xi32>
        %add3A_407 = arith.addi %mul3A_404, %add3A_406 : vector<16xi32>
        %gather3A_408 = tpu.vector_load_idx %arg6[%add3A_151, %mul3A_404] : memref<320x128xf32, #tpu.memory_space<vmem>>[vector<16xi32>, vector<16xi32>], vector<16xf32>,
        %mul3A_409 = arith.mulf %gather3A_408, %mul3A_194 : vector<16xf32>
        %gather3A_410 = tpu.vector_load_idx %arg6[%add3A_151, %add3A_407] : memref<320x128xf32, #tpu.memory_space<vmem>>[vector<16xi32>, vector<16xi32>], vector<16xf32>,
        %mul3A_411 = arith.mulf %gather3A_410, %mul3A_194 : vector<16xf32>
        %pack3A_412 = tpu.pack_subelements %mul3A_409, %mul3A_411 {pack_format = #tpu.pack_format<interleaved>, positions = array<i32: 0, 1>} : vector<16xf32>, vector<16xf32> -> vector<32xbf16>
        %bitcast3A_413 = vector.bitcast %pack3A_412 : vector<32xbf16> to vector<16xi32>
        %gather3A_414 = tpu.vector_load_idx %arg7[%mul3A_404] : memref<128xf32, #tpu.memory_space<vmem>>[vector<16xi32>], vector<16xf32>,
        %gather3A_415 = tpu.vector_load_idx %arg7[%add3A_407] : memref<128xf32, #tpu.memory_space<vmem>>[vector<16xi32>], vector<16xf32>,
        %mul3A_416 = arith.mulf %mul3A_409, %gather3A_414 : vector<16xf32>
        %mul3A_417 = arith.mulf %mul3A_411, %gather3A_415 : vector<16xf32>
        %pack3A_418 = tpu.pack_subelements %mul3A_416, %mul3A_417 {pack_format = #tpu.pack_format<interleaved>, positions = array<i32: 0, 1>} : vector<16xf32>, vector<16xf32> -> vector<32xbf16>
        %bitcast3A_419 = vector.bitcast %pack3A_418 : vector<32xbf16> to vector<16xi32>
        tpu.vector_store_idx %arg9[%add3A_151, %and3A_401], %bitcast3A_413 : memref<320x64xi32, #tpu.memory_space<vmem>>[vector<16xi32>, vector<16xi32>], vector<16xi32>,
        tpu.vector_store_idx %arg8[%add3A_151, %and3A_401], %bitcast3A_419 : memref<320x64xi32, #tpu.memory_space<vmem>>[vector<16xi32>, vector<16xi32>], vector<16xi32>,
        %add3A_420 = arith.constant 1 : i32
        %add3A_421 = vector.broadcast %add3A_420 : i32 to vector<16xi32>
        %add3A_422 = arith.addi %and3A_401, %add3A_421 : vector<16xi32>
        %and3A_423 = arith.constant 63 : i32
        %and3A_424 = vector.broadcast %and3A_423 : i32 to vector<16xi32>
        %and3A_425 = arith.andi %add3A_422, %and3A_424 : vector<16xi32>
        scf.yield %and3A_425 : vector<16xi32>
      }
      %scan3A_200 = arith.constant 32 : i32
      %broadcast_in_dim3A_201 = arith.constant 32 : i32
      %broadcast_in_dim3A_202 = vector.broadcast %broadcast_in_dim3A_201 : i32 to vector<16xi32>
      %add3A_203 = vector.broadcast %mul3A_96 : i32 to vector<16xi32>
      %add3A_204 = arith.addi %broadcast_in_dim3A_202, %add3A_203 : vector<16xi32>
      %add3A_205 = arith.addi %add3A_204, %iota3A : vector<16xi32>
      %broadcast_in_dim3A_206 = arith.constant 0.000000e+00 : f32
      %broadcast_in_dim3A_207 = vector.broadcast %broadcast_in_dim3A_206 : f32 to vector<16xf32>
      %scan3A_208 = arith.constant 0 : i32
      %scan3A_209 = arith.constant 32 : i32
      %scan3A_210 = arith.addi %scan3A_208, %scan3A_209 : i32
      %scan3A_211 = arith.constant 1 : i32
      %scan3A_212:2 = scf.for %scan3A_378 = %scan3A_208 to %scan3A_210 step %scan3A_211 iter_args(%scan3A_379 = %iota3A, %scan3A_380 = %broadcast_in_dim3A_207) -> (vector<16xi32>, vector<16xf32>)  : i32 {
        %gather3A = tpu.vector_load_idx %arg6[%add3A_205, %scan3A_379] : memref<320x128xf32, #tpu.memory_space<vmem>>[vector<16xi32>, vector<16xi32>], vector<16xf32>,
        %mul3A_381 = arith.mulf %gather3A, %gather3A : vector<16xf32>
        %add3A_382 = arith.addf %scan3A_380, %mul3A_381 : vector<16xf32>
        %add3A_383 = arith.constant 1 : i32
        %add3A_384 = vector.broadcast %add3A_383 : i32 to vector<16xi32>
        %add3A_385 = arith.addi %scan3A_379, %add3A_384 : vector<16xi32>
        %and3A_386 = arith.constant 127 : i32
        %and3A_387 = vector.broadcast %and3A_386 : i32 to vector<16xi32>
        %and3A_388 = arith.andi %add3A_385, %and3A_387 : vector<16xi32>
        %gather3A_389 = tpu.vector_load_idx %arg6[%add3A_205, %and3A_388] : memref<320x128xf32, #tpu.memory_space<vmem>>[vector<16xi32>, vector<16xi32>], vector<16xf32>,
        %mul3A_390 = arith.mulf %gather3A_389, %gather3A_389 : vector<16xf32>
        %add3A_391 = arith.addf %add3A_382, %mul3A_390 : vector<16xf32>
        %add3A_392 = arith.constant 1 : i32
        %add3A_393 = vector.broadcast %add3A_392 : i32 to vector<16xi32>
        %add3A_394 = arith.addi %and3A_388, %add3A_393 : vector<16xi32>
        %and3A_395 = arith.constant 127 : i32
        %and3A_396 = vector.broadcast %and3A_395 : i32 to vector<16xi32>
        %and3A_397 = arith.andi %add3A_394, %and3A_396 : vector<16xi32>
        %gather3A_398 = tpu.vector_load_idx %arg6[%add3A_205, %and3A_397] : memref<320x128xf32, #tpu.memory_space<vmem>>[vector<16xi32>, vector<16xi32>], vector<16xf32>,
        %mul3A_399 = arith.mulf %gather3A_398, %gather3A_398 : vector<16xf32>
        %add3A_400 = arith.addf %add3A_391, %mul3A_399 : vector<16xf32>
        %add3A_401 = arith.constant 1 : i32
        %add3A_402 = vector.broadcast %add3A_401 : i32 to vector<16xi32>
        %add3A_403 = arith.addi %and3A_397, %add3A_402 : vector<16xi32>
        %and3A_404 = arith.constant 127 : i32
        %and3A_405 = vector.broadcast %and3A_404 : i32 to vector<16xi32>
        %and3A_406 = arith.andi %add3A_403, %and3A_405 : vector<16xi32>
        %gather3A_407 = tpu.vector_load_idx %arg6[%add3A_205, %and3A_406] : memref<320x128xf32, #tpu.memory_space<vmem>>[vector<16xi32>, vector<16xi32>], vector<16xf32>,
        %mul3A_408 = arith.mulf %gather3A_407, %gather3A_407 : vector<16xf32>
        %add3A_409 = arith.addf %add3A_400, %mul3A_408 : vector<16xf32>
        %add3A_410 = arith.constant 1 : i32
        %add3A_411 = vector.broadcast %add3A_410 : i32 to vector<16xi32>
        %add3A_412 = arith.addi %and3A_406, %add3A_411 : vector<16xi32>
        %and3A_413 = arith.constant 127 : i32
        %and3A_414 = vector.broadcast %and3A_413 : i32 to vector<16xi32>
        %and3A_415 = arith.andi %add3A_412, %and3A_414 : vector<16xi32>
        scf.yield %and3A_415, %add3A_409 : vector<16xi32>, vector<16xf32>
      }
      %scan3A_213 = arith.constant 32 : i32
      %broadcast_in_dim3A_214 = arith.constant 1597463007 : i32
      %broadcast_in_dim3A_215 = vector.broadcast %broadcast_in_dim3A_214 : i32 to vector<16xi32>
      %bitcast3A_216 = vector.bitcast %scan3A_212#1 : vector<16xf32> to vector<16xi32>
      %shift_right_arithmetic3A_217 = arith.constant 1 : i32
      %shift_right_arithmetic3A_218 = vector.broadcast %shift_right_arithmetic3A_217 : i32 to vector<16xi32>
      %shift_right_arithmetic3A_219 = arith.shrsi %bitcast3A_216, %shift_right_arithmetic3A_218 : vector<16xi32>
      %sub3A_220 = arith.subi %broadcast_in_dim3A_215, %shift_right_arithmetic3A_219 : vector<16xi32>
      %bitcast3A_221 = vector.bitcast %sub3A_220 : vector<16xi32> to vector<16xf32>
      %mul3A_222 = arith.constant 5.000000e-01 : f32
      %mul3A_223 = vector.broadcast %mul3A_222 : f32 to vector<16xf32>
      %mul3A_224 = arith.mulf %mul3A_223, %scan3A_212#1 : vector<16xf32>
      %mul3A_225 = arith.mulf %mul3A_224, %bitcast3A_221 : vector<16xf32>
      %mul3A_226 = arith.mulf %mul3A_225, %bitcast3A_221 : vector<16xf32>
      %sub3A_227 = arith.constant 1.500000e+00 : f32
      %sub3A_228 = vector.broadcast %sub3A_227 : f32 to vector<16xf32>
      %sub3A_229 = arith.subf %sub3A_228, %mul3A_226 : vector<16xf32>
      %mul3A_230 = arith.mulf %bitcast3A_221, %sub3A_229 : vector<16xf32>
      %mul3A_231 = arith.mulf %mul3A_224, %mul3A_230 : vector<16xf32>
      %mul3A_232 = arith.mulf %mul3A_231, %mul3A_230 : vector<16xf32>
      %sub3A_233 = arith.constant 1.500000e+00 : f32
      %sub3A_234 = vector.broadcast %sub3A_233 : f32 to vector<16xf32>
      %sub3A_235 = arith.subf %sub3A_234, %mul3A_232 : vector<16xf32>
      %mul3A_236 = arith.mulf %mul3A_230, %sub3A_235 : vector<16xf32>
      %mul3A_237 = arith.mulf %mul3A_224, %mul3A_236 : vector<16xf32>
      %mul3A_238 = arith.mulf %mul3A_237, %mul3A_236 : vector<16xf32>
      %sub3A_239 = arith.constant 1.500000e+00 : f32
      %sub3A_240 = vector.broadcast %sub3A_239 : f32 to vector<16xf32>
      %sub3A_241 = arith.subf %sub3A_240, %mul3A_238 : vector<16xf32>
      %mul3A_242 = arith.mulf %mul3A_236, %sub3A_241 : vector<16xf32>
      %mul3A_243 = arith.mulf %mul3A_224, %mul3A_242 : vector<16xf32>
      %mul3A_244 = arith.mulf %mul3A_243, %mul3A_242 : vector<16xf32>
      %sub3A_245 = arith.constant 1.500000e+00 : f32
      %sub3A_246 = vector.broadcast %sub3A_245 : f32 to vector<16xf32>
      %sub3A_247 = arith.subf %sub3A_246, %mul3A_244 : vector<16xf32>
      %mul3A_248 = arith.mulf %mul3A_242, %sub3A_247 : vector<16xf32>
      %scan3A_249 = arith.constant 0 : i32
      %scan3A_250 = arith.constant 32 : i32
      %scan3A_251 = arith.addi %scan3A_249, %scan3A_250 : i32
      %scan3A_252 = arith.constant 1 : i32
      %scan3A_253 = scf.for %scan3A_378 = %scan3A_249 to %scan3A_251 step %scan3A_252 iter_args(%scan3A_379 = %iota3A) -> (vector<16xi32>)  : i32 {
        %mul3A_380 = arith.constant 2 : i32
        %mul3A_381 = vector.broadcast %mul3A_380 : i32 to vector<16xi32>
        %mul3A_382 = arith.muli %scan3A_379, %mul3A_381 : vector<16xi32>
        %add3A_383 = arith.constant 1 : i32
        %add3A_384 = vector.broadcast %add3A_383 : i32 to vector<16xi32>
        %add3A_385 = arith.addi %mul3A_382, %add3A_384 : vector<16xi32>
        %gather3A = tpu.vector_load_idx %arg6[%add3A_205, %mul3A_382] : memref<320x128xf32, #tpu.memory_space<vmem>>[vector<16xi32>, vector<16xi32>], vector<16xf32>,
        %mul3A_386 = arith.mulf %gather3A, %mul3A_248 : vector<16xf32>
        %gather3A_387 = tpu.vector_load_idx %arg6[%add3A_205, %add3A_385] : memref<320x128xf32, #tpu.memory_space<vmem>>[vector<16xi32>, vector<16xi32>], vector<16xf32>,
        %mul3A_388 = arith.mulf %gather3A_387, %mul3A_248 : vector<16xf32>
        %pack3A = tpu.pack_subelements %mul3A_386, %mul3A_388 {pack_format = #tpu.pack_format<interleaved>, positions = array<i32: 0, 1>} : vector<16xf32>, vector<16xf32> -> vector<32xbf16>
        %bitcast3A_389 = vector.bitcast %pack3A : vector<32xbf16> to vector<16xi32>
        %gather3A_390 = tpu.vector_load_idx %arg7[%mul3A_382] : memref<128xf32, #tpu.memory_space<vmem>>[vector<16xi32>], vector<16xf32>,
        %gather3A_391 = tpu.vector_load_idx %arg7[%add3A_385] : memref<128xf32, #tpu.memory_space<vmem>>[vector<16xi32>], vector<16xf32>,
        %mul3A_392 = arith.mulf %mul3A_386, %gather3A_390 : vector<16xf32>
        %mul3A_393 = arith.mulf %mul3A_388, %gather3A_391 : vector<16xf32>
        %pack3A_394 = tpu.pack_subelements %mul3A_392, %mul3A_393 {pack_format = #tpu.pack_format<interleaved>, positions = array<i32: 0, 1>} : vector<16xf32>, vector<16xf32> -> vector<32xbf16>
        %bitcast3A_395 = vector.bitcast %pack3A_394 : vector<32xbf16> to vector<16xi32>
        tpu.vector_store_idx %arg9[%add3A_205, %scan3A_379], %bitcast3A_389 : memref<320x64xi32, #tpu.memory_space<vmem>>[vector<16xi32>, vector<16xi32>], vector<16xi32>,
        tpu.vector_store_idx %arg8[%add3A_205, %scan3A_379], %bitcast3A_395 : memref<320x64xi32, #tpu.memory_space<vmem>>[vector<16xi32>, vector<16xi32>], vector<16xi32>,
        %add3A_396 = arith.constant 1 : i32
        %add3A_397 = vector.broadcast %add3A_396 : i32 to vector<16xi32>
        %add3A_398 = arith.addi %scan3A_379, %add3A_397 : vector<16xi32>
        %and3A_399 = arith.constant 63 : i32
        %and3A_400 = vector.broadcast %and3A_399 : i32 to vector<16xi32>
        %and3A_401 = arith.andi %add3A_398, %and3A_400 : vector<16xi32>
        %mul3A_402 = arith.constant 2 : i32
        %mul3A_403 = vector.broadcast %mul3A_402 : i32 to vector<16xi32>
        %mul3A_404 = arith.muli %and3A_401, %mul3A_403 : vector<16xi32>
        %add3A_405 = arith.constant 1 : i32
        %add3A_406 = vector.broadcast %add3A_405 : i32 to vector<16xi32>
        %add3A_407 = arith.addi %mul3A_404, %add3A_406 : vector<16xi32>
        %gather3A_408 = tpu.vector_load_idx %arg6[%add3A_205, %mul3A_404] : memref<320x128xf32, #tpu.memory_space<vmem>>[vector<16xi32>, vector<16xi32>], vector<16xf32>,
        %mul3A_409 = arith.mulf %gather3A_408, %mul3A_248 : vector<16xf32>
        %gather3A_410 = tpu.vector_load_idx %arg6[%add3A_205, %add3A_407] : memref<320x128xf32, #tpu.memory_space<vmem>>[vector<16xi32>, vector<16xi32>], vector<16xf32>,
        %mul3A_411 = arith.mulf %gather3A_410, %mul3A_248 : vector<16xf32>
        %pack3A_412 = tpu.pack_subelements %mul3A_409, %mul3A_411 {pack_format = #tpu.pack_format<interleaved>, positions = array<i32: 0, 1>} : vector<16xf32>, vector<16xf32> -> vector<32xbf16>
        %bitcast3A_413 = vector.bitcast %pack3A_412 : vector<32xbf16> to vector<16xi32>
        %gather3A_414 = tpu.vector_load_idx %arg7[%mul3A_404] : memref<128xf32, #tpu.memory_space<vmem>>[vector<16xi32>], vector<16xf32>,
        %gather3A_415 = tpu.vector_load_idx %arg7[%add3A_407] : memref<128xf32, #tpu.memory_space<vmem>>[vector<16xi32>], vector<16xf32>,
        %mul3A_416 = arith.mulf %mul3A_409, %gather3A_414 : vector<16xf32>
        %mul3A_417 = arith.mulf %mul3A_411, %gather3A_415 : vector<16xf32>
        %pack3A_418 = tpu.pack_subelements %mul3A_416, %mul3A_417 {pack_format = #tpu.pack_format<interleaved>, positions = array<i32: 0, 1>} : vector<16xf32>, vector<16xf32> -> vector<32xbf16>
        %bitcast3A_419 = vector.bitcast %pack3A_418 : vector<32xbf16> to vector<16xi32>
        tpu.vector_store_idx %arg9[%add3A_205, %and3A_401], %bitcast3A_413 : memref<320x64xi32, #tpu.memory_space<vmem>>[vector<16xi32>, vector<16xi32>], vector<16xi32>,
        tpu.vector_store_idx %arg8[%add3A_205, %and3A_401], %bitcast3A_419 : memref<320x64xi32, #tpu.memory_space<vmem>>[vector<16xi32>, vector<16xi32>], vector<16xi32>,
        %add3A_420 = arith.constant 1 : i32
        %add3A_421 = vector.broadcast %add3A_420 : i32 to vector<16xi32>
        %add3A_422 = arith.addi %and3A_401, %add3A_421 : vector<16xi32>
        %and3A_423 = arith.constant 63 : i32
        %and3A_424 = vector.broadcast %and3A_423 : i32 to vector<16xi32>
        %and3A_425 = arith.andi %add3A_422, %and3A_424 : vector<16xi32>
        scf.yield %and3A_425 : vector<16xi32>
      }
      %scan3A_254 = arith.constant 32 : i32
      %broadcast_in_dim3A_255 = arith.constant 48 : i32
      %broadcast_in_dim3A_256 = vector.broadcast %broadcast_in_dim3A_255 : i32 to vector<16xi32>
      %add3A_257 = vector.broadcast %mul3A_96 : i32 to vector<16xi32>
      %add3A_258 = arith.addi %broadcast_in_dim3A_256, %add3A_257 : vector<16xi32>
      %add3A_259 = arith.addi %add3A_258, %iota3A : vector<16xi32>
      %broadcast_in_dim3A_260 = arith.constant 0.000000e+00 : f32
      %broadcast_in_dim3A_261 = vector.broadcast %broadcast_in_dim3A_260 : f32 to vector<16xf32>
      %scan3A_262 = arith.constant 0 : i32
      %scan3A_263 = arith.constant 32 : i32
      %scan3A_264 = arith.addi %scan3A_262, %scan3A_263 : i32
      %scan3A_265 = arith.constant 1 : i32
      %scan3A_266:2 = scf.for %scan3A_378 = %scan3A_262 to %scan3A_264 step %scan3A_265 iter_args(%scan3A_379 = %iota3A, %scan3A_380 = %broadcast_in_dim3A_261) -> (vector<16xi32>, vector<16xf32>)  : i32 {
        %gather3A = tpu.vector_load_idx %arg6[%add3A_259, %scan3A_379] : memref<320x128xf32, #tpu.memory_space<vmem>>[vector<16xi32>, vector<16xi32>], vector<16xf32>,
        %mul3A_381 = arith.mulf %gather3A, %gather3A : vector<16xf32>
        %add3A_382 = arith.addf %scan3A_380, %mul3A_381 : vector<16xf32>
        %add3A_383 = arith.constant 1 : i32
        %add3A_384 = vector.broadcast %add3A_383 : i32 to vector<16xi32>
        %add3A_385 = arith.addi %scan3A_379, %add3A_384 : vector<16xi32>
        %and3A_386 = arith.constant 127 : i32
        %and3A_387 = vector.broadcast %and3A_386 : i32 to vector<16xi32>
        %and3A_388 = arith.andi %add3A_385, %and3A_387 : vector<16xi32>
        %gather3A_389 = tpu.vector_load_idx %arg6[%add3A_259, %and3A_388] : memref<320x128xf32, #tpu.memory_space<vmem>>[vector<16xi32>, vector<16xi32>], vector<16xf32>,
        %mul3A_390 = arith.mulf %gather3A_389, %gather3A_389 : vector<16xf32>
        %add3A_391 = arith.addf %add3A_382, %mul3A_390 : vector<16xf32>
        %add3A_392 = arith.constant 1 : i32
        %add3A_393 = vector.broadcast %add3A_392 : i32 to vector<16xi32>
        %add3A_394 = arith.addi %and3A_388, %add3A_393 : vector<16xi32>
        %and3A_395 = arith.constant 127 : i32
        %and3A_396 = vector.broadcast %and3A_395 : i32 to vector<16xi32>
        %and3A_397 = arith.andi %add3A_394, %and3A_396 : vector<16xi32>
        %gather3A_398 = tpu.vector_load_idx %arg6[%add3A_259, %and3A_397] : memref<320x128xf32, #tpu.memory_space<vmem>>[vector<16xi32>, vector<16xi32>], vector<16xf32>,
        %mul3A_399 = arith.mulf %gather3A_398, %gather3A_398 : vector<16xf32>
        %add3A_400 = arith.addf %add3A_391, %mul3A_399 : vector<16xf32>
        %add3A_401 = arith.constant 1 : i32
        %add3A_402 = vector.broadcast %add3A_401 : i32 to vector<16xi32>
        %add3A_403 = arith.addi %and3A_397, %add3A_402 : vector<16xi32>
        %and3A_404 = arith.constant 127 : i32
        %and3A_405 = vector.broadcast %and3A_404 : i32 to vector<16xi32>
        %and3A_406 = arith.andi %add3A_403, %and3A_405 : vector<16xi32>
        %gather3A_407 = tpu.vector_load_idx %arg6[%add3A_259, %and3A_406] : memref<320x128xf32, #tpu.memory_space<vmem>>[vector<16xi32>, vector<16xi32>], vector<16xf32>,
        %mul3A_408 = arith.mulf %gather3A_407, %gather3A_407 : vector<16xf32>
        %add3A_409 = arith.addf %add3A_400, %mul3A_408 : vector<16xf32>
        %add3A_410 = arith.constant 1 : i32
        %add3A_411 = vector.broadcast %add3A_410 : i32 to vector<16xi32>
        %add3A_412 = arith.addi %and3A_406, %add3A_411 : vector<16xi32>
        %and3A_413 = arith.constant 127 : i32
        %and3A_414 = vector.broadcast %and3A_413 : i32 to vector<16xi32>
        %and3A_415 = arith.andi %add3A_412, %and3A_414 : vector<16xi32>
        scf.yield %and3A_415, %add3A_409 : vector<16xi32>, vector<16xf32>
      }
      %scan3A_267 = arith.constant 32 : i32
      %broadcast_in_dim3A_268 = arith.constant 1597463007 : i32
      %broadcast_in_dim3A_269 = vector.broadcast %broadcast_in_dim3A_268 : i32 to vector<16xi32>
      %bitcast3A_270 = vector.bitcast %scan3A_266#1 : vector<16xf32> to vector<16xi32>
      %shift_right_arithmetic3A_271 = arith.constant 1 : i32
      %shift_right_arithmetic3A_272 = vector.broadcast %shift_right_arithmetic3A_271 : i32 to vector<16xi32>
      %shift_right_arithmetic3A_273 = arith.shrsi %bitcast3A_270, %shift_right_arithmetic3A_272 : vector<16xi32>
      %sub3A_274 = arith.subi %broadcast_in_dim3A_269, %shift_right_arithmetic3A_273 : vector<16xi32>
      %bitcast3A_275 = vector.bitcast %sub3A_274 : vector<16xi32> to vector<16xf32>
      %mul3A_276 = arith.constant 5.000000e-01 : f32
      %mul3A_277 = vector.broadcast %mul3A_276 : f32 to vector<16xf32>
      %mul3A_278 = arith.mulf %mul3A_277, %scan3A_266#1 : vector<16xf32>
      %mul3A_279 = arith.mulf %mul3A_278, %bitcast3A_275 : vector<16xf32>
      %mul3A_280 = arith.mulf %mul3A_279, %bitcast3A_275 : vector<16xf32>
      %sub3A_281 = arith.constant 1.500000e+00 : f32
      %sub3A_282 = vector.broadcast %sub3A_281 : f32 to vector<16xf32>
      %sub3A_283 = arith.subf %sub3A_282, %mul3A_280 : vector<16xf32>
      %mul3A_284 = arith.mulf %bitcast3A_275, %sub3A_283 : vector<16xf32>
      %mul3A_285 = arith.mulf %mul3A_278, %mul3A_284 : vector<16xf32>
      %mul3A_286 = arith.mulf %mul3A_285, %mul3A_284 : vector<16xf32>
      %sub3A_287 = arith.constant 1.500000e+00 : f32
      %sub3A_288 = vector.broadcast %sub3A_287 : f32 to vector<16xf32>
      %sub3A_289 = arith.subf %sub3A_288, %mul3A_286 : vector<16xf32>
      %mul3A_290 = arith.mulf %mul3A_284, %sub3A_289 : vector<16xf32>
      %mul3A_291 = arith.mulf %mul3A_278, %mul3A_290 : vector<16xf32>
      %mul3A_292 = arith.mulf %mul3A_291, %mul3A_290 : vector<16xf32>
      %sub3A_293 = arith.constant 1.500000e+00 : f32
      %sub3A_294 = vector.broadcast %sub3A_293 : f32 to vector<16xf32>
      %sub3A_295 = arith.subf %sub3A_294, %mul3A_292 : vector<16xf32>
      %mul3A_296 = arith.mulf %mul3A_290, %sub3A_295 : vector<16xf32>
      %mul3A_297 = arith.mulf %mul3A_278, %mul3A_296 : vector<16xf32>
      %mul3A_298 = arith.mulf %mul3A_297, %mul3A_296 : vector<16xf32>
      %sub3A_299 = arith.constant 1.500000e+00 : f32
      %sub3A_300 = vector.broadcast %sub3A_299 : f32 to vector<16xf32>
      %sub3A_301 = arith.subf %sub3A_300, %mul3A_298 : vector<16xf32>
      %mul3A_302 = arith.mulf %mul3A_296, %sub3A_301 : vector<16xf32>
      %scan3A_303 = arith.constant 0 : i32
      %scan3A_304 = arith.constant 32 : i32
      %scan3A_305 = arith.addi %scan3A_303, %scan3A_304 : i32
      %scan3A_306 = arith.constant 1 : i32
      %scan3A_307 = scf.for %scan3A_378 = %scan3A_303 to %scan3A_305 step %scan3A_306 iter_args(%scan3A_379 = %iota3A) -> (vector<16xi32>)  : i32 {
        %mul3A_380 = arith.constant 2 : i32
        %mul3A_381 = vector.broadcast %mul3A_380 : i32 to vector<16xi32>
        %mul3A_382 = arith.muli %scan3A_379, %mul3A_381 : vector<16xi32>
        %add3A_383 = arith.constant 1 : i32
        %add3A_384 = vector.broadcast %add3A_383 : i32 to vector<16xi32>
        %add3A_385 = arith.addi %mul3A_382, %add3A_384 : vector<16xi32>
        %gather3A = tpu.vector_load_idx %arg6[%add3A_259, %mul3A_382] : memref<320x128xf32, #tpu.memory_space<vmem>>[vector<16xi32>, vector<16xi32>], vector<16xf32>,
        %mul3A_386 = arith.mulf %gather3A, %mul3A_302 : vector<16xf32>
        %gather3A_387 = tpu.vector_load_idx %arg6[%add3A_259, %add3A_385] : memref<320x128xf32, #tpu.memory_space<vmem>>[vector<16xi32>, vector<16xi32>], vector<16xf32>,
        %mul3A_388 = arith.mulf %gather3A_387, %mul3A_302 : vector<16xf32>
        %pack3A = tpu.pack_subelements %mul3A_386, %mul3A_388 {pack_format = #tpu.pack_format<interleaved>, positions = array<i32: 0, 1>} : vector<16xf32>, vector<16xf32> -> vector<32xbf16>
        %bitcast3A_389 = vector.bitcast %pack3A : vector<32xbf16> to vector<16xi32>
        %gather3A_390 = tpu.vector_load_idx %arg7[%mul3A_382] : memref<128xf32, #tpu.memory_space<vmem>>[vector<16xi32>], vector<16xf32>,
        %gather3A_391 = tpu.vector_load_idx %arg7[%add3A_385] : memref<128xf32, #tpu.memory_space<vmem>>[vector<16xi32>], vector<16xf32>,
        %mul3A_392 = arith.mulf %mul3A_386, %gather3A_390 : vector<16xf32>
        %mul3A_393 = arith.mulf %mul3A_388, %gather3A_391 : vector<16xf32>
        %pack3A_394 = tpu.pack_subelements %mul3A_392, %mul3A_393 {pack_format = #tpu.pack_format<interleaved>, positions = array<i32: 0, 1>} : vector<16xf32>, vector<16xf32> -> vector<32xbf16>
        %bitcast3A_395 = vector.bitcast %pack3A_394 : vector<32xbf16> to vector<16xi32>
        tpu.vector_store_idx %arg9[%add3A_259, %scan3A_379], %bitcast3A_389 : memref<320x64xi32, #tpu.memory_space<vmem>>[vector<16xi32>, vector<16xi32>], vector<16xi32>,
        tpu.vector_store_idx %arg8[%add3A_259, %scan3A_379], %bitcast3A_395 : memref<320x64xi32, #tpu.memory_space<vmem>>[vector<16xi32>, vector<16xi32>], vector<16xi32>,
        %add3A_396 = arith.constant 1 : i32
        %add3A_397 = vector.broadcast %add3A_396 : i32 to vector<16xi32>
        %add3A_398 = arith.addi %scan3A_379, %add3A_397 : vector<16xi32>
        %and3A_399 = arith.constant 63 : i32
        %and3A_400 = vector.broadcast %and3A_399 : i32 to vector<16xi32>
        %and3A_401 = arith.andi %add3A_398, %and3A_400 : vector<16xi32>
        %mul3A_402 = arith.constant 2 : i32
        %mul3A_403 = vector.broadcast %mul3A_402 : i32 to vector<16xi32>
        %mul3A_404 = arith.muli %and3A_401, %mul3A_403 : vector<16xi32>
        %add3A_405 = arith.constant 1 : i32
        %add3A_406 = vector.broadcast %add3A_405 : i32 to vector<16xi32>
        %add3A_407 = arith.addi %mul3A_404, %add3A_406 : vector<16xi32>
        %gather3A_408 = tpu.vector_load_idx %arg6[%add3A_259, %mul3A_404] : memref<320x128xf32, #tpu.memory_space<vmem>>[vector<16xi32>, vector<16xi32>], vector<16xf32>,
        %mul3A_409 = arith.mulf %gather3A_408, %mul3A_302 : vector<16xf32>
        %gather3A_410 = tpu.vector_load_idx %arg6[%add3A_259, %add3A_407] : memref<320x128xf32, #tpu.memory_space<vmem>>[vector<16xi32>, vector<16xi32>], vector<16xf32>,
        %mul3A_411 = arith.mulf %gather3A_410, %mul3A_302 : vector<16xf32>
        %pack3A_412 = tpu.pack_subelements %mul3A_409, %mul3A_411 {pack_format = #tpu.pack_format<interleaved>, positions = array<i32: 0, 1>} : vector<16xf32>, vector<16xf32> -> vector<32xbf16>
        %bitcast3A_413 = vector.bitcast %pack3A_412 : vector<32xbf16> to vector<16xi32>
        %gather3A_414 = tpu.vector_load_idx %arg7[%mul3A_404] : memref<128xf32, #tpu.memory_space<vmem>>[vector<16xi32>], vector<16xf32>,
        %gather3A_415 = tpu.vector_load_idx %arg7[%add3A_407] : memref<128xf32, #tpu.memory_space<vmem>>[vector<16xi32>], vector<16xf32>,
        %mul3A_416 = arith.mulf %mul3A_409, %gather3A_414 : vector<16xf32>
        %mul3A_417 = arith.mulf %mul3A_411, %gather3A_415 : vector<16xf32>
        %pack3A_418 = tpu.pack_subelements %mul3A_416, %mul3A_417 {pack_format = #tpu.pack_format<interleaved>, positions = array<i32: 0, 1>} : vector<16xf32>, vector<16xf32> -> vector<32xbf16>
        %bitcast3A_419 = vector.bitcast %pack3A_418 : vector<32xbf16> to vector<16xi32>
        tpu.vector_store_idx %arg9[%add3A_259, %and3A_401], %bitcast3A_413 : memref<320x64xi32, #tpu.memory_space<vmem>>[vector<16xi32>, vector<16xi32>], vector<16xi32>,
        tpu.vector_store_idx %arg8[%add3A_259, %and3A_401], %bitcast3A_419 : memref<320x64xi32, #tpu.memory_space<vmem>>[vector<16xi32>, vector<16xi32>], vector<16xi32>,
        %add3A_420 = arith.constant 1 : i32
        %add3A_421 = vector.broadcast %add3A_420 : i32 to vector<16xi32>
        %add3A_422 = arith.addi %and3A_401, %add3A_421 : vector<16xi32>
        %and3A_423 = arith.constant 63 : i32
        %and3A_424 = vector.broadcast %and3A_423 : i32 to vector<16xi32>
        %and3A_425 = arith.andi %add3A_422, %and3A_424 : vector<16xi32>
        scf.yield %and3A_425 : vector<16xi32>
      }
      %scan3A_308 = arith.constant 32 : i32
      %broadcast_in_dim3A_309 = arith.constant 64 : i32
      %broadcast_in_dim3A_310 = vector.broadcast %broadcast_in_dim3A_309 : i32 to vector<16xi32>
      %add3A_311 = vector.broadcast %mul3A_96 : i32 to vector<16xi32>
      %add3A_312 = arith.addi %broadcast_in_dim3A_310, %add3A_311 : vector<16xi32>
      %add3A_313 = arith.addi %add3A_312, %iota3A : vector<16xi32>
      %broadcast_in_dim3A_314 = arith.constant 0.000000e+00 : f32
      %broadcast_in_dim3A_315 = vector.broadcast %broadcast_in_dim3A_314 : f32 to vector<16xf32>
      %scan3A_316 = arith.constant 0 : i32
      %scan3A_317 = arith.constant 32 : i32
      %scan3A_318 = arith.addi %scan3A_316, %scan3A_317 : i32
      %scan3A_319 = arith.constant 1 : i32
      %scan3A_320:2 = scf.for %scan3A_378 = %scan3A_316 to %scan3A_318 step %scan3A_319 iter_args(%scan3A_379 = %iota3A, %scan3A_380 = %broadcast_in_dim3A_315) -> (vector<16xi32>, vector<16xf32>)  : i32 {
        %gather3A = tpu.vector_load_idx %arg6[%add3A_313, %scan3A_379] : memref<320x128xf32, #tpu.memory_space<vmem>>[vector<16xi32>, vector<16xi32>], vector<16xf32>,
        %mul3A_381 = arith.mulf %gather3A, %gather3A : vector<16xf32>
        %add3A_382 = arith.addf %scan3A_380, %mul3A_381 : vector<16xf32>
        %add3A_383 = arith.constant 1 : i32
        %add3A_384 = vector.broadcast %add3A_383 : i32 to vector<16xi32>
        %add3A_385 = arith.addi %scan3A_379, %add3A_384 : vector<16xi32>
        %and3A_386 = arith.constant 127 : i32
        %and3A_387 = vector.broadcast %and3A_386 : i32 to vector<16xi32>
        %and3A_388 = arith.andi %add3A_385, %and3A_387 : vector<16xi32>
        %gather3A_389 = tpu.vector_load_idx %arg6[%add3A_313, %and3A_388] : memref<320x128xf32, #tpu.memory_space<vmem>>[vector<16xi32>, vector<16xi32>], vector<16xf32>,
        %mul3A_390 = arith.mulf %gather3A_389, %gather3A_389 : vector<16xf32>
        %add3A_391 = arith.addf %add3A_382, %mul3A_390 : vector<16xf32>
        %add3A_392 = arith.constant 1 : i32
        %add3A_393 = vector.broadcast %add3A_392 : i32 to vector<16xi32>
        %add3A_394 = arith.addi %and3A_388, %add3A_393 : vector<16xi32>
        %and3A_395 = arith.constant 127 : i32
        %and3A_396 = vector.broadcast %and3A_395 : i32 to vector<16xi32>
        %and3A_397 = arith.andi %add3A_394, %and3A_396 : vector<16xi32>
        %gather3A_398 = tpu.vector_load_idx %arg6[%add3A_313, %and3A_397] : memref<320x128xf32, #tpu.memory_space<vmem>>[vector<16xi32>, vector<16xi32>], vector<16xf32>,
        %mul3A_399 = arith.mulf %gather3A_398, %gather3A_398 : vector<16xf32>
        %add3A_400 = arith.addf %add3A_391, %mul3A_399 : vector<16xf32>
        %add3A_401 = arith.constant 1 : i32
        %add3A_402 = vector.broadcast %add3A_401 : i32 to vector<16xi32>
        %add3A_403 = arith.addi %and3A_397, %add3A_402 : vector<16xi32>
        %and3A_404 = arith.constant 127 : i32
        %and3A_405 = vector.broadcast %and3A_404 : i32 to vector<16xi32>
        %and3A_406 = arith.andi %add3A_403, %and3A_405 : vector<16xi32>
        %gather3A_407 = tpu.vector_load_idx %arg6[%add3A_313, %and3A_406] : memref<320x128xf32, #tpu.memory_space<vmem>>[vector<16xi32>, vector<16xi32>], vector<16xf32>,
        %mul3A_408 = arith.mulf %gather3A_407, %gather3A_407 : vector<16xf32>
        %add3A_409 = arith.addf %add3A_400, %mul3A_408 : vector<16xf32>
        %add3A_410 = arith.constant 1 : i32
        %add3A_411 = vector.broadcast %add3A_410 : i32 to vector<16xi32>
        %add3A_412 = arith.addi %and3A_406, %add3A_411 : vector<16xi32>
        %and3A_413 = arith.constant 127 : i32
        %and3A_414 = vector.broadcast %and3A_413 : i32 to vector<16xi32>
        %and3A_415 = arith.andi %add3A_412, %and3A_414 : vector<16xi32>
        scf.yield %and3A_415, %add3A_409 : vector<16xi32>, vector<16xf32>
      }
      %scan3A_321 = arith.constant 32 : i32
      %broadcast_in_dim3A_322 = arith.constant 1597463007 : i32
      %broadcast_in_dim3A_323 = vector.broadcast %broadcast_in_dim3A_322 : i32 to vector<16xi32>
      %bitcast3A_324 = vector.bitcast %scan3A_320#1 : vector<16xf32> to vector<16xi32>
      %shift_right_arithmetic3A_325 = arith.constant 1 : i32
      %shift_right_arithmetic3A_326 = vector.broadcast %shift_right_arithmetic3A_325 : i32 to vector<16xi32>
      %shift_right_arithmetic3A_327 = arith.shrsi %bitcast3A_324, %shift_right_arithmetic3A_326 : vector<16xi32>
      %sub3A_328 = arith.subi %broadcast_in_dim3A_323, %shift_right_arithmetic3A_327 : vector<16xi32>
      %bitcast3A_329 = vector.bitcast %sub3A_328 : vector<16xi32> to vector<16xf32>
      %mul3A_330 = arith.constant 5.000000e-01 : f32
      %mul3A_331 = vector.broadcast %mul3A_330 : f32 to vector<16xf32>
      %mul3A_332 = arith.mulf %mul3A_331, %scan3A_320#1 : vector<16xf32>
      %mul3A_333 = arith.mulf %mul3A_332, %bitcast3A_329 : vector<16xf32>
      %mul3A_334 = arith.mulf %mul3A_333, %bitcast3A_329 : vector<16xf32>
      %sub3A_335 = arith.constant 1.500000e+00 : f32
      %sub3A_336 = vector.broadcast %sub3A_335 : f32 to vector<16xf32>
      %sub3A_337 = arith.subf %sub3A_336, %mul3A_334 : vector<16xf32>
      %mul3A_338 = arith.mulf %bitcast3A_329, %sub3A_337 : vector<16xf32>
      %mul3A_339 = arith.mulf %mul3A_332, %mul3A_338 : vector<16xf32>
      %mul3A_340 = arith.mulf %mul3A_339, %mul3A_338 : vector<16xf32>
      %sub3A_341 = arith.constant 1.500000e+00 : f32
      %sub3A_342 = vector.broadcast %sub3A_341 : f32 to vector<16xf32>
      %sub3A_343 = arith.subf %sub3A_342, %mul3A_340 : vector<16xf32>
      %mul3A_344 = arith.mulf %mul3A_338, %sub3A_343 : vector<16xf32>
      %mul3A_345 = arith.mulf %mul3A_332, %mul3A_344 : vector<16xf32>
      %mul3A_346 = arith.mulf %mul3A_345, %mul3A_344 : vector<16xf32>
      %sub3A_347 = arith.constant 1.500000e+00 : f32
      %sub3A_348 = vector.broadcast %sub3A_347 : f32 to vector<16xf32>
      %sub3A_349 = arith.subf %sub3A_348, %mul3A_346 : vector<16xf32>
      %mul3A_350 = arith.mulf %mul3A_344, %sub3A_349 : vector<16xf32>
      %mul3A_351 = arith.mulf %mul3A_332, %mul3A_350 : vector<16xf32>
      %mul3A_352 = arith.mulf %mul3A_351, %mul3A_350 : vector<16xf32>
      %sub3A_353 = arith.constant 1.500000e+00 : f32
      %sub3A_354 = vector.broadcast %sub3A_353 : f32 to vector<16xf32>
      %sub3A_355 = arith.subf %sub3A_354, %mul3A_352 : vector<16xf32>
      %mul3A_356 = arith.mulf %mul3A_350, %sub3A_355 : vector<16xf32>
      %scan3A_357 = arith.constant 0 : i32
      %scan3A_358 = arith.constant 32 : i32
      %scan3A_359 = arith.addi %scan3A_357, %scan3A_358 : i32
      %scan3A_360 = arith.constant 1 : i32
      %scan3A_361 = scf.for %scan3A_378 = %scan3A_357 to %scan3A_359 step %scan3A_360 iter_args(%scan3A_379 = %iota3A) -> (vector<16xi32>)  : i32 {
        %mul3A_380 = arith.constant 2 : i32
        %mul3A_381 = vector.broadcast %mul3A_380 : i32 to vector<16xi32>
        %mul3A_382 = arith.muli %scan3A_379, %mul3A_381 : vector<16xi32>
        %add3A_383 = arith.constant 1 : i32
        %add3A_384 = vector.broadcast %add3A_383 : i32 to vector<16xi32>
        %add3A_385 = arith.addi %mul3A_382, %add3A_384 : vector<16xi32>
        %gather3A = tpu.vector_load_idx %arg6[%add3A_313, %mul3A_382] : memref<320x128xf32, #tpu.memory_space<vmem>>[vector<16xi32>, vector<16xi32>], vector<16xf32>,
        %mul3A_386 = arith.mulf %gather3A, %mul3A_356 : vector<16xf32>
        %gather3A_387 = tpu.vector_load_idx %arg6[%add3A_313, %add3A_385] : memref<320x128xf32, #tpu.memory_space<vmem>>[vector<16xi32>, vector<16xi32>], vector<16xf32>,
        %mul3A_388 = arith.mulf %gather3A_387, %mul3A_356 : vector<16xf32>
        %pack3A = tpu.pack_subelements %mul3A_386, %mul3A_388 {pack_format = #tpu.pack_format<interleaved>, positions = array<i32: 0, 1>} : vector<16xf32>, vector<16xf32> -> vector<32xbf16>
        %bitcast3A_389 = vector.bitcast %pack3A : vector<32xbf16> to vector<16xi32>
        %gather3A_390 = tpu.vector_load_idx %arg7[%mul3A_382] : memref<128xf32, #tpu.memory_space<vmem>>[vector<16xi32>], vector<16xf32>,
        %gather3A_391 = tpu.vector_load_idx %arg7[%add3A_385] : memref<128xf32, #tpu.memory_space<vmem>>[vector<16xi32>], vector<16xf32>,
        %mul3A_392 = arith.mulf %mul3A_386, %gather3A_390 : vector<16xf32>
        %mul3A_393 = arith.mulf %mul3A_388, %gather3A_391 : vector<16xf32>
        %pack3A_394 = tpu.pack_subelements %mul3A_392, %mul3A_393 {pack_format = #tpu.pack_format<interleaved>, positions = array<i32: 0, 1>} : vector<16xf32>, vector<16xf32> -> vector<32xbf16>
        %bitcast3A_395 = vector.bitcast %pack3A_394 : vector<32xbf16> to vector<16xi32>
        tpu.vector_store_idx %arg9[%add3A_313, %scan3A_379], %bitcast3A_389 : memref<320x64xi32, #tpu.memory_space<vmem>>[vector<16xi32>, vector<16xi32>], vector<16xi32>,
        tpu.vector_store_idx %arg8[%add3A_313, %scan3A_379], %bitcast3A_395 : memref<320x64xi32, #tpu.memory_space<vmem>>[vector<16xi32>, vector<16xi32>], vector<16xi32>,
        %add3A_396 = arith.constant 1 : i32
        %add3A_397 = vector.broadcast %add3A_396 : i32 to vector<16xi32>
        %add3A_398 = arith.addi %scan3A_379, %add3A_397 : vector<16xi32>
        %and3A_399 = arith.constant 63 : i32
        %and3A_400 = vector.broadcast %and3A_399 : i32 to vector<16xi32>
        %and3A_401 = arith.andi %add3A_398, %and3A_400 : vector<16xi32>
        %mul3A_402 = arith.constant 2 : i32
        %mul3A_403 = vector.broadcast %mul3A_402 : i32 to vector<16xi32>
        %mul3A_404 = arith.muli %and3A_401, %mul3A_403 : vector<16xi32>
        %add3A_405 = arith.constant 1 : i32
        %add3A_406 = vector.broadcast %add3A_405 : i32 to vector<16xi32>
        %add3A_407 = arith.addi %mul3A_404, %add3A_406 : vector<16xi32>
        %gather3A_408 = tpu.vector_load_idx %arg6[%add3A_313, %mul3A_404] : memref<320x128xf32, #tpu.memory_space<vmem>>[vector<16xi32>, vector<16xi32>], vector<16xf32>,
        %mul3A_409 = arith.mulf %gather3A_408, %mul3A_356 : vector<16xf32>
        %gather3A_410 = tpu.vector_load_idx %arg6[%add3A_313, %add3A_407] : memref<320x128xf32, #tpu.memory_space<vmem>>[vector<16xi32>, vector<16xi32>], vector<16xf32>,
        %mul3A_411 = arith.mulf %gather3A_410, %mul3A_356 : vector<16xf32>
        %pack3A_412 = tpu.pack_subelements %mul3A_409, %mul3A_411 {pack_format = #tpu.pack_format<interleaved>, positions = array<i32: 0, 1>} : vector<16xf32>, vector<16xf32> -> vector<32xbf16>
        %bitcast3A_413 = vector.bitcast %pack3A_412 : vector<32xbf16> to vector<16xi32>
        %gather3A_414 = tpu.vector_load_idx %arg7[%mul3A_404] : memref<128xf32, #tpu.memory_space<vmem>>[vector<16xi32>], vector<16xf32>,
        %gather3A_415 = tpu.vector_load_idx %arg7[%add3A_407] : memref<128xf32, #tpu.memory_space<vmem>>[vector<16xi32>], vector<16xf32>,
        %mul3A_416 = arith.mulf %mul3A_409, %gather3A_414 : vector<16xf32>
        %mul3A_417 = arith.mulf %mul3A_411, %gather3A_415 : vector<16xf32>
        %pack3A_418 = tpu.pack_subelements %mul3A_416, %mul3A_417 {pack_format = #tpu.pack_format<interleaved>, positions = array<i32: 0, 1>} : vector<16xf32>, vector<16xf32> -> vector<32xbf16>
        %bitcast3A_419 = vector.bitcast %pack3A_418 : vector<32xbf16> to vector<16xi32>
        tpu.vector_store_idx %arg9[%add3A_313, %and3A_401], %bitcast3A_413 : memref<320x64xi32, #tpu.memory_space<vmem>>[vector<16xi32>, vector<16xi32>], vector<16xi32>,
        tpu.vector_store_idx %arg8[%add3A_313, %and3A_401], %bitcast3A_419 : memref<320x64xi32, #tpu.memory_space<vmem>>[vector<16xi32>, vector<16xi32>], vector<16xi32>,
        %add3A_420 = arith.constant 1 : i32
        %add3A_421 = vector.broadcast %add3A_420 : i32 to vector<16xi32>
        %add3A_422 = arith.addi %and3A_401, %add3A_421 : vector<16xi32>
        %and3A_423 = arith.constant 63 : i32
        %and3A_424 = vector.broadcast %and3A_423 : i32 to vector<16xi32>
        %and3A_425 = arith.andi %add3A_422, %and3A_424 : vector<16xi32>
        scf.yield %and3A_425 : vector<16xi32>
      }
      %scan3A_362 = arith.constant 32 : i32
      %dma_start3A = arith.constant 0 : i32
      %dma_start3A_363 = tpu.memref_slice %arg8[%mul3A_96, %dma_start3A] : memref<320x64xi32, #tpu.memory_space<vmem>> -> memref<80x64xi32, #tpu.memory_space<vmem>>
      %dma_start3A_364 = arith.constant 0 : i32
      %dma_start3A_365 = tpu.memref_slice %arg4[%mul3A_94, %dma_start3A_364] : memref<10000x64xi32, #tpu.memory_space<hbm>> -> memref<80x64xi32, #tpu.memory_space<hbm>>
      %dma_start3A_366 = arith.constant 0 : i32
      %dma_start3A_367 = tpu.memref_slice %arg4[%mul3A_94, %dma_start3A_366] : memref<10000x64xi32, #tpu.memory_space<hbm>> -> memref<80x64xi32, #tpu.memory_space<hbm>>
      %dma_start3A_368 = arith.constant 0 : i32
      %dma_start3A_369 = tpu.memref_slice %arg8[%mul3A_96, %dma_start3A_368] : memref<320x64xi32, #tpu.memory_space<vmem>> -> memref<80x64xi32, #tpu.memory_space<vmem>>
      tpu.enqueue_dma source(%dma_start3A_369 : memref<80x64xi32, #tpu.memory_space<vmem>>) target(%dma_start3A_367 : memref<80x64xi32, #tpu.memory_space<hbm>>) target_semaphore(%arg11 : memref<!tpu.dma_semaphore, #tpu.memory_space<semaphore_mem>>)
      %dma_start3A_370 = arith.constant 0 : i32
      %dma_start3A_371 = tpu.memref_slice %arg9[%mul3A_96, %dma_start3A_370] : memref<320x64xi32, #tpu.memory_space<vmem>> -> memref<80x64xi32, #tpu.memory_space<vmem>>
      %dma_start3A_372 = arith.constant 0 : i32
      %dma_start3A_373 = tpu.memref_slice %arg5[%mul3A_94, %dma_start3A_372] : memref<10000x64xi32, #tpu.memory_space<hbm>> -> memref<80x64xi32, #tpu.memory_space<hbm>>
      %dma_start3A_374 = arith.constant 0 : i32
      %dma_start3A_375 = tpu.memref_slice %arg5[%mul3A_94, %dma_start3A_374] : memref<10000x64xi32, #tpu.memory_space<hbm>> -> memref<80x64xi32, #tpu.memory_space<hbm>>
      %dma_start3A_376 = arith.constant 0 : i32
      %dma_start3A_377 = tpu.memref_slice %arg9[%mul3A_96, %dma_start3A_376] : memref<320x64xi32, #tpu.memory_space<vmem>> -> memref<80x64xi32, #tpu.memory_space<vmem>>
      tpu.enqueue_dma source(%dma_start3A_377 : memref<80x64xi32, #tpu.memory_space<vmem>>) target(%dma_start3A_375 : memref<80x64xi32, #tpu.memory_space<hbm>>) target_semaphore(%arg11 : memref<!tpu.dma_semaphore, #tpu.memory_space<semaphore_mem>>)
    }
    %gt3A_69 = arith.constant 0 : i32
    %gt3A_70 = arith.cmpi sgt, %select_n3A, %gt3A_69 : i32
    %convert_element_type3A_71 = arith.extui %gt3A_70 : i1 to i32
    %cond3A_72 = arith.constant 0 : i32
    %cond3A_73 = arith.cmpi ne, %convert_element_type3A_71, %cond3A_72 : i32
    scf.if %cond3A_73 {
      %dma_wait3A = arith.constant 0 : i32
      %dma_wait3A_89 = arith.constant 0 : i32
      %dma_wait3A_90 = tpu.memref_slice %arg8[%dma_wait3A, %dma_wait3A_89] : memref<320x64xi32, #tpu.memory_space<vmem>> -> memref<80x64xi32, #tpu.memory_space<vmem>>
      %dma_wait3A_91 = arith.constant 0 : i32
      %dma_wait3A_92 = arith.constant 0 : i32
      %dma_wait3A_93 = tpu.memref_slice %arg4[%dma_wait3A_91, %dma_wait3A_92] : memref<10000x64xi32, #tpu.memory_space<hbm>> -> memref<80x64xi32, #tpu.memory_space<hbm>>
      %dma_wait3A_94 = arith.constant 0 : i32
      %dma_wait3A_95 = arith.constant 0 : i32
      %dma_wait3A_96 = tpu.memref_slice %arg4[%dma_wait3A_94, %dma_wait3A_95] : memref<10000x64xi32, #tpu.memory_space<hbm>> -> memref<80x64xi32, #tpu.memory_space<hbm>>
      %dma_wait3A_97 = arith.constant 0 : i32
      %dma_wait3A_98 = arith.constant 0 : i32
      %dma_wait3A_99 = tpu.memref_slice %arg8[%dma_wait3A_97, %dma_wait3A_98] : memref<320x64xi32, #tpu.memory_space<vmem>> -> memref<80x64xi32, #tpu.memory_space<vmem>>
      tpu.wait_dma2 semaphore(%arg11 : memref<!tpu.dma_semaphore, #tpu.memory_space<semaphore_mem>>) src(%dma_wait3A_99 : memref<80x64xi32, #tpu.memory_space<vmem>>) dst(%dma_wait3A_96 : memref<80x64xi32, #tpu.memory_space<hbm>>)
      %dma_wait3A_100 = arith.constant 0 : i32
      %dma_wait3A_101 = arith.constant 0 : i32
      %dma_wait3A_102 = tpu.memref_slice %arg9[%dma_wait3A_100, %dma_wait3A_101] : memref<320x64xi32, #tpu.memory_space<vmem>> -> memref<80x64xi32, #tpu.memory_space<vmem>>
      %dma_wait3A_103 = arith.constant 0 : i32
      %dma_wait3A_104 = arith.constant 0 : i32
      %dma_wait3A_105 = tpu.memref_slice %arg5[%dma_wait3A_103, %dma_wait3A_104] : memref<10000x64xi32, #tpu.memory_space<hbm>> -> memref<80x64xi32, #tpu.memory_space<hbm>>
      %dma_wait3A_106 = arith.constant 0 : i32
      %dma_wait3A_107 = arith.constant 0 : i32
      %dma_wait3A_108 = tpu.memref_slice %arg5[%dma_wait3A_106, %dma_wait3A_107] : memref<10000x64xi32, #tpu.memory_space<hbm>> -> memref<80x64xi32, #tpu.memory_space<hbm>>
      %dma_wait3A_109 = arith.constant 0 : i32
      %dma_wait3A_110 = arith.constant 0 : i32
      %dma_wait3A_111 = tpu.memref_slice %arg9[%dma_wait3A_109, %dma_wait3A_110] : memref<320x64xi32, #tpu.memory_space<vmem>> -> memref<80x64xi32, #tpu.memory_space<vmem>>
      tpu.wait_dma2 semaphore(%arg11 : memref<!tpu.dma_semaphore, #tpu.memory_space<semaphore_mem>>) src(%dma_wait3A_111 : memref<80x64xi32, #tpu.memory_space<vmem>>) dst(%dma_wait3A_108 : memref<80x64xi32, #tpu.memory_space<hbm>>)
    } else {
    }
    %gt3A_74 = arith.constant 1 : i32
    %gt3A_75 = arith.cmpi sgt, %select_n3A, %gt3A_74 : i32
    %convert_element_type3A_76 = arith.extui %gt3A_75 : i1 to i32
    %cond3A_77 = arith.constant 0 : i32
    %cond3A_78 = arith.cmpi ne, %convert_element_type3A_76, %cond3A_77 : i32
    scf.if %cond3A_78 {
      %dma_wait3A = arith.constant 80 : i32
      %dma_wait3A_89 = arith.constant 0 : i32
      %dma_wait3A_90 = tpu.memref_slice %arg8[%dma_wait3A, %dma_wait3A_89] : memref<320x64xi32, #tpu.memory_space<vmem>> -> memref<80x64xi32, #tpu.memory_space<vmem>>
      %dma_wait3A_91 = arith.constant 0 : i32
      %dma_wait3A_92 = arith.constant 0 : i32
      %dma_wait3A_93 = tpu.memref_slice %arg4[%dma_wait3A_91, %dma_wait3A_92] : memref<10000x64xi32, #tpu.memory_space<hbm>> -> memref<80x64xi32, #tpu.memory_space<hbm>>
      %dma_wait3A_94 = arith.constant 0 : i32
      %dma_wait3A_95 = arith.constant 0 : i32
      %dma_wait3A_96 = tpu.memref_slice %arg4[%dma_wait3A_94, %dma_wait3A_95] : memref<10000x64xi32, #tpu.memory_space<hbm>> -> memref<80x64xi32, #tpu.memory_space<hbm>>
      %dma_wait3A_97 = arith.constant 80 : i32
      %dma_wait3A_98 = arith.constant 0 : i32
      %dma_wait3A_99 = tpu.memref_slice %arg8[%dma_wait3A_97, %dma_wait3A_98] : memref<320x64xi32, #tpu.memory_space<vmem>> -> memref<80x64xi32, #tpu.memory_space<vmem>>
      tpu.wait_dma2 semaphore(%arg11 : memref<!tpu.dma_semaphore, #tpu.memory_space<semaphore_mem>>) src(%dma_wait3A_99 : memref<80x64xi32, #tpu.memory_space<vmem>>) dst(%dma_wait3A_96 : memref<80x64xi32, #tpu.memory_space<hbm>>)
      %dma_wait3A_100 = arith.constant 80 : i32
      %dma_wait3A_101 = arith.constant 0 : i32
      %dma_wait3A_102 = tpu.memref_slice %arg9[%dma_wait3A_100, %dma_wait3A_101] : memref<320x64xi32, #tpu.memory_space<vmem>> -> memref<80x64xi32, #tpu.memory_space<vmem>>
      %dma_wait3A_103 = arith.constant 0 : i32
      %dma_wait3A_104 = arith.constant 0 : i32
      %dma_wait3A_105 = tpu.memref_slice %arg5[%dma_wait3A_103, %dma_wait3A_104] : memref<10000x64xi32, #tpu.memory_space<hbm>> -> memref<80x64xi32, #tpu.memory_space<hbm>>
      %dma_wait3A_106 = arith.constant 0 : i32
      %dma_wait3A_107 = arith.constant 0 : i32
      %dma_wait3A_108 = tpu.memref_slice %arg5[%dma_wait3A_106, %dma_wait3A_107] : memref<10000x64xi32, #tpu.memory_space<hbm>> -> memref<80x64xi32, #tpu.memory_space<hbm>>
      %dma_wait3A_109 = arith.constant 80 : i32
      %dma_wait3A_110 = arith.constant 0 : i32
      %dma_wait3A_111 = tpu.memref_slice %arg9[%dma_wait3A_109, %dma_wait3A_110] : memref<320x64xi32, #tpu.memory_space<vmem>> -> memref<80x64xi32, #tpu.memory_space<vmem>>
      tpu.wait_dma2 semaphore(%arg11 : memref<!tpu.dma_semaphore, #tpu.memory_space<semaphore_mem>>) src(%dma_wait3A_111 : memref<80x64xi32, #tpu.memory_space<vmem>>) dst(%dma_wait3A_108 : memref<80x64xi32, #tpu.memory_space<hbm>>)
    } else {
    }
    %gt3A_79 = arith.constant 2 : i32
    %gt3A_80 = arith.cmpi sgt, %select_n3A, %gt3A_79 : i32
    %convert_element_type3A_81 = arith.extui %gt3A_80 : i1 to i32
    %cond3A_82 = arith.constant 0 : i32
    %cond3A_83 = arith.cmpi ne, %convert_element_type3A_81, %cond3A_82 : i32
    scf.if %cond3A_83 {
      %dma_wait3A = arith.constant 160 : i32
      %dma_wait3A_89 = arith.constant 0 : i32
      %dma_wait3A_90 = tpu.memref_slice %arg8[%dma_wait3A, %dma_wait3A_89] : memref<320x64xi32, #tpu.memory_space<vmem>> -> memref<80x64xi32, #tpu.memory_space<vmem>>
      %dma_wait3A_91 = arith.constant 0 : i32
      %dma_wait3A_92 = arith.constant 0 : i32
      %dma_wait3A_93 = tpu.memref_slice %arg4[%dma_wait3A_91, %dma_wait3A_92] : memref<10000x64xi32, #tpu.memory_space<hbm>> -> memref<80x64xi32, #tpu.memory_space<hbm>>
      %dma_wait3A_94 = arith.constant 0 : i32
      %dma_wait3A_95 = arith.constant 0 : i32
      %dma_wait3A_96 = tpu.memref_slice %arg4[%dma_wait3A_94, %dma_wait3A_95] : memref<10000x64xi32, #tpu.memory_space<hbm>> -> memref<80x64xi32, #tpu.memory_space<hbm>>
      %dma_wait3A_97 = arith.constant 160 : i32
      %dma_wait3A_98 = arith.constant 0 : i32
      %dma_wait3A_99 = tpu.memref_slice %arg8[%dma_wait3A_97, %dma_wait3A_98] : memref<320x64xi32, #tpu.memory_space<vmem>> -> memref<80x64xi32, #tpu.memory_space<vmem>>
      tpu.wait_dma2 semaphore(%arg11 : memref<!tpu.dma_semaphore, #tpu.memory_space<semaphore_mem>>) src(%dma_wait3A_99 : memref<80x64xi32, #tpu.memory_space<vmem>>) dst(%dma_wait3A_96 : memref<80x64xi32, #tpu.memory_space<hbm>>)
      %dma_wait3A_100 = arith.constant 160 : i32
      %dma_wait3A_101 = arith.constant 0 : i32
      %dma_wait3A_102 = tpu.memref_slice %arg9[%dma_wait3A_100, %dma_wait3A_101] : memref<320x64xi32, #tpu.memory_space<vmem>> -> memref<80x64xi32, #tpu.memory_space<vmem>>
      %dma_wait3A_103 = arith.constant 0 : i32
      %dma_wait3A_104 = arith.constant 0 : i32
      %dma_wait3A_105 = tpu.memref_slice %arg5[%dma_wait3A_103, %dma_wait3A_104] : memref<10000x64xi32, #tpu.memory_space<hbm>> -> memref<80x64xi32, #tpu.memory_space<hbm>>
      %dma_wait3A_106 = arith.constant 0 : i32
      %dma_wait3A_107 = arith.constant 0 : i32
      %dma_wait3A_108 = tpu.memref_slice %arg5[%dma_wait3A_106, %dma_wait3A_107] : memref<10000x64xi32, #tpu.memory_space<hbm>> -> memref<80x64xi32, #tpu.memory_space<hbm>>
      %dma_wait3A_109 = arith.constant 160 : i32
      %dma_wait3A_110 = arith.constant 0 : i32
      %dma_wait3A_111 = tpu.memref_slice %arg9[%dma_wait3A_109, %dma_wait3A_110] : memref<320x64xi32, #tpu.memory_space<vmem>> -> memref<80x64xi32, #tpu.memory_space<vmem>>
      tpu.wait_dma2 semaphore(%arg11 : memref<!tpu.dma_semaphore, #tpu.memory_space<semaphore_mem>>) src(%dma_wait3A_111 : memref<80x64xi32, #tpu.memory_space<vmem>>) dst(%dma_wait3A_108 : memref<80x64xi32, #tpu.memory_space<hbm>>)
    } else {
    }
    %gt3A_84 = arith.constant 3 : i32
    %gt3A_85 = arith.cmpi sgt, %select_n3A, %gt3A_84 : i32
    %convert_element_type3A_86 = arith.extui %gt3A_85 : i1 to i32
    %cond3A_87 = arith.constant 0 : i32
    %cond3A_88 = arith.cmpi ne, %convert_element_type3A_86, %cond3A_87 : i32
    scf.if %cond3A_88 {
      %dma_wait3A = arith.constant 240 : i32
      %dma_wait3A_89 = arith.constant 0 : i32
      %dma_wait3A_90 = tpu.memref_slice %arg8[%dma_wait3A, %dma_wait3A_89] : memref<320x64xi32, #tpu.memory_space<vmem>> -> memref<80x64xi32, #tpu.memory_space<vmem>>
      %dma_wait3A_91 = arith.constant 0 : i32
      %dma_wait3A_92 = arith.constant 0 : i32
      %dma_wait3A_93 = tpu.memref_slice %arg4[%dma_wait3A_91, %dma_wait3A_92] : memref<10000x64xi32, #tpu.memory_space<hbm>> -> memref<80x64xi32, #tpu.memory_space<hbm>>
      %dma_wait3A_94 = arith.constant 0 : i32
      %dma_wait3A_95 = arith.constant 0 : i32
      %dma_wait3A_96 = tpu.memref_slice %arg4[%dma_wait3A_94, %dma_wait3A_95] : memref<10000x64xi32, #tpu.memory_space<hbm>> -> memref<80x64xi32, #tpu.memory_space<hbm>>
      %dma_wait3A_97 = arith.constant 240 : i32
      %dma_wait3A_98 = arith.constant 0 : i32
      %dma_wait3A_99 = tpu.memref_slice %arg8[%dma_wait3A_97, %dma_wait3A_98] : memref<320x64xi32, #tpu.memory_space<vmem>> -> memref<80x64xi32, #tpu.memory_space<vmem>>
      tpu.wait_dma2 semaphore(%arg11 : memref<!tpu.dma_semaphore, #tpu.memory_space<semaphore_mem>>) src(%dma_wait3A_99 : memref<80x64xi32, #tpu.memory_space<vmem>>) dst(%dma_wait3A_96 : memref<80x64xi32, #tpu.memory_space<hbm>>)
      %dma_wait3A_100 = arith.constant 240 : i32
      %dma_wait3A_101 = arith.constant 0 : i32
      %dma_wait3A_102 = tpu.memref_slice %arg9[%dma_wait3A_100, %dma_wait3A_101] : memref<320x64xi32, #tpu.memory_space<vmem>> -> memref<80x64xi32, #tpu.memory_space<vmem>>
      %dma_wait3A_103 = arith.constant 0 : i32
      %dma_wait3A_104 = arith.constant 0 : i32
      %dma_wait3A_105 = tpu.memref_slice %arg5[%dma_wait3A_103, %dma_wait3A_104] : memref<10000x64xi32, #tpu.memory_space<hbm>> -> memref<80x64xi32, #tpu.memory_space<hbm>>
      %dma_wait3A_106 = arith.constant 0 : i32
      %dma_wait3A_107 = arith.constant 0 : i32
      %dma_wait3A_108 = tpu.memref_slice %arg5[%dma_wait3A_106, %dma_wait3A_107] : memref<10000x64xi32, #tpu.memory_space<hbm>> -> memref<80x64xi32, #tpu.memory_space<hbm>>
      %dma_wait3A_109 = arith.constant 240 : i32
      %dma_wait3A_110 = arith.constant 0 : i32
      %dma_wait3A_111 = tpu.memref_slice %arg9[%dma_wait3A_109, %dma_wait3A_110] : memref<320x64xi32, #tpu.memory_space<vmem>> -> memref<80x64xi32, #tpu.memory_space<vmem>>
      tpu.wait_dma2 semaphore(%arg11 : memref<!tpu.dma_semaphore, #tpu.memory_space<semaphore_mem>>) src(%dma_wait3A_111 : memref<80x64xi32, #tpu.memory_space<vmem>>) dst(%dma_wait3A_108 : memref<80x64xi32, #tpu.memory_space<hbm>>)
    } else {
    }
    return
  }
}

</mosaic_0001>

<sc_bundles>
// kernel: _sc_prep.3.cloned.1.call-start
scs
__scs_entry_jumppad:
0x0: {  	(pc) =	sbr.rel $0x88, $3  }
0x1: {  	(tag) =	ssettag $0x0;
	lr =	simm.s32 $0x1  }
0x2: {  	[smem:$0x3F9F] =	sst lr;
	_ =	strace $0xD0000000  }
0x3: {  	_ = 	snop  }
0x4: {  	_ = 	snop  }
0x5: {  	_ = 	snop  }
0x6: {  	_ = 	snop  }
0x7: {  	_ = 	snop  }
__scs_overlays_trampoline_lowered:
0x8: {  	[smem:$0x3FAE] =	sst s0  }
0x9: {  	[smem:$0x3FAF] =	sst s1  }
0xa: {  	[smem:$0x3FB0] =	sst s2  }
0xb: {  	[smem:$0x3FB1] =	sst s3  }
0xc: {  	[smem:$0x3FB2] =	sst s4  }
0xd: {  	[smem:$0x3FB3] =	sst s5  }
0xe: {  	[smem:$0x3FB4] =	sst s6  }
0xf: {  	[smem:$0x3FB5] =	sst s7  }
0x10: {  	[smem:$0x3FB6] =	sst s8  }
0x11: {  	[smem:$0x3FB7] =	sst s9;
	s0 =	simm.s32 @!p0 $0x0  }
0x12: {  	s1 =	sld [smem:$0x3F9D];
	s0 =	simm.s32 @p0 $0x1  }
0x13: {  	[smem:$0x3FB8] =	sst s0;
	s0 =	simm.s32 @!p1 $0x0  }
0x14: {  	s2 =	sld [smem:$0x3F9C];
	s0 =	simm.s32 @p1 $0x1  }
0x15: {  	[smem:$0x3FB9] =	sst s0;
	s0 =	simm.s32 @!p2 $0x0  }
0x16: {  	s3 =	sld [smem:$0x3FDB];
	s0 =	simm.s32 @p2 $0x1  }
0x17: {  	s4 =	simm.s32 $0x1BF5;
	[smem:$0x3FBB] =	sst s0  }
0x18: {  	s0 =	sld [smem:$0x3F9E];
	_ =	swait.ge [sflag:s4], $0x0  }
0x19: {  	s7 =	sld [smem:$0x3F9F]  }
0x1a: {  	s8 =	sadd.s32 $0xFFFFE003, lr  }
0x1b: {  	s9 =	sadd.s32 $0xFFFFFEF7, lr;
	s5 =	simm.s32 $0xFFFFFFFF;
	p2 =	slt.u32 s8, $0xFFFFF086  }
0x1c: {  	p1 =	slt.u32 s9, $0xF7A;
	s5 =	simm.s32 @!p2 $0x0  }
0x1d: {  	s5 =	simm.s32 @p1 $0x1;
	p0 =	seq.s32 s7, s2  }
0x1e: {  	s7 =	smul.u32 @!p0 $0xF7A, s2;
	p2 =	seq.s32 @!p0 s5, $0x0  }
0x1f: {  	s9 =	smul.u32 $0xF7A, s1;
	s8 =	simm.s32 @!p0 $0x1BF5;
	p2 =	por !p2, p0  }
0x20: {  	[sflag:s8] =	ssyncset.s32 @!p0 $0xFFFFF086;
	s6 =	sadd.s32 @!p0 s3, s7;
	s7 =	simm.s32 @!p0 $0x108  }
0x21: {  	s3 =	sadd.s32 s3, s9;
	s6 =	sadd.s32 @!p0 $0x88, s6;
	s7 =	simm.s32 @p2 $0x1082  }
0x22: {  	[simem:s7], [sflag:s8] =	dma.local @!p0 [hbm:s6], $0xF7A  }
0x23: {  	s9 =	sor.u32 $0xD0000000, s2;
	s6 =	simm.s32 $0x108;
	_ =	swait.ge @!p0 [sflag:s8], $0x0  }
0x24: {  	s3 =	sadd.s32 $0x88, s3;
	s6 =	simm.s32 @!p1 $0x1082;
	[sflag:s4] =	ssyncset.s32 $0xFFFFF086  }
0x25: {  	[simem:s6], [sflag:s4] =	dma.local [hbm:s3], $0xF7A  }
0x26: {  	[smem:$0x3F9F] =	sst s1;
	(tag) =	ssettag s2;
	_ =	strace s9  }
0x27: {  	s1 =	sld [smem:$0x3FAF]  }
0x28: {  	s2 =	sld [smem:$0x3FB0]  }
0x29: {  	s4 =	sld [smem:$0x3FB2]  }
0x2a: {  	p0 =	seq.s32 s5, $0x0;
	s5 =	sld [smem:$0x3FB3]  }
0x2b: {  	s6 =	sld [smem:$0x3FB4]  }
0x2c: {  	s7 =	sld [smem:$0x3FB5]  }
0x2d: {  	s3 =	simm.s32 $0x108;
	s8 =	sld [smem:$0x3FB6]  }
0x2e: {  	s3 =	simm.s32 @!p0 $0x1082;
	s9 =	sld [smem:$0x3FB7]  }
0x2f: {  	lr =	sadd.s32 s0, s3;
	s0 =	sld [smem:$0x3FAE]  }
0x30: {  	s3 =	sld [smem:$0x3FB1]  }
0x31: {  	[smem:$0x3FBA] =	sst s10  }
0x32: {  	s10 =	sld [smem:$0x3FB8];
	_ =	sdelay $0x3  }
0x33: {  	p0 =	seq.s32 s10, $0x1;
	s10 =	sld [smem:$0x3FBA];
	_ =	sdelay $0x3  }
0x34: {  	[smem:$0x3FBA] =	sst s10  }
0x35: {  	s10 =	sld [smem:$0x3FB9];
	_ =	sdelay $0x3  }
0x36: {  	p1 =	seq.s32 s10, $0x1;
	s10 =	sld [smem:$0x3FBA];
	_ =	sdelay $0x3  }
0x37: {  	[smem:$0x3FBA] =	sst s10  }
0x38: {  	s10 =	sld [smem:$0x3FBB]  }
0x39: {  	_ = 	snop;
	(pc) =	sbr.ind lr, $3  }
0x3a: {  	_ = 	snop  }
0x3b: {  	_ = 	snop  }
0x3c: {  	p2 =	seq.s32 s10, $0x1;
	s10 =	sld [smem:$0x3FBA]  }
0x3d: {  	_ =	shalt  }
0x3e: {  	_ =	shalt  }
0x3f: {  	_ =	shalt  }
0x40: {  	_ =	shalt  }
0x41: {  	_ =	shalt  }
0x42: {  	_ =	shalt  }
0x43: {  	_ =	shalt  }
0x44: {  	_ =	shalt  }
0x45: {  	_ =	shalt  }
0x46: {  	_ =	shalt  }
0x47: {  	_ =	shalt  }
0x48: {  	_ =	shalt  }
0x49: {  	_ =	shalt  }
0x4a: {  	_ =	shalt  }
0x4b: {  	_ =	shalt  }
0x4c: {  	_ =	shalt  }
0x4d: {  	_ =	shalt  }
0x4e: {  	_ =	shalt  }
0x4f: {  	_ =	shalt  }
0x50: {  	_ =	shalt  }
0x51: {  	_ =	shalt  }
0x52: {  	_ =	shalt  }
0x53: {  	_ =	shalt  }
0x54: {  	_ =	shalt  }
0x55: {  	_ =	shalt  }
0x56: {  	_ =	shalt  }
0x57: {  	_ =	shalt  }
0x58: {  	_ =	shalt  }
0x59: {  	_ =	shalt  }
0x5a: {  	_ =	shalt  }
0x5b: {  	_ =	shalt  }
0x5c: {  	_ =	shalt  }
0x5d: {  	_ =	shalt  }
0x5e: {  	_ =	shalt  }
0x5f: {  	_ =	shalt  }
0x60: {  	_ =	shalt  }
0x61: {  	_ =	shalt  }
0x62: {  	_ =	shalt  }
0x63: {  	_ =	shalt  }
0x64: {  	_ =	shalt  }
0x65: {  	_ =	shalt  }
0x66: {  	_ =	shalt  }
0x67: {  	_ =	shalt  }
0x68: {  	_ =	shalt  }
0x69: {  	_ =	shalt  }
0x6a: {  	_ =	shalt  }
0x6b: {  	_ =	shalt  }
0x6c: {  	_ =	shalt  }
0x6d: {  	_ =	shalt  }
0x6e: {  	_ =	shalt  }
0x6f: {  	_ =	shalt  }
0x70: {  	_ =	shalt  }
0x71: {  	_ =	shalt  }
0x72: {  	_ =	shalt  }
0x73: {  	_ =	shalt  }
0x74: {  	_ =	shalt  }
0x75: {  	_ =	shalt  }
0x76: {  	_ =	shalt  }
0x77: {  	_ =	shalt  }
0x78: {  	_ =	shalt  }
0x79: {  	_ =	shalt  }
0x7a: {  	_ =	shalt  }
0x7b: {  	_ =	shalt  }
0x7c: {  	_ =	shalt  }
0x7d: {  	_ =	shalt  }
0x7e: {  	_ =	shalt  }
0x7f: {  	_ =	shalt  }
0x80: {  	_ =	shalt  }
0x81: {  	_ =	shalt  }
0x82: {  	_ =	shalt  }
0x83: {  	_ =	shalt  }
0x84: {  	_ =	shalt  }
0x85: {  	_ =	shalt  }
0x86: {  	_ =	shalt  }
0x87: {  	_ =	shalt  }
.Lfunc_end0:
.L_simem_size_0:
called_computation_lowered:
.L_overlay_start_0:
0x88: {  	s2 =	sld [smem:$0x3FD9]  }
0x89: {  	s3 =	sld [smem:$0x3FFE];
	_ =	sdelay $0x1  }
0x8a: {  	s1 =	srdreg.scid  }
0x8b: {  	s0 =	sand.u32 $0x1, s1  }
0x8c: {  	s15 =	sshll.u32 s0, $0xA;
	s2 =	sadd.s32 s3, s2  }
0x8d: {  	s2 =	sadd.s32 s2, s15  }
0x8e: {  	[smem:$0x3FC6] =	sst s2  }
0x8f: {  	_ = 	snop  }
0x90: {  	s2 =	sld [smem:$0x3FD0];
	_ =	sdelay $0x1  }
0x91: {  	s16 =	sld [smem:$0x3FC9]  }
0x92: {  	s5 =	simm.s32 $0xA;
	s6 =	simm.s32 $0x10;
	s4 =	sld [smem:$0x3FC8]  }
0x93: {  	[smem:s6], [sflag:s5] =	dma.local [hbm:s2], $0x1  }
0x94: {  	_ =	swait.eq [sflag:s5], $0x1  }
0x95: {  	[sflag:s5] =	ssyncset.done $0x0  }
0x96: {  	s17 =	sld [smem:$0x10];
	[sflag:s5] =	ssyncadd.s32 $0xFFFFFFFF  }
0x97: {  	s18 =	sld [smem:$0x11];
	(tm) =	ssettm $0x1  }
0x98: {  	s19 =	sld [smem:$0x3FFB];
	_ =	sdelay $0x3  }
0x99: {  	_ =	strace s19  }
0x9a: {  	s6 =	sld [smem:$0x3FFC];
	_ =	sdelay $0x3  }
0x9b: {  	_ =	strace s6  }
0x9c: {  	s6 =	sld [smem:$0x3FFD];
	_ =	sdelay $0x3  }
0x9d: {  	_ =	strace s6  }
0x9e: {  	_ =	strace $0x8FFFFFFF  }
0x9f: {  	s20 =	sld [smem:$0x3FDB];
	_ =	sdelay $0x1  }
0xa0: {  	s7 =	simm.s32 $_scs_section_size  }
0xa1: {  	s8 =	simm.s32 $_size__tile_overlayer_lowered;
	s9 =	simm.s32 $_tile_overlayer_lowered  }
0xa2: {  	s23 =	simm.s32 $0x1BFF;
	s22 =	sshll.u32 s9, $0x1;
	s6 =	sadd.s32 s7, s20  }
0xa3: {  	s10 =	simm.s32 $0x0;
	s21 =	sshll.u32 s8, $0x1;
	s8 =	sadd.s32 s22, s6  }
0xa4: {  	[timem:s10], [sflag:s23] =	dma.local [hbm:s8], s21  }
0xa5: {  	_ =	swait.ge [sflag:s23], s21  }
0xa6: {  	s7 =	ssub.s32 $0x0, s21;
	[sflag:s23] =	ssyncset.done $0x0  }
0xa7: {  	[sflag:s23] =	ssyncadd.s32 s7;
	_ =	sdelay $0x1  }
0xa8: {  	s24 =	simm.s32 $0x1B8B  }
0xa9: {  	_ =	swait.ge [sflag:s24], $0x1  }
0xaa: {  	[sflag:s24] =	ssyncset.done $0x0  }
0xab: {  	s25 =	simm.s32 $0x1B8E;
	[sflag:s24] =	ssyncadd.s32 $0xFFFFFFFF  }
0xac: {  	s26 =	simm.s32 $execute0_lowered;
	[smem:$0x3FD2] =	sst s25  }
0xad: {  	s7 =	sshll.u32 s26, $0x1;
	_ =	strace $0x80000046;
	[dreg:$0x1] =	wrdreg $0xFFFFFFFF  }
0xae: {  	s28 =	simm.s32 $_size_execute0_lowered;
	s6 =	sadd.s32 s6, s7;
	[dreg:$0x0] =	wrdreg $0x0  }
0xaf: {  	s7 =	sshll.u32 s28, $0x1;
	[dreg:$0x2] =	wrdreg s6  }
0xb0: {  	[dreg:$0x3] =	wrdreg s7  }
0xb1: {  	[dreg:$0x4] =	wrdreg $0xC0  }
0xb2: {  	_ =	task [dreg:s10], $0x5FFFF  }
0xb3: {  	[dreg:$0x1] =	wrdreg $0xFFFFFFFF  }
0xb4: {  	[dreg:$0x0] =	wrdreg $0x60  }
0xb5: {  	[dreg:$0x2] =	wrdreg s16  }
0xb6: {  	[dreg:$0x3] =	wrdreg s4  }
0xb7: {  	[dreg:$0x4] =	wrdreg s17  }
0xb8: {  	[dreg:$0x5] =	wrdreg s18  }
0xb9: {  	[dreg:$0x6] =	wrdreg $0x9  }
0xba: {  	_ =	task.clear_ibuf [dreg:s10], $0x7FFFF;
	_ =	strace $0x90000046  }
0xbb: {  	s29 =	simm.s32 $0x9;
	_ =	strace $0x80000048  }
0xbc: {  	_ =	swait.ge [sflag:s29], $0x1  }
0xbd: {  	[sflag:s29] =	ssyncadd.s32 $0xFFFFFFFF  }
0xbe: {  	_ =	strace $0x90000048  }
0xbf: {  	_ =	sfence  }
0xc0: {  	s30 =	sld [smem:$0x0];
	_ =	sdelay $0x2  }
0xc1: {  	s31 =	sshll.u32 s1, $0xD;
	s1 =	sshrl.u32 s1, $0x2  }
0xc2: {  	s3 =	sand.u32 $0x4000, s31;
	s1 =	sadd.s32 s1, s30  }
0xc3: {  	s0 =	sor.u32 s3, s0;
	s1 =	sshll.u32 s1, $0x11  }
0xc4: {  	s0 =	sor.u32 s1, s0  }
0xc5: {  	s0 =	sadd.s32 $0x8F2B, s0  }
0xc6: {  	[sflag:s0] =	ssyncadd.remote.s32 $0x1  }
0xc7: {  	_ =	sfence.sel $0xFFFF  }
0xc8: {  	[dreg:$0x0] =	wrdreg $0xFFFFFFFF;
	(pc) =	sbr.abs _section_cstart, $3  }
0xc9: {  	[dreg:$0x1] =	wrdreg $0xFFFFFFFF  }
0xca: {  	_ =	task.clear_ibuf [dreg:s10], $0x2FFFF;
	_ =	strace $0x9FFFFFFF  }
0xcb: {  	(tm) =	ssettm $0x7FFFFFFF  }
tec
execute0_lowered:
.L_overlay_start_1:
0x0: {  	(tag) =	ssettag $0x1  }
0x1: {  	s7 =	rddreg [dreg:$0x0]  }
0x2: {  	s1 =	rddreg [dreg:$0x1]  }
0x3: {  	s2 =	srdreg.scid;
	s3 =	rddreg [dreg:$0x2]  }
0x4: {  	s0 =	stileid.u32;
	s4 =	rddreg [dreg:$0x3];
	s6 =	simm.s32 $0x0  }
0x5: {  	s14 =	simm.s32 $0x3;
	s15 =	simm.s32 $0x2800;
	s16 =	simm.s32 $0x5000  }
0x6: {  	s17 =	simm.s32 $0x1;
	s18 =	simm.s32 $0xF080;
	s19 =	simm.s32 $0xA080  }
0x7: {  	s20 =	simm.s32 $0x2;
	s8 =	sand.u32 $0x1, s2;
	s30 =	sshll.u32 s0, $0x1  }
0x8: {  	s21 =	simm.s32 $0x0;
	s2 =	rddreg [dreg:$0x4];
	s5 =	sor.u32 s8, s30  }
0x9: {  	[smem:$0x7FF] =	sst s6;
	s8 =	ssub.s32 $0x2, s8;
	s9 =	smul.u32 $0x2800, s5  }
0xa: {  	_ =	strace $0x80000047;
	s10 =	smul.u32 $0x500, s5;
	s11 =	sshrl.u32 s8, $0x1  }
0xb: {  	s31 =	ssub.s32 $0x9C, s5;
	p0 =	sgt.u32 s5, $0x1C;
	s9 =	sshrl.u32 s9, $0x3  }
0xc: {  	s13 =	ssub.s32 s8, s11;
	s11 =	sshrl.u32 s31, $0x5;
	s12 =	sadd.s32 s7, s9  }
0xd: {  	s7 =	sadd.s32 s7, s10;
	s8 =	sadd.s32 $0xA000, s12;
	s9 =	sadd.s32 $0x14000, s12  }
0xe: {  	s10 =	sadd.s32 $0x1E000, s12;
	s12 =	smax.u32 s13, $0x1;
	s13 =	simm.s32 $0xA000  }
.LBB2_1:
0xf: {  	[tilespmem:s13], [sflag:$0x3] =	stream.linear.gather [hbm4b:s1+s6], $0x80, $0x38;
	[tilespmem:$0x14080] =	vst v63  }
0x10: {  	_ =	swait.ge [sflag:s14], $0x80  }
0x11: {  	[sflag:s14] =	ssyncset.done $0x0  }
0x12: {  	[sflag:s14] =	ssyncadd.s32 $0xFFFFFF80  }
0x13: {  	[tilespmem:s6], [sflag:$0x1] =	stream.linear.gather [hbm4b:s7+s6], $0x2800, $0x38;
	[tilespmem:$0x14080] =	vst v63  }
0x14: {  	_ = 	snop  }
0x15: {  	[tilespmem:s15], [sflag:$0x1] =	stream.linear.gather [hbm4b:s8+s6], $0x2800, $0x38;
	[tilespmem:$0x14080] =	vst v63  }
0x16: {  	_ = 	snop  }
0x17: {  	[tilespmem:s16], [sflag:$0x1] =	stream.linear.gather [hbm4b:s9+s6], $0x2800, $0x38;
	[tilespmem:$0x14080] =	vst v63  }
0x18: {  	s22 =	simm.s32 @!p0 $0x0;
	s23 =	simm.s32 @!p0 $0x7800  }
0x19: {  	[tilespmem:s23], [sflag:$0x1] =	stream.linear.gather @!p0 [hbm4b:s10+s22], $0x2800, $0x38;
	[tilespmem:$0x14080] =	vst v63  }
0x1a: {  	s22 =	simm.s32 @!p0 $0x1  }
0x1b: {  	_ =	swait.ge @!p0 [sflag:s22], $0x2800  }
0x1c: {  	[sflag:s22] =	ssyncset.done @!p0 $0x0  }
0x1d: {  	[sflag:s22] =	ssyncadd.s32 @!p0 $0xFFFFD800  }
0x1e: {  	_ =	swait.ge [sflag:s17], $0x2800  }
0x1f: {  	[sflag:s17] =	ssyncset.done $0x0  }
0x20: {  	[sflag:s17] =	ssyncadd.s32 $0xFFFFD800  }
0x21: {  	_ =	swait.ge [sflag:s17], $0x2800  }
0x22: {  	[sflag:s17] =	ssyncset.done $0x0  }
0x23: {  	[sflag:s17] =	ssyncadd.s32 $0xFFFFD800  }
0x24: {  	_ =	swait.ge [sflag:s17], $0x2800  }
0x25: {  	[sflag:s17] =	ssyncset.done $0x0  }
0x26: {  	s22 =	simm.s32 $0x0;
	[sflag:s17] =	ssyncadd.s32 $0xFFFFD800  }
.LBB2_2:
0x27: {  	s23 =	smul.u32 $0x50, s22  }
0x28: {  	v0 =	vlaneseq.u32  }
0x29: {  	v3 =	vor.u32 s23, v0  }
0x2a: {  	v1 =	vshll.u32 v3, $0x7  }
0x2b: {  	v4 =	vadd.s32 $0x1, v0;
	v2 =	vor.u32 v1, v0  }
0x2c: {  	v4 =	vand.u32 $0x7F, v4  }
0x2d: {  	v5 =	vadd.s32 $0x2, v0;
	v4 =	vor.u32 v1, v4  }
0x2e: {  	v5 =	vand.u32 $0x7F, v5  }
0x2f: {  	v6 =	vadd.s32 $0x3, v0;
	v5 =	vor.u32 v1, v5  }
0x30: {  	v6 =	vand.u32 $0x7F, v6;
	v2 =	vld.idx.msk [tilespmem:v2+s6+$0x0], $0xffff  }
0x31: {  	v6 =	vor.u32 v1, v6;
	v0 =	vadd.s32 $0x4, v0  }
0x32: {  	v0 =	vand.u32 $0x7F, v0;
	v4 =	vld.idx.msk [tilespmem:v4+s6+$0x0], $0xffff  }
0x33: {  	v7 =	vor.u32 v1, v0;
	v8 =	vadd.s32 $0x1, v0  }
0x34: {  	v9 =	vadd.s32 $0x2, v0;
	v8 =	vand.u32 $0x7F, v8;
	v5 =	vld.idx.msk [tilespmem:v5+s6+$0x0], $0xffff  }
0x35: {  	v9 =	vand.u32 $0x7F, v9;
	v8 =	vor.u32 v1, v8;
	v2 =	vmul.f32 v2, v2  }
0x36: {  	v10 =	vimm.f32 $0.0e+00;
	v9 =	vor.u32 v1, v9;
	v11 =	vld.idx.msk [tilespmem:v6+s6+$0x0], $0xffff;
	v6 =	vadd.s32 $0x3, v0  }
0x37: {  	v12 =	vand.u32 $0x7F, v6;
	v4 =	vmul.f32 v4, v4;
	v10 =	vadd.f32 v2, v10  }
0x38: {  	v0 =	vadd.s32 $0x4, v0;
	v6 =	vld.idx.msk [tilespmem:v7+s6+$0x0], $0xffff;
	v7 =	vor.u32 v1, v12  }
0x39: {  	v5 =	vmul.f32 v5, v5;
	v2 =	vand.u32 $0x7F, v0;
	v10 =	vadd.f32 v4, v10  }
0x3a: {  	v12 =	vadd.s32 $0x1, v2;
	v4 =	vld.idx.msk [tilespmem:v8+s6+$0x0], $0xffff;
	v8 =	vor.u32 v1, v2  }
0x3b: {  	v11 =	vmul.f32 v11, v11;
	v12 =	vand.u32 $0x7F, v12;
	v10 =	vadd.f32 v5, v10  }
0x3c: {  	v0 =	vmov s23;
	s23 =	simm.s32 $0x1D;
	v5 =	vld.idx.msk [tilespmem:v9+s6+$0x0], $0xffff;
	v9 =	vor.u32 v1, v12;
	v12 =	vadd.s32 $0x2, v2  }
.LBB2_3:
0x3d: {  	p1 =	sne.s32 s23, $0x1;
	s23 =	sadd.s32 $0xFFFFFFFF, s23;
	v12 =	vand.u32 $0x7F, v12;
	v13 =	vmul.f32 v6, v6;
	v14 =	vld.idx.msk [tilespmem:v7+s6+$0x0], $0xffff;
	v7 =	vadd.f32 v11, v10  }
0x3e: {  	v11 =	vadd.s32 $0x3, v2;
	v10 =	vor.u32 v1, v12  }
0x3f: {  	v12 =	vmul.f32 v4, v4;
	v6 =	vld.idx.msk [tilespmem:v8+s6+$0x0], $0xffff;
	v8 =	vand.u32 $0x7F, v11;
	v11 =	vadd.f32 v13, v7  }
.Ltmp0:
0x40: {  	v2 =	vadd.s32 $0x4, v2;
	v7 =	vor.u32 v1, v8;
	(pc) =	sbr.rel @p1 .LBB2_3-.Ltmp0, $4  }
0x41: {  	v2 =	vand.u32 $0x7F, v2;
	v4 =	vld.idx.msk [tilespmem:v9+s6+$0x0], $0xffff;
	v9 =	vadd.f32 v12, v11;
	v11 =	vmul.f32 v5, v5  }
0x42: {  	v8 =	vor.u32 v1, v2;
	v5 =	vadd.s32 $0x1, v2  }
0x43: {  	v12 =	vand.u32 $0x7F, v5;
	v5 =	vld.idx.msk [tilespmem:v10+s6+$0x0], $0xffff;
	v10 =	vadd.f32 v11, v9;
	v11 =	vmul.f32 v14, v14  }
0x44: {  	v9 =	vor.u32 v1, v12;
	v12 =	vadd.s32 $0x2, v2  }
0x45: {  	_ =	sdelay $0x2  }
0x46: {  	v6 =	vmul.f32 v6, v6;
	v10 =	vadd.f32 v11, v10  }
0x47: {  	v12 =	vand.u32 $0x7F, v12;
	v7 =	vld.idx.msk [tilespmem:v7+s6+$0x0], $0xffff;
	v2 =	vadd.s32 $0x3, v2  }
0x48: {  	v11 =	vor.u32 v1, v12;
	v4 =	vmul.f32 v4, v4;
	v6 =	vadd.f32 v6, v10  }
0x49: {  	v8 =	vld.idx.msk [tilespmem:v8+s6+$0x0], $0xffff;
	v2 =	vand.u32 $0x7F, v2  }
0x4a: {  	v2 =	vor.u32 v1, v2;
	v5 =	vmul.f32 v5, v5;
	v4 =	vadd.f32 v4, v6  }
0x4b: {  	v6 =	vld.idx.msk [tilespmem:v9+s6+$0x0], $0xffff  }
0x4c: {  	v4 =	vadd.f32 v5, v4;
	v5 =	vmul.f32 v7, v7  }
0x4d: {  	v7 =	vld.idx.msk [tilespmem:v11+s6+$0x0], $0xffff  }
0x4e: {  	v8 =	vmul.f32 v8, v8;
	v4 =	vadd.f32 v5, v4  }
0x4f: {  	v2 =	vld.idx.msk [tilespmem:v2+s6+$0x0], $0xffff  }
0x50: {  	v5 =	vmul.f32 v6, v6;
	v4 =	vadd.f32 v8, v4;
	_ =	sdelay $0x1  }
0x51: {  	v4 =	vadd.f32 v5, v4;
	v5 =	vmul.f32 v7, v7;
	_ =	sdelay $0x1  }
0x52: {  	v2 =	vmul.f32 v2, v2;
	v4 =	vadd.f32 v5, v4;
	_ =	sdelay $0x1  }
0x53: {  	v2 =	vadd.f32 v2, v4;
	_ =	sdelay $0x1  }
0x54: {  	v4 =	vshra.s32 v2, $0x1;
	v2 =	vmul.f32 $5.000000000e-01, v2  }
0x55: {  	v4 =	vsub.s32 $0x5F3759DF, v4  }
0x56: {  	v5 =	vmul.f32 v4, v2;
	_ =	sdelay $0x1  }
0x57: {  	v5 =	vmul.f32 v4, v5;
	_ =	sdelay $0x1  }
0x58: {  	v5 =	vsub.f32 $1.500000000e+00, v5;
	_ =	sdelay $0x1  }
0x59: {  	v4 =	vmul.f32 v4, v5;
	_ =	sdelay $0x1  }
0x5a: {  	v5 =	vmul.f32 v4, v2;
	_ =	sdelay $0x1  }
0x5b: {  	v5 =	vmul.f32 v5, v4;
	_ =	sdelay $0x1  }
0x5c: {  	v5 =	vsub.f32 $1.500000000e+00, v5;
	_ =	sdelay $0x1  }
0x5d: {  	v4 =	vmul.f32 v5, v4;
	_ =	sdelay $0x1  }
0x5e: {  	v5 =	vmul.f32 v4, v2;
	_ =	sdelay $0x1  }
0x5f: {  	v6 =	vlaneseq.u32;
	v5 =	vmul.f32 v5, v4  }
0x60: {  	v7 =	vshll.u32 v6, $0x1  }
0x61: {  	v8 =	vand.u32 $0x78, v7;
	v5 =	vsub.f32 $1.500000000e+00, v5  }
0x62: {  	v9 =	vand.u32 $0x6, v7;
	v10 =	vor.u32 v1, v8  }
0x63: {  	v4 =	vmul.f32 v5, v4;
	v5 =	vor.u32 $0x1, v9;
	v9 =	vor.u32 v9, v10  }
0x64: {  	v10 =	vor.u32 v5, v10  }
0x65: {  	v5 =	vor.u32 v8, v5;
	v2 =	vmul.f32 v4, v2;
	_ =	sdelay $0x1  }
0x66: {  	v2 =	vmul.f32 v2, v4  }
0x67: {  	v8 =	vld.idx.msk [tilespmem:v9+s6+$0x0], $0xffff  }
0x68: {  	v2 =	vsub.f32 $1.500000000e+00, v2;
	v9 =	vld.idx.msk [tilespmem:v10+s6+$0x0], $0xffff  }
0x69: {  	v5 =	vld.idx.msk [tilespmem:v5+s13+$0x0], $0xffff  }
0x6a: {  	v2 =	vmul.f32 v2, v4;
	v4 =	vld.idx.msk [tilespmem:v7+s13+$0x0], $0xffff;
	v7 =	vadd.s32 $0x1, v6  }
0x6b: {  	v3 =	vshll.u32 v3, $0x6;
	v10 =	vshll.u32 v7, $0x1  }
0x6c: {  	v11 =	vor.u32 v3, v6;
	v8 =	vmul.f32 v8, v2;
	v12 =	vand.u32 $0x78, v10  }
0x6d: {  	v13 =	vand.u32 $0x6, v10;
	v9 =	vmul.f32 v9, v2;
	v14 =	vor.u32 v1, v12  }
0x6e: {  	v15 =	vor.u32 v13, v14  }
0x6f: {  	v13 =	vor.u32 $0x1, v13;
	v4 =	vmul.f32 v4, v8;
	v5 =	vmul.f32 v5, v9  }
0x70: {  	v14 =	vor.u32 v13, v14;
	v8 =	vpack.i.f32.bf16 v9, v8  }
0x71: {  	[tilespmem:v11+s18+$0x0] =	vst.idx.msk $0xffff, v8;
	v8 =	vand.u32 $0x7E, v10;
	v4 =	vpack.i.f32.bf16 v5, v4  }
0x72: {  	[tilespmem:v11+s19+$0x0] =	vst.idx.msk $0xffff, v4;
	v11 =	vor.u32 v12, v13;
	_ =	sdelay $0x1  }
0x73: {  	v4 =	vadd.s32 $0x2, v6;
	v10 =	vld.idx.msk [tilespmem:v15+s6+$0x0], $0xffff  }
0x74: {  	v4 =	vand.u32 $0x3F, v4;
	v13 =	vld.idx.msk [tilespmem:v14+s6+$0x0], $0xffff  }
0x75: {  	v5 =	vshll.u32 v4, $0x1;
	v9 =	vld.idx.msk [tilespmem:v8+s13+$0x0], $0xffff  }
0x76: {  	v7 =	vand.u32 $0x3F, v7;
	v6 =	vand.u32 $0x6, v5;
	v14 =	vand.u32 $0x78, v5;
	v11 =	vld.idx.msk [tilespmem:v11+s13+$0x0], $0xffff  }
0x77: {  	v7 =	vor.u32 v3, v7;
	v12 =	vor.u32 v1, v14;
	v15 =	vor.u32 $0x1, v6  }
0x78: {  	v8 =	vor.u32 v6, v12;
	v6 =	vor.u32 v15, v12;
	v12 =	vmul.f32 v10, v2  }
0x79: {  	s23 =	simm.s32 $0x1E;
	v10 =	vor.u32 v14, v15;
	v13 =	vmul.f32 v13, v2  }
.LBB2_5:
0x7a: {  	p1 =	sne.s32 s23, $0x1;
	s23 =	sadd.s32 $0xFFFFFFFF, s23;
	v9 =	vmul.f32 v9, v12  }
0x7b: {  	v12 =	vpack.i.f32.bf16 v13, v12;
	v11 =	vmul.f32 v11, v13  }
0x7c: {  	[tilespmem:v7+s18+$0x0] =	vst.idx.msk $0xffff, v12  }
0x7d: {  	v9 =	vpack.i.f32.bf16 v11, v9  }
0x7e: {  	[tilespmem:v7+s19+$0x0] =	vst.idx.msk $0xffff, v9  }
0x7f: {  	v7 =	vld.idx.msk [tilespmem:v8+s6+$0x0], $0xffff  }
0x80: {  	v6 =	vld.idx.msk [tilespmem:v6+s6+$0x0], $0xffff  }
0x81: {  	v8 =	vld.idx.msk [tilespmem:v10+s13+$0x0], $0xffff  }
0x82: {  	v5 =	vld.idx.msk [tilespmem:v5+s13+$0x0], $0xffff  }
0x83: {  	v9 =	vadd.s32 $0x1, v4  }
0x84: {  	v12 =	vand.u32 $0x3F, v9;
	v10 =	vshll.u32 v9, $0x1  }
0x85: {  	v9 =	vor.u32 v3, v4;
	v11 =	vand.u32 $0x78, v10;
	v7 =	vmul.f32 v7, v2  }
0x86: {  	v13 =	vand.u32 $0x6, v10;
	v14 =	vor.u32 v1, v11;
	v6 =	vmul.f32 v6, v2  }
0x87: {  	v15 =	vor.u32 v13, v14;
	v13 =	vor.u32 $0x1, v13  }
0x88: {  	v14 =	vor.u32 v13, v14;
	v5 =	vmul.f32 v5, v7;
	v8 =	vmul.f32 v8, v6  }
0x89: {  	v6 =	vpack.i.f32.bf16 v6, v7;
	v7 =	vand.u32 $0x7E, v10;
	v10 =	vor.u32 v11, v13  }
0x8a: {  	v5 =	vpack.i.f32.bf16 v8, v5;
	[tilespmem:v9+s18+$0x0] =	vst.idx.msk $0xffff, v6  }
0x8b: {  	[tilespmem:v9+s19+$0x0] =	vst.idx.msk $0xffff, v5  }
0x8c: {  	v13 =	vld.idx.msk [tilespmem:v15+s6+$0x0], $0xffff  }
0x8d: {  	v4 =	vadd.s32 $0x2, v4;
	v14 =	vld.idx.msk [tilespmem:v14+s6+$0x0], $0xffff  }
0x8e: {  	v4 =	vand.u32 $0x3F, v4;
	v9 =	vld.idx.msk [tilespmem:v7+s13+$0x0], $0xffff  }
.Ltmp1:
0x8f: {  	v5 =	vshll.u32 v4, $0x1;
	v11 =	vld.idx.msk [tilespmem:v10+s13+$0x0], $0xffff;
	(pc) =	sbr.rel @p1 .LBB2_5-.Ltmp1, $4  }
0x90: {  	v6 =	vand.u32 $0x6, v5;
	v10 =	vand.u32 $0x78, v5  }
0x91: {  	v16 =	vor.u32 $0x1, v6;
	v7 =	vor.u32 v3, v12;
	v15 =	vor.u32 v1, v10  }
0x92: {  	v8 =	vor.u32 v6, v15;
	v6 =	vor.u32 v16, v15;
	v12 =	vmul.f32 v13, v2  }
0x93: {  	v10 =	vor.u32 v10, v16;
	v13 =	vmul.f32 v14, v2  }
0x94: {  	_ =	sdelay $0x1  }
0x95: {  	v9 =	vmul.f32 v9, v12;
	v11 =	vmul.f32 v11, v13  }
0x96: {  	v12 =	vpack.i.f32.bf16 v13, v12  }
0x97: {  	[tilespmem:v7+s18+$0x0] =	vst.idx.msk $0xffff, v12;
	v9 =	vpack.i.f32.bf16 v11, v9  }
0x98: {  	[tilespmem:v7+s19+$0x0] =	vst.idx.msk $0xffff, v9  }
0x99: {  	v7 =	vld.idx.msk [tilespmem:v8+s6+$0x0], $0xffff  }
0x9a: {  	v6 =	vld.idx.msk [tilespmem:v6+s6+$0x0], $0xffff  }
0x9b: {  	v8 =	vld.idx.msk [tilespmem:v10+s13+$0x0], $0xffff  }
0x9c: {  	v9 =	vadd.s32 $0x1, v4;
	v5 =	vld.idx.msk [tilespmem:v5+s13+$0x0], $0xffff  }
0x9d: {  	v10 =	vshll.u32 v9, $0x1  }
0x9e: {  	v4 =	vor.u32 v3, v4;
	v11 =	vand.u32 $0x78, v10;
	v12 =	vand.u32 $0x6, v10  }
0x9f: {  	v1 =	vor.u32 v1, v11;
	v7 =	vmul.f32 v7, v2;
	v6 =	vmul.f32 v6, v2  }
0xa0: {  	v13 =	vor.u32 v12, v1;
	v12 =	vor.u32 $0x1, v12  }
0xa1: {  	v1 =	vor.u32 v12, v1;
	v5 =	vmul.f32 v5, v7;
	v8 =	vmul.f32 v8, v6  }
0xa2: {  	v6 =	vpack.i.f32.bf16 v6, v7;
	v7 =	vand.u32 $0x7E, v10  }
0xa3: {  	v10 =	vor.u32 v11, v12;
	[tilespmem:v4+s18+$0x0] =	vst.idx.msk $0xffff, v6;
	v5 =	vpack.i.f32.bf16 v8, v5  }
0xa4: {  	[tilespmem:v4+s19+$0x0] =	vst.idx.msk $0xffff, v5  }
0xa5: {  	v4 =	vld.idx.msk [tilespmem:v13+s6+$0x0], $0xffff  }
0xa6: {  	v1 =	vld.idx.msk [tilespmem:v1+s6+$0x0], $0xffff  }
0xa7: {  	v5 =	vld.idx.msk [tilespmem:v7+s13+$0x0], $0xffff  }
0xa8: {  	v6 =	vld.idx.msk [tilespmem:v10+s13+$0x0], $0xffff;
	v7 =	vlaneseq.u32  }
0xa9: {  	v8 =	vand.u32 $0x3F, v9;
	v9 =	vor.u32 $0x10, v7  }
0xaa: {  	v8 =	vor.u32 v3, v8;
	v3 =	vadd.s32 v9, v0  }
0xab: {  	v4 =	vmul.f32 v4, v2;
	v2 =	vmul.f32 v1, v2;
	v1 =	vshll.u32 v3, $0x7  }
0xac: {  	v10 =	vadd.s32 $0x1, v7;
	v9 =	vor.u32 v1, v7  }
0xad: {  	v10 =	vand.u32 $0x7F, v10;
	v5 =	vmul.f32 v5, v4;
	v6 =	vmul.f32 v6, v2  }
0xae: {  	v2 =	vpack.i.f32.bf16 v2, v4;
	v4 =	vor.u32 v1, v10;
	v10 =	vadd.s32 $0x2, v7  }
0xaf: {  	[tilespmem:v8+s18+$0x0] =	vst.idx.msk $0xffff, v2;
	v2 =	vpack.i.f32.bf16 v6, v5;
	v5 =	vand.u32 $0x7F, v10  }
0xb0: {  	[tilespmem:v8+s19+$0x0] =	vst.idx.msk $0xffff, v2;
	v2 =	vor.u32 v1, v5;
	v5 =	vadd.s32 $0x3, v7  }
0xb1: {  	v6 =	vld.idx.msk [tilespmem:v9+s6+$0x0], $0xffff;
	v5 =	vand.u32 $0x7F, v5  }
0xb2: {  	v7 =	vadd.s32 $0x4, v7;
	v5 =	vor.u32 v1, v5  }
0xb3: {  	v7 =	vand.u32 $0x7F, v7;
	v4 =	vld.idx.msk [tilespmem:v4+s6+$0x0], $0xffff  }
0xb4: {  	v8 =	vor.u32 v1, v7;
	v9 =	vadd.s32 $0x1, v7  }
0xb5: {  	v9 =	vand.u32 $0x7F, v9;
	v10 =	vld.idx.msk [tilespmem:v2+s6+$0x0], $0xffff;
	v2 =	vadd.s32 $0x2, v7  }
0xb6: {  	v9 =	vor.u32 v1, v9;
	v2 =	vand.u32 $0x7F, v2;
	v6 =	vmul.f32 v6, v6  }
0xb7: {  	v11 =	vimm.f32 $0.0e+00;
	v12 =	vor.u32 v1, v2;
	v13 =	vld.idx.msk [tilespmem:v5+s6+$0x0], $0xffff;
	v2 =	vadd.s32 $0x3, v7  }
0xb8: {  	v4 =	vmul.f32 v4, v4;
	v5 =	vadd.f32 v6, v11;
	v11 =	vand.u32 $0x7F, v2  }
0xb9: {  	v2 =	vadd.s32 $0x4, v7;
	v6 =	vld.idx.msk [tilespmem:v8+s6+$0x0], $0xffff;
	v7 =	vor.u32 v1, v11  }
0xba: {  	v2 =	vand.u32 $0x7F, v2;
	v5 =	vadd.f32 v4, v5;
	v10 =	vmul.f32 v10, v10  }
0xbb: {  	v11 =	vadd.s32 $0x1, v2;
	v4 =	vld.idx.msk [tilespmem:v9+s6+$0x0], $0xffff;
	v8 =	vor.u32 v1, v2  }
0xbc: {  	v9 =	vand.u32 $0x7F, v11;
	v10 =	vadd.f32 v10, v5;
	v11 =	vmul.f32 v13, v13  }
0xbd: {  	s23 =	simm.s32 $0x1D;
	v5 =	vld.idx.msk [tilespmem:v12+s6+$0x0], $0xffff;
	v9 =	vor.u32 v1, v9;
	v12 =	vadd.s32 $0x2, v2  }
.LBB2_7:
0xbe: {  	p1 =	sne.s32 s23, $0x1;
	s23 =	sadd.s32 $0xFFFFFFFF, s23;
	v12 =	vand.u32 $0x7F, v12;
	v13 =	vmul.f32 v6, v6;
	v14 =	vld.idx.msk [tilespmem:v7+s6+$0x0], $0xffff;
	v7 =	vadd.f32 v11, v10  }
0xbf: {  	v11 =	vadd.s32 $0x3, v2;
	v10 =	vor.u32 v1, v12  }
0xc0: {  	v12 =	vmul.f32 v4, v4;
	v6 =	vld.idx.msk [tilespmem:v8+s6+$0x0], $0xffff;
	v8 =	vand.u32 $0x7F, v11;
	v11 =	vadd.f32 v13, v7  }
.Ltmp2:
0xc1: {  	v2 =	vadd.s32 $0x4, v2;
	v7 =	vor.u32 v1, v8;
	(pc) =	sbr.rel @p1 .LBB2_7-.Ltmp2, $4  }
0xc2: {  	v2 =	vand.u32 $0x7F, v2;
	v4 =	vld.idx.msk [tilespmem:v9+s6+$0x0], $0xffff;
	v9 =	vadd.f32 v12, v11;
	v11 =	vmul.f32 v5, v5  }
0xc3: {  	v8 =	vor.u32 v1, v2;
	v5 =	vadd.s32 $0x1, v2  }
0xc4: {  	v12 =	vand.u32 $0x7F, v5;
	v5 =	vld.idx.msk [tilespmem:v10+s6+$0x0], $0xffff;
	v10 =	vadd.f32 v11, v9;
	v11 =	vmul.f32 v14, v14  }
0xc5: {  	v9 =	vor.u32 v1, v12;
	v12 =	vadd.s32 $0x2, v2  }
0xc6: {  	_ =	sdelay $0x2  }
0xc7: {  	v6 =	vmul.f32 v6, v6;
	v10 =	vadd.f32 v11, v10  }
0xc8: {  	v12 =	vand.u32 $0x7F, v12;
	v7 =	vld.idx.msk [tilespmem:v7+s6+$0x0], $0xffff;
	v2 =	vadd.s32 $0x3, v2  }
0xc9: {  	v11 =	vor.u32 v1, v12;
	v4 =	vmul.f32 v4, v4;
	v6 =	vadd.f32 v6, v10  }
0xca: {  	v8 =	vld.idx.msk [tilespmem:v8+s6+$0x0], $0xffff;
	v2 =	vand.u32 $0x7F, v2  }
0xcb: {  	v2 =	vor.u32 v1, v2;
	v5 =	vmul.f32 v5, v5;
	v4 =	vadd.f32 v4, v6  }
0xcc: {  	v6 =	vld.idx.msk [tilespmem:v9+s6+$0x0], $0xffff  }
0xcd: {  	v4 =	vadd.f32 v5, v4;
	v5 =	vmul.f32 v7, v7  }
0xce: {  	v7 =	vld.idx.msk [tilespmem:v11+s6+$0x0], $0xffff  }
0xcf: {  	v8 =	vmul.f32 v8, v8;
	v4 =	vadd.f32 v5, v4  }
0xd0: {  	v2 =	vld.idx.msk [tilespmem:v2+s6+$0x0], $0xffff  }
0xd1: {  	v5 =	vmul.f32 v6, v6;
	v4 =	vadd.f32 v8, v4;
	_ =	sdelay $0x1  }
0xd2: {  	v4 =	vadd.f32 v5, v4;
	v5 =	vmul.f32 v7, v7;
	_ =	sdelay $0x1  }
0xd3: {  	v2 =	vmul.f32 v2, v2;
	v4 =	vadd.f32 v5, v4;
	_ =	sdelay $0x1  }
0xd4: {  	v2 =	vadd.f32 v2, v4;
	_ =	sdelay $0x1  }
0xd5: {  	v4 =	vshra.s32 v2, $0x1;
	v2 =	vmul.f32 $5.000000000e-01, v2  }
0xd6: {  	v4 =	vsub.s32 $0x5F3759DF, v4  }
0xd7: {  	v5 =	vmul.f32 v4, v2;
	_ =	sdelay $0x1  }
0xd8: {  	v5 =	vmul.f32 v4, v5;
	_ =	sdelay $0x1  }
0xd9: {  	v5 =	vsub.f32 $1.500000000e+00, v5;
	_ =	sdelay $0x1  }
0xda: {  	v4 =	vmul.f32 v4, v5;
	_ =	sdelay $0x1  }
0xdb: {  	v5 =	vmul.f32 v4, v2;
	_ =	sdelay $0x1  }
0xdc: {  	v5 =	vmul.f32 v5, v4;
	_ =	sdelay $0x1  }
0xdd: {  	v5 =	vsub.f32 $1.500000000e+00, v5;
	_ =	sdelay $0x1  }
0xde: {  	v4 =	vmul.f32 v5, v4;
	_ =	sdelay $0x1  }
0xdf: {  	v5 =	vmul.f32 v4, v2;
	_ =	sdelay $0x1  }
0xe0: {  	v6 =	vlaneseq.u32;
	v5 =	vmul.f32 v5, v4  }
0xe1: {  	v7 =	vshll.u32 v6, $0x1  }
0xe2: {  	v8 =	vand.u32 $0x78, v7;
	v5 =	vsub.f32 $1.500000000e+00, v5  }
0xe3: {  	v9 =	vand.u32 $0x6, v7;
	v10 =	vor.u32 v1, v8  }
0xe4: {  	v4 =	vmul.f32 v5, v4;
	v5 =	vor.u32 $0x1, v9;
	v9 =	vor.u32 v9, v10  }
0xe5: {  	v10 =	vor.u32 v5, v10  }
0xe6: {  	v5 =	vor.u32 v8, v5;
	v2 =	vmul.f32 v4, v2;
	_ =	sdelay $0x1  }
0xe7: {  	v2 =	vmul.f32 v2, v4  }
0xe8: {  	v8 =	vld.idx.msk [tilespmem:v9+s6+$0x0], $0xffff  }
0xe9: {  	v2 =	vsub.f32 $1.500000000e+00, v2;
	v9 =	vld.idx.msk [tilespmem:v10+s6+$0x0], $0xffff  }
0xea: {  	v5 =	vld.idx.msk [tilespmem:v5+s13+$0x0], $0xffff  }
0xeb: {  	v2 =	vmul.f32 v2, v4;
	v4 =	vld.idx.msk [tilespmem:v7+s13+$0x0], $0xffff;
	v7 =	vadd.s32 $0x1, v6  }
0xec: {  	v3 =	vshll.u32 v3, $0x6;
	v10 =	vshll.u32 v7, $0x1  }
0xed: {  	v11 =	vor.u32 v3, v6;
	v8 =	vmul.f32 v8, v2;
	v12 =	vand.u32 $0x78, v10  }
0xee: {  	v13 =	vand.u32 $0x6, v10;
	v9 =	vmul.f32 v9, v2;
	v14 =	vor.u32 v1, v12  }
0xef: {  	v15 =	vor.u32 v13, v14  }
0xf0: {  	v13 =	vor.u32 $0x1, v13;
	v4 =	vmul.f32 v4, v8;
	v5 =	vmul.f32 v5, v9  }
0xf1: {  	v14 =	vor.u32 v13, v14;
	v8 =	vpack.i.f32.bf16 v9, v8  }
0xf2: {  	[tilespmem:v11+s18+$0x0] =	vst.idx.msk $0xffff, v8;
	v8 =	vand.u32 $0x7E, v10;
	v4 =	vpack.i.f32.bf16 v5, v4  }
0xf3: {  	[tilespmem:v11+s19+$0x0] =	vst.idx.msk $0xffff, v4;
	v11 =	vor.u32 v12, v13;
	_ =	sdelay $0x1  }
0xf4: {  	v4 =	vadd.s32 $0x2, v6;
	v10 =	vld.idx.msk [tilespmem:v15+s6+$0x0], $0xffff  }
0xf5: {  	v4 =	vand.u32 $0x3F, v4;
	v13 =	vld.idx.msk [tilespmem:v14+s6+$0x0], $0xffff  }
0xf6: {  	v5 =	vshll.u32 v4, $0x1;
	v9 =	vld.idx.msk [tilespmem:v8+s13+$0x0], $0xffff  }
0xf7: {  	v7 =	vand.u32 $0x3F, v7;
	v6 =	vand.u32 $0x6, v5;
	v14 =	vand.u32 $0x78, v5;
	v11 =	vld.idx.msk [tilespmem:v11+s13+$0x0], $0xffff  }
0xf8: {  	v7 =	vor.u32 v3, v7;
	v12 =	vor.u32 v1, v14;
	v15 =	vor.u32 $0x1, v6  }
0xf9: {  	v8 =	vor.u32 v6, v12;
	v6 =	vor.u32 v15, v12;
	v12 =	vmul.f32 v10, v2  }
0xfa: {  	s23 =	simm.s32 $0x1E;
	v10 =	vor.u32 v14, v15;
	v13 =	vmul.f32 v13, v2  }
.LBB2_9:
0xfb: {  	p1 =	sne.s32 s23, $0x1;
	s23 =	sadd.s32 $0xFFFFFFFF, s23;
	v9 =	vmul.f32 v9, v12  }
0xfc: {  	v12 =	vpack.i.f32.bf16 v13, v12;
	v11 =	vmul.f32 v11, v13  }
0xfd: {  	[tilespmem:v7+s18+$0x0] =	vst.idx.msk $0xffff, v12  }
0xfe: {  	v9 =	vpack.i.f32.bf16 v11, v9  }
0xff: {  	[tilespmem:v7+s19+$0x0] =	vst.idx.msk $0xffff, v9  }
0x100: {  	v7 =	vld.idx.msk [tilespmem:v8+s6+$0x0], $0xffff  }
0x101: {  	v6 =	vld.idx.msk [tilespmem:v6+s6+$0x0], $0xffff  }
0x102: {  	v8 =	vld.idx.msk [tilespmem:v10+s13+$0x0], $0xffff  }
0x103: {  	v5 =	vld.idx.msk [tilespmem:v5+s13+$0x0], $0xffff  }
0x104: {  	v9 =	vadd.s32 $0x1, v4  }
0x105: {  	v12 =	vand.u32 $0x3F, v9;
	v10 =	vshll.u32 v9, $0x1  }
0x106: {  	v9 =	vor.u32 v3, v4;
	v11 =	vand.u32 $0x78, v10;
	v7 =	vmul.f32 v7, v2  }
0x107: {  	v13 =	vand.u32 $0x6, v10;
	v14 =	vor.u32 v1, v11;
	v6 =	vmul.f32 v6, v2  }
0x108: {  	v15 =	vor.u32 v13, v14;
	v13 =	vor.u32 $0x1, v13  }
0x109: {  	v14 =	vor.u32 v13, v14;
	v5 =	vmul.f32 v5, v7;
	v8 =	vmul.f32 v8, v6  }
0x10a: {  	v6 =	vpack.i.f32.bf16 v6, v7;
	v7 =	vand.u32 $0x7E, v10;
	v10 =	vor.u32 v11, v13  }
0x10b: {  	v5 =	vpack.i.f32.bf16 v8, v5;
	[tilespmem:v9+s18+$0x0] =	vst.idx.msk $0xffff, v6  }
0x10c: {  	[tilespmem:v9+s19+$0x0] =	vst.idx.msk $0xffff, v5  }
0x10d: {  	v13 =	vld.idx.msk [tilespmem:v15+s6+$0x0], $0xffff  }
0x10e: {  	v4 =	vadd.s32 $0x2, v4;
	v14 =	vld.idx.msk [tilespmem:v14+s6+$0x0], $0xffff  }
0x10f: {  	v4 =	vand.u32 $0x3F, v4;
	v9 =	vld.idx.msk [tilespmem:v7+s13+$0x0], $0xffff  }
.Ltmp3:
0x110: {  	v5 =	vshll.u32 v4, $0x1;
	v11 =	vld.idx.msk [tilespmem:v10+s13+$0x0], $0xffff;
	(pc) =	sbr.rel @p1 .LBB2_9-.Ltmp3, $4  }
0x111: {  	v6 =	vand.u32 $0x6, v5;
	v10 =	vand.u32 $0x78, v5  }
0x112: {  	v16 =	vor.u32 $0x1, v6;
	v7 =	vor.u32 v3, v12;
	v15 =	vor.u32 v1, v10  }
0x113: {  	v8 =	vor.u32 v6, v15;
	v6 =	vor.u32 v16, v15;
	v12 =	vmul.f32 v13, v2  }
0x114: {  	v10 =	vor.u32 v10, v16;
	v13 =	vmul.f32 v14, v2  }
0x115: {  	_ =	sdelay $0x1  }
0x116: {  	v9 =	vmul.f32 v9, v12;
	v11 =	vmul.f32 v11, v13  }
0x117: {  	v12 =	vpack.i.f32.bf16 v13, v12  }
0x118: {  	[tilespmem:v7+s18+$0x0] =	vst.idx.msk $0xffff, v12;
	v9 =	vpack.i.f32.bf16 v11, v9  }
0x119: {  	[tilespmem:v7+s19+$0x0] =	vst.idx.msk $0xffff, v9  }
0x11a: {  	v7 =	vld.idx.msk [tilespmem:v8+s6+$0x0], $0xffff  }
0x11b: {  	v6 =	vld.idx.msk [tilespmem:v6+s6+$0x0], $0xffff  }
0x11c: {  	v8 =	vld.idx.msk [tilespmem:v10+s13+$0x0], $0xffff  }
0x11d: {  	v9 =	vadd.s32 $0x1, v4;
	v5 =	vld.idx.msk [tilespmem:v5+s13+$0x0], $0xffff  }
0x11e: {  	v10 =	vshll.u32 v9, $0x1  }
0x11f: {  	v4 =	vor.u32 v3, v4;
	v11 =	vand.u32 $0x78, v10;
	v12 =	vand.u32 $0x6, v10  }
0x120: {  	v1 =	vor.u32 v1, v11;
	v7 =	vmul.f32 v7, v2;
	v6 =	vmul.f32 v6, v2  }
0x121: {  	v13 =	vor.u32 v12, v1;
	v12 =	vor.u32 $0x1, v12  }
0x122: {  	v1 =	vor.u32 v12, v1;
	v5 =	vmul.f32 v5, v7;
	v8 =	vmul.f32 v8, v6  }
0x123: {  	v6 =	vpack.i.f32.bf16 v6, v7;
	v7 =	vand.u32 $0x7E, v10  }
0x124: {  	v10 =	vor.u32 v11, v12;
	[tilespmem:v4+s18+$0x0] =	vst.idx.msk $0xffff, v6;
	v5 =	vpack.i.f32.bf16 v8, v5  }
0x125: {  	[tilespmem:v4+s19+$0x0] =	vst.idx.msk $0xffff, v5  }
0x126: {  	v4 =	vld.idx.msk [tilespmem:v13+s6+$0x0], $0xffff  }
0x127: {  	v1 =	vld.idx.msk [tilespmem:v1+s6+$0x0], $0xffff  }
0x128: {  	v5 =	vld.idx.msk [tilespmem:v7+s13+$0x0], $0xffff  }
0x129: {  	v6 =	vld.idx.msk [tilespmem:v10+s13+$0x0], $0xffff;
	v7 =	vlaneseq.u32  }
0x12a: {  	v8 =	vand.u32 $0x3F, v9;
	v9 =	vor.u32 $0x20, v7  }
0x12b: {  	v8 =	vor.u32 v3, v8;
	v3 =	vadd.s32 v9, v0  }
0x12c: {  	v4 =	vmul.f32 v4, v2;
	v2 =	vmul.f32 v1, v2;
	v1 =	vshll.u32 v3, $0x7  }
0x12d: {  	v10 =	vadd.s32 $0x1, v7;
	v9 =	vor.u32 v1, v7  }
0x12e: {  	v10 =	vand.u32 $0x7F, v10;
	v5 =	vmul.f32 v5, v4;
	v6 =	vmul.f32 v6, v2  }
0x12f: {  	v2 =	vpack.i.f32.bf16 v2, v4;
	v4 =	vor.u32 v1, v10;
	v10 =	vadd.s32 $0x2, v7  }
0x130: {  	[tilespmem:v8+s18+$0x0] =	vst.idx.msk $0xffff, v2;
	v2 =	vpack.i.f32.bf16 v6, v5;
	v5 =	vand.u32 $0x7F, v10  }
0x131: {  	[tilespmem:v8+s19+$0x0] =	vst.idx.msk $0xffff, v2;
	v2 =	vor.u32 v1, v5;
	v5 =	vadd.s32 $0x3, v7  }
0x132: {  	v6 =	vld.idx.msk [tilespmem:v9+s6+$0x0], $0xffff;
	v5 =	vand.u32 $0x7F, v5  }
0x133: {  	v7 =	vadd.s32 $0x4, v7;
	v5 =	vor.u32 v1, v5  }
0x134: {  	v7 =	vand.u32 $0x7F, v7;
	v4 =	vld.idx.msk [tilespmem:v4+s6+$0x0], $0xffff  }
0x135: {  	v8 =	vor.u32 v1, v7;
	v9 =	vadd.s32 $0x1, v7  }
0x136: {  	v9 =	vand.u32 $0x7F, v9;
	v10 =	vld.idx.msk [tilespmem:v2+s6+$0x0], $0xffff;
	v2 =	vadd.s32 $0x2, v7  }
0x137: {  	v9 =	vor.u32 v1, v9;
	v2 =	vand.u32 $0x7F, v2;
	v6 =	vmul.f32 v6, v6  }
0x138: {  	v11 =	vimm.f32 $0.0e+00;
	v12 =	vor.u32 v1, v2;
	v13 =	vld.idx.msk [tilespmem:v5+s6+$0x0], $0xffff;
	v2 =	vadd.s32 $0x3, v7  }
0x139: {  	v4 =	vmul.f32 v4, v4;
	v5 =	vadd.f32 v6, v11;
	v11 =	vand.u32 $0x7F, v2  }
0x13a: {  	v2 =	vadd.s32 $0x4, v7;
	v6 =	vld.idx.msk [tilespmem:v8+s6+$0x0], $0xffff;
	v7 =	vor.u32 v1, v11  }
0x13b: {  	v2 =	vand.u32 $0x7F, v2;
	v5 =	vadd.f32 v4, v5;
	v10 =	vmul.f32 v10, v10  }
0x13c: {  	v11 =	vadd.s32 $0x1, v2;
	v4 =	vld.idx.msk [tilespmem:v9+s6+$0x0], $0xffff;
	v8 =	vor.u32 v1, v2  }
0x13d: {  	v9 =	vand.u32 $0x7F, v11;
	v10 =	vadd.f32 v10, v5;
	v11 =	vmul.f32 v13, v13  }
0x13e: {  	s23 =	simm.s32 $0x1D;
	v5 =	vld.idx.msk [tilespmem:v12+s6+$0x0], $0xffff;
	v9 =	vor.u32 v1, v9;
	v12 =	vadd.s32 $0x2, v2  }
.LBB2_11:
0x13f: {  	p1 =	sne.s32 s23, $0x1;
	s23 =	sadd.s32 $0xFFFFFFFF, s23;
	v12 =	vand.u32 $0x7F, v12;
	v13 =	vmul.f32 v6, v6;
	v14 =	vld.idx.msk [tilespmem:v7+s6+$0x0], $0xffff;
	v7 =	vadd.f32 v11, v10  }
0x140: {  	v11 =	vadd.s32 $0x3, v2;
	v10 =	vor.u32 v1, v12  }
0x141: {  	v12 =	vmul.f32 v4, v4;
	v6 =	vld.idx.msk [tilespmem:v8+s6+$0x0], $0xffff;
	v8 =	vand.u32 $0x7F, v11;
	v11 =	vadd.f32 v13, v7  }
.Ltmp4:
0x142: {  	v2 =	vadd.s32 $0x4, v2;
	v7 =	vor.u32 v1, v8;
	(pc) =	sbr.rel @p1 .LBB2_11-.Ltmp4, $4  }
0x143: {  	v2 =	vand.u32 $0x7F, v2;
	v4 =	vld.idx.msk [tilespmem:v9+s6+$0x0], $0xffff;
	v9 =	vadd.f32 v12, v11;
	v11 =	vmul.f32 v5, v5  }
0x144: {  	v8 =	vor.u32 v1, v2;
	v5 =	vadd.s32 $0x1, v2  }
0x145: {  	v12 =	vand.u32 $0x7F, v5;
	v5 =	vld.idx.msk [tilespmem:v10+s6+$0x0], $0xffff;
	v10 =	vadd.f32 v11, v9;
	v11 =	vmul.f32 v14, v14  }
0x146: {  	v9 =	vor.u32 v1, v12;
	v12 =	vadd.s32 $0x2, v2  }
0x147: {  	_ =	sdelay $0x2  }
0x148: {  	v6 =	vmul.f32 v6, v6;
	v10 =	vadd.f32 v11, v10  }
0x149: {  	v12 =	vand.u32 $0x7F, v12;
	v7 =	vld.idx.msk [tilespmem:v7+s6+$0x0], $0xffff;
	v2 =	vadd.s32 $0x3, v2  }
0x14a: {  	v11 =	vor.u32 v1, v12;
	v4 =	vmul.f32 v4, v4;
	v6 =	vadd.f32 v6, v10  }
0x14b: {  	v8 =	vld.idx.msk [tilespmem:v8+s6+$0x0], $0xffff;
	v2 =	vand.u32 $0x7F, v2  }
0x14c: {  	v2 =	vor.u32 v1, v2;
	v5 =	vmul.f32 v5, v5;
	v4 =	vadd.f32 v4, v6  }
0x14d: {  	v6 =	vld.idx.msk [tilespmem:v9+s6+$0x0], $0xffff  }
0x14e: {  	v4 =	vadd.f32 v5, v4;
	v5 =	vmul.f32 v7, v7  }
0x14f: {  	v7 =	vld.idx.msk [tilespmem:v11+s6+$0x0], $0xffff  }
0x150: {  	v8 =	vmul.f32 v8, v8;
	v4 =	vadd.f32 v5, v4  }
0x151: {  	v2 =	vld.idx.msk [tilespmem:v2+s6+$0x0], $0xffff  }
0x152: {  	v5 =	vmul.f32 v6, v6;
	v4 =	vadd.f32 v8, v4;
	_ =	sdelay $0x1  }
0x153: {  	v4 =	vadd.f32 v5, v4;
	v5 =	vmul.f32 v7, v7;
	_ =	sdelay $0x1  }
0x154: {  	v2 =	vmul.f32 v2, v2;
	v4 =	vadd.f32 v5, v4;
	_ =	sdelay $0x1  }
0x155: {  	v2 =	vadd.f32 v2, v4;
	_ =	sdelay $0x1  }
0x156: {  	v4 =	vshra.s32 v2, $0x1;
	v2 =	vmul.f32 $5.000000000e-01, v2  }
0x157: {  	v4 =	vsub.s32 $0x5F3759DF, v4  }
0x158: {  	v5 =	vmul.f32 v4, v2;
	_ =	sdelay $0x1  }
0x159: {  	v5 =	vmul.f32 v4, v5;
	_ =	sdelay $0x1  }
0x15a: {  	v5 =	vsub.f32 $1.500000000e+00, v5;
	_ =	sdelay $0x1  }
0x15b: {  	v4 =	vmul.f32 v4, v5;
	_ =	sdelay $0x1  }
0x15c: {  	v5 =	vmul.f32 v4, v2;
	_ =	sdelay $0x1  }
0x15d: {  	v5 =	vmul.f32 v5, v4;
	_ =	sdelay $0x1  }
0x15e: {  	v5 =	vsub.f32 $1.500000000e+00, v5;
	_ =	sdelay $0x1  }
0x15f: {  	v4 =	vmul.f32 v5, v4;
	_ =	sdelay $0x1  }
0x160: {  	v5 =	vmul.f32 v4, v2;
	_ =	sdelay $0x1  }
0x161: {  	v6 =	vlaneseq.u32;
	v5 =	vmul.f32 v5, v4  }
0x162: {  	v7 =	vshll.u32 v6, $0x1  }
0x163: {  	v8 =	vand.u32 $0x78, v7;
	v5 =	vsub.f32 $1.500000000e+00, v5  }
0x164: {  	v9 =	vand.u32 $0x6, v7;
	v10 =	vor.u32 v1, v8  }
0x165: {  	v4 =	vmul.f32 v5, v4;
	v5 =	vor.u32 $0x1, v9;
	v9 =	vor.u32 v9, v10  }
0x166: {  	v10 =	vor.u32 v5, v10  }
0x167: {  	v5 =	vor.u32 v8, v5;
	v2 =	vmul.f32 v4, v2;
	_ =	sdelay $0x1  }
0x168: {  	v2 =	vmul.f32 v2, v4  }
0x169: {  	v8 =	vld.idx.msk [tilespmem:v9+s6+$0x0], $0xffff  }
0x16a: {  	v2 =	vsub.f32 $1.500000000e+00, v2;
	v9 =	vld.idx.msk [tilespmem:v10+s6+$0x0], $0xffff  }
0x16b: {  	v5 =	vld.idx.msk [tilespmem:v5+s13+$0x0], $0xffff  }
0x16c: {  	v2 =	vmul.f32 v2, v4;
	v4 =	vld.idx.msk [tilespmem:v7+s13+$0x0], $0xffff;
	v7 =	vadd.s32 $0x1, v6  }
0x16d: {  	v3 =	vshll.u32 v3, $0x6;
	v10 =	vshll.u32 v7, $0x1  }
0x16e: {  	v11 =	vor.u32 v3, v6;
	v8 =	vmul.f32 v8, v2;
	v12 =	vand.u32 $0x78, v10  }
0x16f: {  	v13 =	vand.u32 $0x6, v10;
	v9 =	vmul.f32 v9, v2;
	v14 =	vor.u32 v1, v12  }
0x170: {  	v15 =	vor.u32 v13, v14  }
0x171: {  	v13 =	vor.u32 $0x1, v13;
	v4 =	vmul.f32 v4, v8;
	v5 =	vmul.f32 v5, v9  }
0x172: {  	v14 =	vor.u32 v13, v14;
	v8 =	vpack.i.f32.bf16 v9, v8  }
0x173: {  	[tilespmem:v11+s18+$0x0] =	vst.idx.msk $0xffff, v8;
	v8 =	vand.u32 $0x7E, v10;
	v4 =	vpack.i.f32.bf16 v5, v4  }
0x174: {  	[tilespmem:v11+s19+$0x0] =	vst.idx.msk $0xffff, v4;
	v11 =	vor.u32 v12, v13;
	_ =	sdelay $0x1  }
0x175: {  	v4 =	vadd.s32 $0x2, v6;
	v10 =	vld.idx.msk [tilespmem:v15+s6+$0x0], $0xffff  }
0x176: {  	v4 =	vand.u32 $0x3F, v4;
	v13 =	vld.idx.msk [tilespmem:v14+s6+$0x0], $0xffff  }
0x177: {  	v5 =	vshll.u32 v4, $0x1;
	v9 =	vld.idx.msk [tilespmem:v8+s13+$0x0], $0xffff  }
0x178: {  	v7 =	vand.u32 $0x3F, v7;
	v6 =	vand.u32 $0x6, v5;
	v14 =	vand.u32 $0x78, v5;
	v11 =	vld.idx.msk [tilespmem:v11+s13+$0x0], $0xffff  }
0x179: {  	v7 =	vor.u32 v3, v7;
	v12 =	vor.u32 v1, v14;
	v15 =	vor.u32 $0x1, v6  }
0x17a: {  	v8 =	vor.u32 v6, v12;
	v6 =	vor.u32 v15, v12;
	v12 =	vmul.f32 v10, v2  }
0x17b: {  	s23 =	simm.s32 $0x1E;
	v10 =	vor.u32 v14, v15;
	v13 =	vmul.f32 v13, v2  }
.LBB2_13:
0x17c: {  	p1 =	sne.s32 s23, $0x1;
	s23 =	sadd.s32 $0xFFFFFFFF, s23;
	v9 =	vmul.f32 v9, v12  }
0x17d: {  	v12 =	vpack.i.f32.bf16 v13, v12;
	v11 =	vmul.f32 v11, v13  }
0x17e: {  	[tilespmem:v7+s18+$0x0] =	vst.idx.msk $0xffff, v12  }
0x17f: {  	v9 =	vpack.i.f32.bf16 v11, v9  }
0x180: {  	[tilespmem:v7+s19+$0x0] =	vst.idx.msk $0xffff, v9  }
0x181: {  	v7 =	vld.idx.msk [tilespmem:v8+s6+$0x0], $0xffff  }
0x182: {  	v6 =	vld.idx.msk [tilespmem:v6+s6+$0x0], $0xffff  }
0x183: {  	v8 =	vld.idx.msk [tilespmem:v10+s13+$0x0], $0xffff  }
0x184: {  	v5 =	vld.idx.msk [tilespmem:v5+s13+$0x0], $0xffff  }
0x185: {  	v9 =	vadd.s32 $0x1, v4  }
0x186: {  	v12 =	vand.u32 $0x3F, v9;
	v10 =	vshll.u32 v9, $0x1  }
0x187: {  	v9 =	vor.u32 v3, v4;
	v11 =	vand.u32 $0x78, v10;
	v7 =	vmul.f32 v7, v2  }
0x188: {  	v13 =	vand.u32 $0x6, v10;
	v14 =	vor.u32 v1, v11;
	v6 =	vmul.f32 v6, v2  }
0x189: {  	v15 =	vor.u32 v13, v14;
	v13 =	vor.u32 $0x1, v13  }
0x18a: {  	v14 =	vor.u32 v13, v14;
	v5 =	vmul.f32 v5, v7;
	v8 =	vmul.f32 v8, v6  }
0x18b: {  	v6 =	vpack.i.f32.bf16 v6, v7;
	v7 =	vand.u32 $0x7E, v10;
	v10 =	vor.u32 v11, v13  }
0x18c: {  	v5 =	vpack.i.f32.bf16 v8, v5;
	[tilespmem:v9+s18+$0x0] =	vst.idx.msk $0xffff, v6  }
0x18d: {  	[tilespmem:v9+s19+$0x0] =	vst.idx.msk $0xffff, v5  }
0x18e: {  	v13 =	vld.idx.msk [tilespmem:v15+s6+$0x0], $0xffff  }
0x18f: {  	v4 =	vadd.s32 $0x2, v4;
	v14 =	vld.idx.msk [tilespmem:v14+s6+$0x0], $0xffff  }
0x190: {  	v4 =	vand.u32 $0x3F, v4;
	v9 =	vld.idx.msk [tilespmem:v7+s13+$0x0], $0xffff  }
.Ltmp5:
0x191: {  	v5 =	vshll.u32 v4, $0x1;
	v11 =	vld.idx.msk [tilespmem:v10+s13+$0x0], $0xffff;
	(pc) =	sbr.rel @p1 .LBB2_13-.Ltmp5, $4  }
0x192: {  	v6 =	vand.u32 $0x6, v5;
	v10 =	vand.u32 $0x78, v5  }
0x193: {  	v16 =	vor.u32 $0x1, v6;
	v7 =	vor.u32 v3, v12;
	v15 =	vor.u32 v1, v10  }
0x194: {  	v8 =	vor.u32 v6, v15;
	v6 =	vor.u32 v16, v15;
	v12 =	vmul.f32 v13, v2  }
0x195: {  	v10 =	vor.u32 v10, v16;
	v13 =	vmul.f32 v14, v2  }
0x196: {  	_ =	sdelay $0x1  }
0x197: {  	v9 =	vmul.f32 v9, v12;
	v11 =	vmul.f32 v11, v13  }
0x198: {  	v12 =	vpack.i.f32.bf16 v13, v12  }
0x199: {  	[tilespmem:v7+s18+$0x0] =	vst.idx.msk $0xffff, v12;
	v9 =	vpack.i.f32.bf16 v11, v9  }
0x19a: {  	[tilespmem:v7+s19+$0x0] =	vst.idx.msk $0xffff, v9  }
0x19b: {  	v7 =	vld.idx.msk [tilespmem:v8+s6+$0x0], $0xffff  }
0x19c: {  	v6 =	vld.idx.msk [tilespmem:v6+s6+$0x0], $0xffff  }
0x19d: {  	v8 =	vld.idx.msk [tilespmem:v10+s13+$0x0], $0xffff  }
0x19e: {  	v9 =	vadd.s32 $0x1, v4;
	v5 =	vld.idx.msk [tilespmem:v5+s13+$0x0], $0xffff  }
0x19f: {  	v10 =	vshll.u32 v9, $0x1  }
0x1a0: {  	v4 =	vor.u32 v3, v4;
	v11 =	vand.u32 $0x78, v10;
	v12 =	vand.u32 $0x6, v10  }
0x1a1: {  	v1 =	vor.u32 v1, v11;
	v7 =	vmul.f32 v7, v2;
	v6 =	vmul.f32 v6, v2  }
0x1a2: {  	v13 =	vor.u32 v12, v1;
	v12 =	vor.u32 $0x1, v12  }
0x1a3: {  	v1 =	vor.u32 v12, v1;
	v5 =	vmul.f32 v5, v7;
	v8 =	vmul.f32 v8, v6  }
0x1a4: {  	v6 =	vpack.i.f32.bf16 v6, v7;
	v7 =	vand.u32 $0x7E, v10  }
0x1a5: {  	v10 =	vor.u32 v11, v12;
	[tilespmem:v4+s18+$0x0] =	vst.idx.msk $0xffff, v6;
	v5 =	vpack.i.f32.bf16 v8, v5  }
0x1a6: {  	[tilespmem:v4+s19+$0x0] =	vst.idx.msk $0xffff, v5  }
0x1a7: {  	v4 =	vld.idx.msk [tilespmem:v13+s6+$0x0], $0xffff  }
0x1a8: {  	v1 =	vld.idx.msk [tilespmem:v1+s6+$0x0], $0xffff  }
0x1a9: {  	v5 =	vld.idx.msk [tilespmem:v7+s13+$0x0], $0xffff  }
0x1aa: {  	v6 =	vld.idx.msk [tilespmem:v10+s13+$0x0], $0xffff;
	v7 =	vlaneseq.u32  }
0x1ab: {  	v8 =	vand.u32 $0x3F, v9;
	v9 =	vor.u32 $0x30, v7  }
0x1ac: {  	v8 =	vor.u32 v3, v8;
	v3 =	vadd.s32 v9, v0  }
0x1ad: {  	v4 =	vmul.f32 v4, v2;
	v2 =	vmul.f32 v1, v2;
	v1 =	vshll.u32 v3, $0x7  }
0x1ae: {  	v10 =	vadd.s32 $0x1, v7;
	v9 =	vor.u32 v1, v7  }
0x1af: {  	v10 =	vand.u32 $0x7F, v10;
	v5 =	vmul.f32 v5, v4;
	v6 =	vmul.f32 v6, v2  }
0x1b0: {  	v2 =	vpack.i.f32.bf16 v2, v4;
	v4 =	vor.u32 v1, v10;
	v10 =	vadd.s32 $0x2, v7  }
0x1b1: {  	[tilespmem:v8+s18+$0x0] =	vst.idx.msk $0xffff, v2;
	v2 =	vpack.i.f32.bf16 v6, v5;
	v5 =	vand.u32 $0x7F, v10  }
0x1b2: {  	[tilespmem:v8+s19+$0x0] =	vst.idx.msk $0xffff, v2;
	v2 =	vor.u32 v1, v5;
	v5 =	vadd.s32 $0x3, v7  }
0x1b3: {  	v6 =	vld.idx.msk [tilespmem:v9+s6+$0x0], $0xffff;
	v5 =	vand.u32 $0x7F, v5  }
0x1b4: {  	v7 =	vadd.s32 $0x4, v7;
	v5 =	vor.u32 v1, v5  }
0x1b5: {  	v7 =	vand.u32 $0x7F, v7;
	v4 =	vld.idx.msk [tilespmem:v4+s6+$0x0], $0xffff  }
0x1b6: {  	v8 =	vor.u32 v1, v7;
	v9 =	vadd.s32 $0x1, v7  }
0x1b7: {  	v9 =	vand.u32 $0x7F, v9;
	v10 =	vld.idx.msk [tilespmem:v2+s6+$0x0], $0xffff;
	v2 =	vadd.s32 $0x2, v7  }
0x1b8: {  	v9 =	vor.u32 v1, v9;
	v2 =	vand.u32 $0x7F, v2;
	v6 =	vmul.f32 v6, v6  }
0x1b9: {  	v11 =	vimm.f32 $0.0e+00;
	v12 =	vor.u32 v1, v2;
	v13 =	vld.idx.msk [tilespmem:v5+s6+$0x0], $0xffff;
	v2 =	vadd.s32 $0x3, v7  }
0x1ba: {  	v4 =	vmul.f32 v4, v4;
	v5 =	vadd.f32 v6, v11;
	v11 =	vand.u32 $0x7F, v2  }
0x1bb: {  	v2 =	vadd.s32 $0x4, v7;
	v6 =	vld.idx.msk [tilespmem:v8+s6+$0x0], $0xffff;
	v7 =	vor.u32 v1, v11  }
0x1bc: {  	v2 =	vand.u32 $0x7F, v2;
	v5 =	vadd.f32 v4, v5;
	v10 =	vmul.f32 v10, v10  }
0x1bd: {  	v11 =	vadd.s32 $0x1, v2;
	v4 =	vld.idx.msk [tilespmem:v9+s6+$0x0], $0xffff;
	v8 =	vor.u32 v1, v2  }
0x1be: {  	v9 =	vand.u32 $0x7F, v11;
	v10 =	vadd.f32 v10, v5;
	v11 =	vmul.f32 v13, v13  }
0x1bf: {  	s23 =	simm.s32 $0x1D;
	v5 =	vld.idx.msk [tilespmem:v12+s6+$0x0], $0xffff;
	v9 =	vor.u32 v1, v9;
	v12 =	vadd.s32 $0x2, v2  }
.LBB2_15:
0x1c0: {  	p1 =	sne.s32 s23, $0x1;
	s23 =	sadd.s32 $0xFFFFFFFF, s23;
	v12 =	vand.u32 $0x7F, v12;
	v13 =	vmul.f32 v6, v6;
	v14 =	vld.idx.msk [tilespmem:v7+s6+$0x0], $0xffff;
	v7 =	vadd.f32 v11, v10  }
0x1c1: {  	v11 =	vadd.s32 $0x3, v2;
	v10 =	vor.u32 v1, v12  }
0x1c2: {  	v12 =	vmul.f32 v4, v4;
	v6 =	vld.idx.msk [tilespmem:v8+s6+$0x0], $0xffff;
	v8 =	vand.u32 $0x7F, v11;
	v11 =	vadd.f32 v13, v7  }
.Ltmp6:
0x1c3: {  	v2 =	vadd.s32 $0x4, v2;
	v7 =	vor.u32 v1, v8;
	(pc) =	sbr.rel @p1 .LBB2_15-.Ltmp6, $4  }
0x1c4: {  	v2 =	vand.u32 $0x7F, v2;
	v4 =	vld.idx.msk [tilespmem:v9+s6+$0x0], $0xffff;
	v9 =	vadd.f32 v12, v11;
	v11 =	vmul.f32 v5, v5  }
0x1c5: {  	v8 =	vor.u32 v1, v2;
	v5 =	vadd.s32 $0x1, v2  }
0x1c6: {  	v12 =	vand.u32 $0x7F, v5;
	v5 =	vld.idx.msk [tilespmem:v10+s6+$0x0], $0xffff;
	v10 =	vadd.f32 v11, v9;
	v11 =	vmul.f32 v14, v14  }
0x1c7: {  	v9 =	vor.u32 v1, v12;
	v12 =	vadd.s32 $0x2, v2  }
0x1c8: {  	_ =	sdelay $0x2  }
0x1c9: {  	v6 =	vmul.f32 v6, v6;
	v10 =	vadd.f32 v11, v10  }
0x1ca: {  	v12 =	vand.u32 $0x7F, v12;
	v7 =	vld.idx.msk [tilespmem:v7+s6+$0x0], $0xffff;
	v2 =	vadd.s32 $0x3, v2  }
0x1cb: {  	v11 =	vor.u32 v1, v12;
	v4 =	vmul.f32 v4, v4;
	v6 =	vadd.f32 v6, v10  }
0x1cc: {  	v8 =	vld.idx.msk [tilespmem:v8+s6+$0x0], $0xffff;
	v2 =	vand.u32 $0x7F, v2  }
0x1cd: {  	v2 =	vor.u32 v1, v2;
	v5 =	vmul.f32 v5, v5;
	v4 =	vadd.f32 v4, v6  }
0x1ce: {  	v6 =	vld.idx.msk [tilespmem:v9+s6+$0x0], $0xffff  }
0x1cf: {  	v4 =	vadd.f32 v5, v4;
	v5 =	vmul.f32 v7, v7  }
0x1d0: {  	v7 =	vld.idx.msk [tilespmem:v11+s6+$0x0], $0xffff  }
0x1d1: {  	v8 =	vmul.f32 v8, v8;
	v4 =	vadd.f32 v5, v4  }
0x1d2: {  	v2 =	vld.idx.msk [tilespmem:v2+s6+$0x0], $0xffff  }
0x1d3: {  	v5 =	vmul.f32 v6, v6;
	v4 =	vadd.f32 v8, v4;
	_ =	sdelay $0x1  }
0x1d4: {  	v4 =	vadd.f32 v5, v4;
	v5 =	vmul.f32 v7, v7;
	_ =	sdelay $0x1  }
0x1d5: {  	v2 =	vmul.f32 v2, v2;
	v4 =	vadd.f32 v5, v4;
	_ =	sdelay $0x1  }
0x1d6: {  	v2 =	vadd.f32 v2, v4;
	_ =	sdelay $0x1  }
0x1d7: {  	v4 =	vshra.s32 v2, $0x1;
	v2 =	vmul.f32 $5.000000000e-01, v2  }
0x1d8: {  	v4 =	vsub.s32 $0x5F3759DF, v4  }
0x1d9: {  	v5 =	vmul.f32 v4, v2;
	_ =	sdelay $0x1  }
0x1da: {  	v5 =	vmul.f32 v4, v5;
	_ =	sdelay $0x1  }
0x1db: {  	v5 =	vsub.f32 $1.500000000e+00, v5;
	_ =	sdelay $0x1  }
0x1dc: {  	v4 =	vmul.f32 v4, v5;
	_ =	sdelay $0x1  }
0x1dd: {  	v5 =	vmul.f32 v4, v2;
	_ =	sdelay $0x1  }
0x1de: {  	v5 =	vmul.f32 v5, v4;
	_ =	sdelay $0x1  }
0x1df: {  	v5 =	vsub.f32 $1.500000000e+00, v5;
	_ =	sdelay $0x1  }
0x1e0: {  	v4 =	vmul.f32 v5, v4;
	_ =	sdelay $0x1  }
0x1e1: {  	v5 =	vmul.f32 v4, v2;
	_ =	sdelay $0x1  }
0x1e2: {  	v6 =	vlaneseq.u32;
	v5 =	vmul.f32 v5, v4  }
0x1e3: {  	v7 =	vshll.u32 v6, $0x1  }
0x1e4: {  	v8 =	vand.u32 $0x78, v7;
	v5 =	vsub.f32 $1.500000000e+00, v5  }
0x1e5: {  	v9 =	vand.u32 $0x6, v7;
	v10 =	vor.u32 v1, v8  }
0x1e6: {  	v4 =	vmul.f32 v5, v4;
	v5 =	vor.u32 $0x1, v9;
	v9 =	vor.u32 v9, v10  }
0x1e7: {  	v10 =	vor.u32 v5, v10  }
0x1e8: {  	v5 =	vor.u32 v8, v5;
	v2 =	vmul.f32 v4, v2;
	_ =	sdelay $0x1  }
0x1e9: {  	v2 =	vmul.f32 v2, v4  }
0x1ea: {  	v8 =	vld.idx.msk [tilespmem:v9+s6+$0x0], $0xffff  }
0x1eb: {  	v2 =	vsub.f32 $1.500000000e+00, v2;
	v9 =	vld.idx.msk [tilespmem:v10+s6+$0x0], $0xffff  }
0x1ec: {  	v5 =	vld.idx.msk [tilespmem:v5+s13+$0x0], $0xffff  }
0x1ed: {  	v2 =	vmul.f32 v2, v4;
	v4 =	vld.idx.msk [tilespmem:v7+s13+$0x0], $0xffff;
	v7 =	vadd.s32 $0x1, v6  }
0x1ee: {  	v3 =	vshll.u32 v3, $0x6;
	v10 =	vshll.u32 v7, $0x1  }
0x1ef: {  	v11 =	vor.u32 v3, v6;
	v8 =	vmul.f32 v8, v2;
	v12 =	vand.u32 $0x78, v10  }
0x1f0: {  	v13 =	vand.u32 $0x6, v10;
	v9 =	vmul.f32 v9, v2;
	v14 =	vor.u32 v1, v12  }
0x1f1: {  	v15 =	vor.u32 v13, v14  }
0x1f2: {  	v13 =	vor.u32 $0x1, v13;
	v4 =	vmul.f32 v4, v8;
	v5 =	vmul.f32 v5, v9  }
0x1f3: {  	v14 =	vor.u32 v13, v14;
	v8 =	vpack.i.f32.bf16 v9, v8  }
0x1f4: {  	[tilespmem:v11+s18+$0x0] =	vst.idx.msk $0xffff, v8;
	v8 =	vand.u32 $0x7E, v10;
	v4 =	vpack.i.f32.bf16 v5, v4  }
0x1f5: {  	[tilespmem:v11+s19+$0x0] =	vst.idx.msk $0xffff, v4;
	v11 =	vor.u32 v12, v13;
	_ =	sdelay $0x1  }
0x1f6: {  	v4 =	vadd.s32 $0x2, v6;
	v10 =	vld.idx.msk [tilespmem:v15+s6+$0x0], $0xffff  }
0x1f7: {  	v4 =	vand.u32 $0x3F, v4;
	v13 =	vld.idx.msk [tilespmem:v14+s6+$0x0], $0xffff  }
0x1f8: {  	v5 =	vshll.u32 v4, $0x1;
	v9 =	vld.idx.msk [tilespmem:v8+s13+$0x0], $0xffff  }
0x1f9: {  	v7 =	vand.u32 $0x3F, v7;
	v6 =	vand.u32 $0x6, v5;
	v14 =	vand.u32 $0x78, v5;
	v11 =	vld.idx.msk [tilespmem:v11+s13+$0x0], $0xffff  }
0x1fa: {  	v7 =	vor.u32 v3, v7;
	v12 =	vor.u32 v1, v14;
	v15 =	vor.u32 $0x1, v6  }
0x1fb: {  	v8 =	vor.u32 v6, v12;
	v6 =	vor.u32 v15, v12;
	v12 =	vmul.f32 v10, v2  }
0x1fc: {  	s23 =	simm.s32 $0x1E;
	v10 =	vor.u32 v14, v15;
	v13 =	vmul.f32 v13, v2  }
.LBB2_17:
0x1fd: {  	p1 =	sne.s32 s23, $0x1;
	s23 =	sadd.s32 $0xFFFFFFFF, s23;
	v9 =	vmul.f32 v9, v12  }
0x1fe: {  	v12 =	vpack.i.f32.bf16 v13, v12;
	v11 =	vmul.f32 v11, v13  }
0x1ff: {  	[tilespmem:v7+s18+$0x0] =	vst.idx.msk $0xffff, v12  }
0x200: {  	v9 =	vpack.i.f32.bf16 v11, v9  }
0x201: {  	[tilespmem:v7+s19+$0x0] =	vst.idx.msk $0xffff, v9  }
0x202: {  	v7 =	vld.idx.msk [tilespmem:v8+s6+$0x0], $0xffff  }
0x203: {  	v6 =	vld.idx.msk [tilespmem:v6+s6+$0x0], $0xffff  }
0x204: {  	v8 =	vld.idx.msk [tilespmem:v10+s13+$0x0], $0xffff  }
0x205: {  	v5 =	vld.idx.msk [tilespmem:v5+s13+$0x0], $0xffff  }
0x206: {  	v9 =	vadd.s32 $0x1, v4  }
0x207: {  	v12 =	vand.u32 $0x3F, v9;
	v10 =	vshll.u32 v9, $0x1  }
0x208: {  	v9 =	vor.u32 v3, v4;
	v11 =	vand.u32 $0x78, v10;
	v7 =	vmul.f32 v7, v2  }
0x209: {  	v13 =	vand.u32 $0x6, v10;
	v14 =	vor.u32 v1, v11;
	v6 =	vmul.f32 v6, v2  }
0x20a: {  	v15 =	vor.u32 v13, v14;
	v13 =	vor.u32 $0x1, v13  }
0x20b: {  	v14 =	vor.u32 v13, v14;
	v5 =	vmul.f32 v5, v7;
	v8 =	vmul.f32 v8, v6  }
0x20c: {  	v6 =	vpack.i.f32.bf16 v6, v7;
	v7 =	vand.u32 $0x7E, v10;
	v10 =	vor.u32 v11, v13  }
0x20d: {  	v5 =	vpack.i.f32.bf16 v8, v5;
	[tilespmem:v9+s18+$0x0] =	vst.idx.msk $0xffff, v6  }
0x20e: {  	[tilespmem:v9+s19+$0x0] =	vst.idx.msk $0xffff, v5  }
0x20f: {  	v13 =	vld.idx.msk [tilespmem:v15+s6+$0x0], $0xffff  }
0x210: {  	v4 =	vadd.s32 $0x2, v4;
	v14 =	vld.idx.msk [tilespmem:v14+s6+$0x0], $0xffff  }
0x211: {  	v4 =	vand.u32 $0x3F, v4;
	v9 =	vld.idx.msk [tilespmem:v7+s13+$0x0], $0xffff  }
.Ltmp7:
0x212: {  	v5 =	vshll.u32 v4, $0x1;
	v11 =	vld.idx.msk [tilespmem:v10+s13+$0x0], $0xffff;
	(pc) =	sbr.rel @p1 .LBB2_17-.Ltmp7, $4  }
0x213: {  	v6 =	vand.u32 $0x6, v5;
	v10 =	vand.u32 $0x78, v5  }
0x214: {  	v16 =	vor.u32 $0x1, v6;
	v7 =	vor.u32 v3, v12;
	v15 =	vor.u32 v1, v10  }
0x215: {  	v8 =	vor.u32 v6, v15;
	v6 =	vor.u32 v16, v15;
	v12 =	vmul.f32 v13, v2  }
0x216: {  	v10 =	vor.u32 v10, v16;
	v13 =	vmul.f32 v14, v2  }
0x217: {  	_ =	sdelay $0x1  }
0x218: {  	v9 =	vmul.f32 v9, v12;
	v11 =	vmul.f32 v11, v13  }
0x219: {  	v60 =	vpack.i.f32.bf16 v13, v12  }
0x21a: {  	[tilespmem:v7+s18+$0x0] =	vst.idx.msk $0xffff, v60;
	v9 =	vpack.i.f32.bf16 v11, v9  }
0x21b: {  	[tilespmem:v7+s19+$0x0] =	vst.idx.msk $0xffff, v9  }
0x21c: {  	v7 =	vld.idx.msk [tilespmem:v8+s6+$0x0], $0xffff  }
0x21d: {  	v6 =	vld.idx.msk [tilespmem:v6+s6+$0x0], $0xffff  }
0x21e: {  	v8 =	vld.idx.msk [tilespmem:v10+s13+$0x0], $0xffff  }
0x21f: {  	v9 =	vadd.s32 $0x1, v4;
	v5 =	vld.idx.msk [tilespmem:v5+s13+$0x0], $0xffff  }
0x220: {  	v10 =	vshll.u32 v9, $0x1  }
0x221: {  	v4 =	vor.u32 v3, v4;
	v11 =	vand.u32 $0x78, v10;
	v61 =	vand.u32 $0x6, v10  }
0x222: {  	v1 =	vor.u32 v1, v11;
	v7 =	vmul.f32 v7, v2;
	v6 =	vmul.f32 v6, v2  }
0x223: {  	v12 =	vor.u32 $0x1, v61;
	v62 =	vor.u32 v61, v1  }
0x224: {  	v1 =	vor.u32 v12, v1;
	v5 =	vmul.f32 v5, v7;
	v8 =	vmul.f32 v8, v6  }
0x225: {  	v6 =	vpack.i.f32.bf16 v6, v7;
	v7 =	vand.u32 $0x7E, v10  }
0x226: {  	v10 =	vor.u32 v11, v12;
	[tilespmem:v4+s18+$0x0] =	vst.idx.msk $0xffff, v6;
	v5 =	vpack.i.f32.bf16 v8, v5  }
0x227: {  	[tilespmem:v4+s19+$0x0] =	vst.idx.msk $0xffff, v5  }
0x228: {  	v4 =	vld.idx.msk [tilespmem:v62+s6+$0x0], $0xffff  }
0x229: {  	v1 =	vld.idx.msk [tilespmem:v1+s6+$0x0], $0xffff  }
0x22a: {  	v5 =	vld.idx.msk [tilespmem:v7+s13+$0x0], $0xffff  }
0x22b: {  	v6 =	vld.idx.msk [tilespmem:v10+s13+$0x0], $0xffff;
	v7 =	vlaneseq.u32  }
0x22c: {  	v8 =	vand.u32 $0x3F, v9;
	v9 =	vor.u32 $0x40, v7  }
0x22d: {  	v8 =	vor.u32 v3, v8;
	v3 =	vadd.s32 v9, v0  }
0x22e: {  	v0 =	vshll.u32 v3, $0x7;
	v4 =	vmul.f32 v4, v2;
	v1 =	vmul.f32 v1, v2  }
0x22f: {  	v9 =	vadd.s32 $0x1, v7;
	v2 =	vor.u32 v0, v7  }
0x230: {  	v9 =	vand.u32 $0x7F, v9;
	v5 =	vmul.f32 v5, v4;
	v6 =	vmul.f32 v6, v1  }
0x231: {  	v1 =	vpack.i.f32.bf16 v1, v4;
	v4 =	vor.u32 v0, v9;
	v9 =	vadd.s32 $0x2, v7  }
0x232: {  	[tilespmem:v8+s18+$0x0] =	vst.idx.msk $0xffff, v1;
	v1 =	vpack.i.f32.bf16 v6, v5;
	v5 =	vand.u32 $0x7F, v9  }
0x233: {  	[tilespmem:v8+s19+$0x0] =	vst.idx.msk $0xffff, v1;
	v1 =	vor.u32 v0, v5;
	v5 =	vadd.s32 $0x3, v7  }
0x234: {  	v2 =	vld.idx.msk [tilespmem:v2+s6+$0x0], $0xffff;
	v5 =	vand.u32 $0x7F, v5  }
0x235: {  	v6 =	vadd.s32 $0x4, v7;
	v5 =	vor.u32 v0, v5  }
0x236: {  	v6 =	vand.u32 $0x7F, v6;
	v4 =	vld.idx.msk [tilespmem:v4+s6+$0x0], $0xffff  }
0x237: {  	v7 =	vor.u32 v0, v6;
	v8 =	vadd.s32 $0x1, v6  }
0x238: {  	v8 =	vand.u32 $0x7F, v8;
	v9 =	vld.idx.msk [tilespmem:v1+s6+$0x0], $0xffff;
	v1 =	vadd.s32 $0x2, v6  }
0x239: {  	v8 =	vor.u32 v0, v8;
	v1 =	vand.u32 $0x7F, v1;
	v2 =	vmul.f32 v2, v2  }
0x23a: {  	v10 =	vimm.f32 $0.0e+00;
	v11 =	vor.u32 v0, v1;
	v63 =	vld.idx.msk [tilespmem:v5+s6+$0x0], $0xffff;
	v1 =	vadd.s32 $0x3, v6  }
0x23b: {  	v4 =	vmul.f32 v4, v4;
	v2 =	vadd.f32 v2, v10;
	v10 =	vand.u32 $0x7F, v1  }
0x23c: {  	v5 =	vld.idx.msk [tilespmem:v7+s6+$0x0], $0xffff;
	v1 =	vadd.s32 $0x4, v6;
	v6 =	vor.u32 v0, v10  }
0x23d: {  	v1 =	vand.u32 $0x7F, v1;
	v4 =	vadd.f32 v4, v2;
	v9 =	vmul.f32 v9, v9  }
0x23e: {  	v10 =	vadd.s32 $0x1, v1;
	v2 =	vld.idx.msk [tilespmem:v8+s6+$0x0], $0xffff;
	v7 =	vor.u32 v0, v1  }
0x23f: {  	v8 =	vand.u32 $0x7F, v10;
	v9 =	vadd.f32 v9, v4;
	v10 =	vmul.f32 v63, v63  }
0x240: {  	s23 =	simm.s32 $0x1D;
	v4 =	vld.idx.msk [tilespmem:v11+s6+$0x0], $0xffff;
	v8 =	vor.u32 v0, v8;
	v11 =	vadd.s32 $0x2, v1  }
.LBB2_19:
0x241: {  	p1 =	sne.s32 s23, $0x1;
	s23 =	sadd.s32 $0xFFFFFFFF, s23;
	v11 =	vand.u32 $0x7F, v11;
	v12 =	vmul.f32 v5, v5;
	v13 =	vld.idx.msk [tilespmem:v6+s6+$0x0], $0xffff;
	v6 =	vadd.f32 v10, v9  }
0x242: {  	v10 =	vadd.s32 $0x3, v1;
	v9 =	vor.u32 v0, v11  }
0x243: {  	v11 =	vmul.f32 v2, v2;
	v5 =	vld.idx.msk [tilespmem:v7+s6+$0x0], $0xffff;
	v7 =	vand.u32 $0x7F, v10;
	v10 =	vadd.f32 v12, v6  }
.Ltmp8:
0x244: {  	v1 =	vadd.s32 $0x4, v1;
	v6 =	vor.u32 v0, v7;
	(pc) =	sbr.rel @p1 .LBB2_19-.Ltmp8, $4  }
0x245: {  	v1 =	vand.u32 $0x7F, v1;
	v2 =	vld.idx.msk [tilespmem:v8+s6+$0x0], $0xffff;
	v8 =	vadd.f32 v11, v10;
	v10 =	vmul.f32 v4, v4  }
0x246: {  	v7 =	vor.u32 v0, v1;
	v4 =	vadd.s32 $0x1, v1  }
0x247: {  	v11 =	vand.u32 $0x7F, v4;
	v4 =	vld.idx.msk [tilespmem:v9+s6+$0x0], $0xffff;
	v9 =	vadd.f32 v10, v8;
	v10 =	vmul.f32 v13, v13  }
0x248: {  	v8 =	vor.u32 v0, v11;
	v11 =	vadd.s32 $0x2, v1  }
0x249: {  	_ =	sdelay $0x2  }
0x24a: {  	v5 =	vmul.f32 v5, v5;
	v9 =	vadd.f32 v10, v9  }
0x24b: {  	v11 =	vand.u32 $0x7F, v11;
	v6 =	vld.idx.msk [tilespmem:v6+s6+$0x0], $0xffff;
	v1 =	vadd.s32 $0x3, v1  }
0x24c: {  	v10 =	vor.u32 v0, v11;
	v2 =	vmul.f32 v2, v2;
	v5 =	vadd.f32 v5, v9  }
0x24d: {  	v7 =	vld.idx.msk [tilespmem:v7+s6+$0x0], $0xffff;
	v1 =	vand.u32 $0x7F, v1  }
0x24e: {  	v1 =	vor.u32 v0, v1;
	v4 =	vmul.f32 v4, v4;
	v2 =	vadd.f32 v2, v5  }
0x24f: {  	v5 =	vld.idx.msk [tilespmem:v8+s6+$0x0], $0xffff  }
0x250: {  	v2 =	vadd.f32 v4, v2;
	v4 =	vmul.f32 v6, v6  }
0x251: {  	v6 =	vld.idx.msk [tilespmem:v10+s6+$0x0], $0xffff  }
0x252: {  	v7 =	vmul.f32 v7, v7;
	v2 =	vadd.f32 v4, v2  }
0x253: {  	v1 =	vld.idx.msk [tilespmem:v1+s6+$0x0], $0xffff  }
0x254: {  	v4 =	vmul.f32 v5, v5;
	v2 =	vadd.f32 v7, v2;
	_ =	sdelay $0x1  }
0x255: {  	v2 =	vadd.f32 v4, v2;
	v4 =	vmul.f32 v6, v6;
	_ =	sdelay $0x1  }
0x256: {  	v1 =	vmul.f32 v1, v1;
	v2 =	vadd.f32 v4, v2;
	_ =	sdelay $0x1  }
0x257: {  	v1 =	vadd.f32 v1, v2;
	_ =	sdelay $0x1  }
0x258: {  	v2 =	vshra.s32 v1, $0x1;
	v1 =	vmul.f32 $5.000000000e-01, v1  }
0x259: {  	v2 =	vsub.s32 $0x5F3759DF, v2  }
0x25a: {  	v4 =	vmul.f32 v2, v1;
	_ =	sdelay $0x1  }
0x25b: {  	v4 =	vmul.f32 v2, v4;
	_ =	sdelay $0x1  }
0x25c: {  	v4 =	vsub.f32 $1.500000000e+00, v4;
	_ =	sdelay $0x1  }
0x25d: {  	v2 =	vmul.f32 v2, v4;
	_ =	sdelay $0x1  }
0x25e: {  	v4 =	vmul.f32 v2, v1;
	_ =	sdelay $0x1  }
0x25f: {  	v4 =	vmul.f32 v4, v2;
	_ =	sdelay $0x1  }
0x260: {  	v4 =	vsub.f32 $1.500000000e+00, v4;
	_ =	sdelay $0x1  }
0x261: {  	v2 =	vmul.f32 v4, v2;
	_ =	sdelay $0x1  }
0x262: {  	v4 =	vmul.f32 v2, v1;
	_ =	sdelay $0x1  }
0x263: {  	v5 =	vlaneseq.u32;
	v4 =	vmul.f32 v4, v2  }
0x264: {  	v6 =	vshll.u32 v5, $0x1  }
0x265: {  	v7 =	vand.u32 $0x78, v6;
	v4 =	vsub.f32 $1.500000000e+00, v4  }
0x266: {  	v8 =	vand.u32 $0x6, v6;
	v9 =	vor.u32 v0, v7  }
0x267: {  	v2 =	vmul.f32 v4, v2;
	v4 =	vor.u32 $0x1, v8;
	v8 =	vor.u32 v8, v9  }
0x268: {  	v9 =	vor.u32 v4, v9;
	_ =	sdelay $0x1  }
0x269: {  	v4 =	vor.u32 v7, v4;
	v1 =	vmul.f32 v2, v1;
	_ =	sdelay $0x1  }
0x26a: {  	v1 =	vmul.f32 v1, v2;
	v7 =	vld.idx.msk [tilespmem:v8+s6+$0x0], $0xffff  }
0x26b: {  	v8 =	vld.idx.msk [tilespmem:v9+s6+$0x0], $0xffff  }
0x26c: {  	v6 =	vld.idx.msk [tilespmem:v6+s13+$0x0], $0xffff;
	v1 =	vsub.f32 $1.500000000e+00, v1  }
0x26d: {  	v4 =	vld.idx.msk [tilespmem:v4+s13+$0x0], $0xffff;
	v9 =	vadd.s32 $0x1, v5  }
0x26e: {  	v1 =	vmul.f32 v1, v2;
	v2 =	vshll.u32 v3, $0x6;
	v3 =	vshll.u32 v9, $0x1  }
0x26f: {  	v10 =	vor.u32 v2, v5;
	v11 =	vand.u32 $0x78, v3;
	v12 =	vand.u32 $0x6, v3  }
0x270: {  	v7 =	vmul.f32 v7, v1;
	v13 =	vor.u32 v0, v11;
	v8 =	vmul.f32 v8, v1  }
0x271: {  	v14 =	vor.u32 v12, v13  }
0x272: {  	v12 =	vor.u32 $0x1, v12;
	v6 =	vmul.f32 v6, v7;
	v4 =	vmul.f32 v4, v8  }
0x273: {  	v13 =	vor.u32 v12, v13;
	v7 =	vpack.i.f32.bf16 v8, v7  }
0x274: {  	[tilespmem:v10+s18+$0x0] =	vst.idx.msk $0xffff, v7;
	v4 =	vpack.i.f32.bf16 v4, v6;
	v6 =	vand.u32 $0x7E, v3  }
0x275: {  	[tilespmem:v10+s19+$0x0] =	vst.idx.msk $0xffff, v4;
	v10 =	vor.u32 v11, v12;
	_ =	sdelay $0x1  }
0x276: {  	v3 =	vadd.s32 $0x2, v5;
	v14 =	vld.idx.msk [tilespmem:v14+s6+$0x0], $0xffff  }
0x277: {  	v3 =	vand.u32 $0x3F, v3;
	v12 =	vld.idx.msk [tilespmem:v13+s6+$0x0], $0xffff  }
0x278: {  	v4 =	vshll.u32 v3, $0x1;
	v8 =	vld.idx.msk [tilespmem:v6+s13+$0x0], $0xffff  }
0x279: {  	v7 =	vand.u32 $0x3F, v9;
	v13 =	vand.u32 $0x78, v4;
	v10 =	vld.idx.msk [tilespmem:v10+s13+$0x0], $0xffff  }
0x27a: {  	v5 =	vand.u32 $0x6, v4;
	v9 =	vor.u32 v0, v13;
	v6 =	vor.u32 v2, v7  }
0x27b: {  	v15 =	vor.u32 $0x1, v5;
	v7 =	vor.u32 v5, v9;
	v11 =	vmul.f32 v14, v1  }
0x27c: {  	s23 =	simm.s32 $0x1E;
	v5 =	vor.u32 v15, v9;
	v9 =	vor.u32 v13, v15;
	v12 =	vmul.f32 v12, v1  }
.LBB2_21:
0x27d: {  	p1 =	sne.s32 s23, $0x1;
	s23 =	sadd.s32 $0xFFFFFFFF, s23;
	v8 =	vmul.f32 v8, v11  }
0x27e: {  	v11 =	vpack.i.f32.bf16 v12, v11;
	v10 =	vmul.f32 v10, v12  }
0x27f: {  	[tilespmem:v6+s18+$0x0] =	vst.idx.msk $0xffff, v11  }
0x280: {  	v8 =	vpack.i.f32.bf16 v10, v8  }
0x281: {  	[tilespmem:v6+s19+$0x0] =	vst.idx.msk $0xffff, v8  }
0x282: {  	v6 =	vld.idx.msk [tilespmem:v7+s6+$0x0], $0xffff  }
0x283: {  	v5 =	vld.idx.msk [tilespmem:v5+s6+$0x0], $0xffff  }
0x284: {  	v7 =	vld.idx.msk [tilespmem:v9+s13+$0x0], $0xffff  }
0x285: {  	v4 =	vld.idx.msk [tilespmem:v4+s13+$0x0], $0xffff  }
0x286: {  	v8 =	vadd.s32 $0x1, v3  }
0x287: {  	v11 =	vand.u32 $0x3F, v8;
	v9 =	vshll.u32 v8, $0x1  }
0x288: {  	v8 =	vor.u32 v2, v3;
	v10 =	vand.u32 $0x78, v9;
	v6 =	vmul.f32 v6, v1  }
0x289: {  	v12 =	vand.u32 $0x6, v9;
	v13 =	vor.u32 v0, v10;
	v5 =	vmul.f32 v5, v1  }
0x28a: {  	v14 =	vor.u32 v12, v13;
	v12 =	vor.u32 $0x1, v12  }
0x28b: {  	v13 =	vor.u32 v12, v13;
	v4 =	vmul.f32 v4, v6;
	v7 =	vmul.f32 v7, v5  }
0x28c: {  	v5 =	vpack.i.f32.bf16 v5, v6;
	v6 =	vand.u32 $0x7E, v9;
	v9 =	vor.u32 v10, v12  }
0x28d: {  	v4 =	vpack.i.f32.bf16 v7, v4;
	[tilespmem:v8+s18+$0x0] =	vst.idx.msk $0xffff, v5  }
0x28e: {  	[tilespmem:v8+s19+$0x0] =	vst.idx.msk $0xffff, v4  }
0x28f: {  	v12 =	vld.idx.msk [tilespmem:v14+s6+$0x0], $0xffff  }
0x290: {  	v3 =	vadd.s32 $0x2, v3;
	v13 =	vld.idx.msk [tilespmem:v13+s6+$0x0], $0xffff  }
0x291: {  	v3 =	vand.u32 $0x3F, v3;
	v8 =	vld.idx.msk [tilespmem:v6+s13+$0x0], $0xffff  }
.Ltmp9:
0x292: {  	v4 =	vshll.u32 v3, $0x1;
	v10 =	vld.idx.msk [tilespmem:v9+s13+$0x0], $0xffff;
	(pc) =	sbr.rel @p1 .LBB2_21-.Ltmp9, $4  }
0x293: {  	v5 =	vand.u32 $0x6, v4;
	v9 =	vand.u32 $0x78, v4  }
0x294: {  	v15 =	vor.u32 $0x1, v5;
	v6 =	vor.u32 v2, v11;
	v14 =	vor.u32 v0, v9  }
0x295: {  	v7 =	vor.u32 v5, v14;
	v5 =	vor.u32 v15, v14;
	v11 =	vmul.f32 v12, v1  }
0x296: {  	v9 =	vor.u32 v9, v15;
	v12 =	vmul.f32 v13, v1  }
0x297: {  	_ =	sdelay $0x1  }
0x298: {  	v8 =	vmul.f32 v8, v11;
	v10 =	vmul.f32 v10, v12  }
0x299: {  	v49 =	vpack.i.f32.bf16 v12, v11  }
0x29a: {  	[tilespmem:v6+s18+$0x0] =	vst.idx.msk $0xffff, v49;
	v8 =	vpack.i.f32.bf16 v10, v8  }
0x29b: {  	[tilespmem:v6+s19+$0x0] =	vst.idx.msk $0xffff, v8  }
0x29c: {  	v6 =	vld.idx.msk [tilespmem:v7+s6+$0x0], $0xffff  }
0x29d: {  	v5 =	vld.idx.msk [tilespmem:v5+s6+$0x0], $0xffff  }
0x29e: {  	v50 =	vld.idx.msk [tilespmem:v9+s13+$0x0], $0xffff  }
0x29f: {  	v51 =	vadd.s32 $0x1, v3;
	v4 =	vld.idx.msk [tilespmem:v4+s13+$0x0], $0xffff  }
0x2a0: {  	v52 =	vshll.u32 v51, $0x1  }
0x2a1: {  	v53 =	vor.u32 v2, v3;
	v54 =	vand.u32 $0x78, v52;
	v55 =	vand.u32 $0x6, v52  }
0x2a2: {  	v0 =	vor.u32 v0, v54;
	v6 =	vmul.f32 v6, v1;
	v5 =	vmul.f32 v5, v1  }
0x2a3: {  	v11 =	vor.u32 $0x1, v55;
	v56 =	vor.u32 v55, v0  }
0x2a4: {  	v0 =	vor.u32 v11, v0;
	v4 =	vmul.f32 v4, v6;
	v7 =	vmul.f32 v50, v5  }
0x2a5: {  	v57 =	vand.u32 $0x7E, v52;
	v5 =	vpack.i.f32.bf16 v5, v6  }
0x2a6: {  	v58 =	vor.u32 v54, v11;
	[tilespmem:v53+s18+$0x0] =	vst.idx.msk $0xffff, v5;
	v4 =	vpack.i.f32.bf16 v7, v4  }
0x2a7: {  	[tilespmem:v53+s19+$0x0] =	vst.idx.msk $0xffff, v4  }
0x2a8: {  	v3 =	vld.idx.msk [tilespmem:v56+s6+$0x0], $0xffff  }
0x2a9: {  	v0 =	vld.idx.msk [tilespmem:v0+s6+$0x0], $0xffff  }
0x2aa: {  	v4 =	vld.idx.msk [tilespmem:v57+s13+$0x0], $0xffff  }
0x2ab: {  	v5 =	vld.idx.msk [tilespmem:v58+s13+$0x0], $0xffff  }
0x2ac: {  	v59 =	vand.u32 $0x3F, v51  }
0x2ad: {  	v60 =	vor.u32 v2, v59  }
0x2ae: {  	s23 =	sshll.u32 s22, $0x5;
	v3 =	vmul.f32 v3, v1;
	v0 =	vmul.f32 v0, v1  }
0x2af: {  	s24 =	smul.u32 $0x1400, s22;
	s23 =	sor.u32 s5, s23  }
0x2b0: {  	s22 =	sadd.s32 $0x1, s22;
	s23 =	smul.u32 $0x1400, s23;
	v61 =	vmul.f32 v4, v3;
	v62 =	vmul.f32 v5, v0  }
0x2b1: {  	p1 =	sne.s32 s22, s11;
	v0 =	vpack.i.f32.bf16 v0, v3  }
.Ltmp10:
0x2b2: {  	s23 =	sshrl.u32 s23, $0x3;
	[tilespmem:v60+s18+$0x0] =	vst.idx.msk $0xffff, v0;
	v63 =	vpack.i.f32.bf16 v62, v61;
	(pc) =	sbr.rel @p1 .LBB2_2-.Ltmp10, $4  }
0x2b3: {  	s26 =	sadd.s32 $0xA080, s24;
	s25 =	sadd.s32 s3, s23;
	[tilespmem:v60+s19+$0x0] =	vst.idx.msk $0xffff, v63  }
0x2b4: {  	[hbm4b:s25+s6] =	stream.linear.scatter [tilespmem:s26], [sflag:$0x2], $0x1400, $0x38;
	[tilespmem:$0x14080] =	vst v63  }
0x2b5: {  	s24 =	sadd.s32 $0xF080, s24;
	s23 =	sadd.s32 s4, s23  }
0x2b6: {  	[hbm4b:s23+s6] =	stream.linear.scatter [tilespmem:s24], [sflag:$0x2], $0x1400, $0x38;
	[tilespmem:$0x14080] =	vst v63  }
0x2b7: {  	_ =	swait.ge [sflag:s20], $0x1400  }
0x2b8: {  	[sflag:s20] =	ssyncset.done $0x0  }
0x2b9: {  	[sflag:s20] =	ssyncadd.s32 $0xFFFFEC00  }
0x2ba: {  	_ =	swait.ge [sflag:s20], $0x1400  }
0x2bb: {  	[sflag:s20] =	ssyncset.done $0x0  }
0x2bc: {  	[sflag:s20] =	ssyncadd.s32 $0xFFFFEC00  }
0x2bd: {  	_ =	swait.ge [sflag:s20], $0x1400  }
0x2be: {  	[sflag:s20] =	ssyncset.done $0x0  }
0x2bf: {  	[sflag:s20] =	ssyncadd.s32 $0xFFFFEC00  }
0x2c0: {  	_ =	swait.ge [sflag:s20], $0x1400  }
0x2c1: {  	[sflag:s20] =	ssyncset.done $0x0  }
0x2c2: {  	[sflag:s20] =	ssyncadd.s32 $0xFFFFEC00  }
0x2c3: {  	_ =	swait.ge [sflag:s20], $0x1400  }
0x2c4: {  	[sflag:s20] =	ssyncset.done $0x0  }
0x2c5: {  	[sflag:s20] =	ssyncadd.s32 $0xFFFFEC00  }
0x2c6: {  	_ =	swait.ge [sflag:s20], $0x1400  }
0x2c7: {  	[sflag:s20] =	ssyncset.done $0x0  }
0x2c8: {  	s22 =	simm.s32 @!p0 $0x2;
	s21 =	sadd.s32 $0x1, s21;
	[sflag:s20] =	ssyncadd.s32 $0xFFFFEC00  }
0x2c9: {  	p1 =	sne.s32 s21, s12;
	_ =	swait.ge @!p0 [sflag:s22], $0x1400  }
.Ltmp11:
0x2ca: {  	[sflag:s22] =	ssyncset.done @!p0 $0x0;
	(pc) =	sbr.rel @p1 .LBB2_1-.Ltmp11, $4  }
0x2cb: {  	[sflag:s22] =	ssyncadd.s32 @!p0 $0xFFFFEC00  }
0x2cc: {  	_ =	swait.ge @!p0 [sflag:s22], $0x1400  }
0x2cd: {  	[sflag:s22] =	ssyncset.done @!p0 $0x0  }
0x2ce: {  	[sflag:s22] =	ssyncadd.s32 @!p0 $0xFFFFEC00  }
0x2cf: {  	_ =	sfence.sel $0x180000  }
0x2d0: {  	[bflag:$0x0] =	sbarrier.arrive $0xFFFF  }
0x2d1: {  	p0 =	sne.s32 s0, $0x0;
	_ =	strace $0x90000047  }
0x2d2: {  	s0 =	sadd.s32 @!p0 $0x100000, s2;
	[bflag:$0x2] =	sbarrier.arrive $0xFFFF  }
0x2d3: {  	[sflag:s0] =	ssyncadd.tile.s32 @!p0 $0x1;
	_ =	shalt  }
.Lfunc_end2:
_tile_overlayer_lowered:
.L_overlay_start_2:
0x2d4: {  	(tag) =	ssettag $0x2  }
0x2d5: {  	s0 =	rddreg [dreg:$0x0];
	s2 =	stileid.u32  }
0x2d6: {  	s1 =	rddreg [dreg:$0x1];
	p0 =	sne.s32 s2, $0x0  }
0x2d7: {  	s3 =	rddreg [dreg:$0x2];
	[bflag:$0x3] =	sbarrier.arrive $0xFFFF;
	s2 =	simm.s32 @!p0 $0x1C03  }
0x2d8: {  	[timem:s3], [sflag:s2] =	dma.local @!p0 [hbm:s0], s1  }
0x2d9: {  	s0 =	simm.s32 @!p0 $0x3  }
0x2da: {  	_ =	swait.ge @!p0 [sflag:s0], s1  }
0x2db: {  	s1 =	ssub.s32 @!p0 $0x0, s1;
	[sflag:s0] =	ssyncset.done @!p0 $0x0  }
0x2dc: {  	[sflag:s0] =	ssyncadd.s32 @!p0 s1  }
0x2dd: {  	[bflag:$0x3] =	sbarrier.arrive $0xFFFF  }
0x2de: {  	_ =	shalt  }

</sc_bundles>
